<compile_context>
chip_gen: v7x
topology: tpu7x:2x2x1
jax: 0.10.2.dev20260603
libtpu: 0.0.44.dev20260713+nightly
codegen_flags: <defaults>
</compile_context>

<pallas_src>
import jax
import jax.numpy as jnp
from jax import lax
from jax.experimental import pallas as pl
from jax.experimental.pallas import tpu as pltpu
from jax.experimental.pallas import tpu_sc as plsc

B, N, C, K = 8, 2048, 256, 1024
BLK = 256
NW = 32
RPW = (B * K) // NW


def _topk_body(nodes_ref, w_ref, b_ref, idx_ref):
    f32 = jnp.float32
    nodes = nodes_ref[0]
    w = w_ref[...]
    bias = b_ref[0, 0]
    a_col = jnp.dot(nodes, w, preferred_element_type=f32) + bias

    NB = N // BLK
    a_row = jnp.transpose(a_col)
    acs = [a_col[ib * BLK:(ib + 1) * BLK, :] for ib in range(NB)]
    rows = [a_row[:, ib * BLK:(ib + 1) * BLK] for ib in range(NB)]

    ones_col = jnp.ones((BLK, 1), f32)
    upper = (lax.broadcasted_iota(jnp.int32, (BLK, BLK), 1) >
             lax.broadcasted_iota(jnp.int32, (BLK, BLK), 0))
    T = []
    U_row = jnp.zeros((1, N), f32)
    for ib in range(NB):
        ai = acs[ib]
        dF = jnp.where((rows[ib] > ai) & upper, f32(1), f32(0))
        t = lax.dot_general(dF, ones_col, (((1,), (0,)), ((), ())),
                            preferred_element_type=f32)
        u = lax.dot_general(ones_col, dF, (((0,), (0,)), ((), ())),
                            preferred_element_type=f32)
        parts = [u]
        if ib + 1 < NB:
            ar = a_row[:, (ib + 1) * BLK:]
            wu = N - (ib + 1) * BLK
            xF = jnp.where(ar > ai, f32(1), f32(0))
            t = t + lax.dot_general(xF, jnp.ones((wu, 1), f32),
                                    (((1,), (0,)), ((), ())),
                                    preferred_element_type=f32)
            parts.append(lax.dot_general(ones_col, xF, (((0,), (0,)), ((), ())),
                                         preferred_element_type=f32))
        if ib > 0:
            parts.insert(0, jnp.zeros((1, ib * BLK), f32))
        U_row = U_row + jnp.concatenate(parts, axis=1)
        T.append(t)

    U_col = jnp.transpose(U_row)
    iif = lax.broadcasted_iota(jnp.int32, (N, 1), 0).astype(f32)
    rank_full = jnp.concatenate(T, axis=0) + iif - U_col

    p_rowF = lax.broadcasted_iota(jnp.int32, (1, K), 1).astype(f32)
    jidsF = lax.broadcasted_iota(jnp.int32, (N, 1), 0).astype(f32)
    picked = jnp.where(rank_full == p_rowF, jidsF, f32(0))
    idxF = jnp.sum(picked, axis=0, keepdims=True)
    idx_ref[0] = idxF.astype(jnp.int32)


_topk = pl.pallas_call(
    _topk_body,
    grid=(B,),
    in_specs=[pl.BlockSpec((1, N, C), lambda i: (i, 0, 0)),
              pl.BlockSpec((C, 1), lambda i: (0, 0)),
              pl.BlockSpec((1, 1), lambda i: (0, 0))],
    out_specs=pl.BlockSpec((1, 1, K), lambda i: (i, 0, 0)),
    out_shape=jax.ShapeDtypeStruct((B, 1, K), jnp.int32),
)


CH = 16
NCH = RPW // CH


NH = RPW // 2


def _sc_gather_body(idx_hbm, nodes_hbm, adj_hbm, nodes_out, adj_out,
                    idxv, gidx, nidx, nbuf, abuf0, abuf1,
                    nsem, nwsem, asem0, asem1):
    wid = lax.axis_index("s") * 2 + lax.axis_index("c")
    base = wid * RPW
    pltpu.sync_copy(idx_hbm.at[pl.ds(base, RPW)], idxv)
    g = wid // (K // RPW)
    per = CH // 16
    nper = NH // 16
    for i in range(RPW // 16):
        v = idxv[pl.ds(i * 16, 16)] + g * N
        gidx[i // per, pl.ds((i % per) * 16, 16)] = v
        nidx[i // nper, pl.ds((i % nper) * 16, 16)] = v
    abufs = (abuf0, abuf1)
    asems = (asem0, asem1)
    ncp = pltpu.async_copy(nodes_hbm.at[nidx.at[0]], nbuf, nsem)
    nwr = None
    acps = {0: pltpu.async_copy(adj_hbm.at[gidx.at[0], pl.ds(0, K)],
                                abuf0, asem0)}
    for c in range(NCH):
        if c + 1 < NCH:
            acps[c + 1] = pltpu.async_copy(
                adj_hbm.at[gidx.at[c + 1], pl.ds(0, K)],
                abufs[(c + 1) % 2], asems[(c + 1) % 2])
        if c == 2:
            ncp.wait()
            nwr = pltpu.async_copy(nbuf, nodes_out.at[pl.ds(base, NH)], nwsem)
        elif c == 4:
            nwr.wait()
            ncp = pltpu.async_copy(nodes_hbm.at[nidx.at[1]], nbuf, nsem)
        elif c == 6:
            ncp.wait()
            nwr = pltpu.async_copy(nbuf, nodes_out.at[pl.ds(base + NH, NH)],
                                   nwsem)
        acps[c].wait()
        pltpu.sync_copy(abufs[c % 2], adj_out.at[pl.ds(base + c * CH, CH)])
    nwr.wait()


def _sc_gather(idx_flat, nodes_flat, adj_flat):
    mesh = plsc.VectorSubcoreMesh(core_axis_name="c", subcore_axis_name="s")
    kern = pl.kernel(
        _sc_gather_body,
        out_type=[jax.ShapeDtypeStruct((B * K, C), jnp.float32),
                  jax.ShapeDtypeStruct((B * K, K), jnp.float32)],
        mesh=mesh,
        scratch_types=[pltpu.VMEM((RPW,), jnp.int32),
                       pltpu.VMEM((NCH, CH), jnp.int32),
                       pltpu.VMEM((2, NH), jnp.int32),
                       pltpu.VMEM((NH, C), jnp.float32),
                       pltpu.VMEM((CH, K), jnp.float32),
                       pltpu.VMEM((CH, K), jnp.float32),
                       pltpu.SemaphoreType.DMA,
                       pltpu.SemaphoreType.DMA,
                       pltpu.SemaphoreType.DMA,
                       pltpu.SemaphoreType.DMA],
    )
    return kern(idx_flat, nodes_flat, adj_flat)


def kernel(nodes, adj_mat, W, b):
    idx3 = _topk(nodes, W, b.reshape(1, 1))
    idx_flat = idx3.reshape(B * K)
    nodes_flat = nodes.reshape(B * N, C)
    adj_flat = adj_mat.reshape(B * N, 2 * K)
    nodes_out, adj_out = _sc_gather(idx_flat, nodes_flat, adj_flat)
    return nodes_out.reshape(B, K, C), adj_out.reshape(B, K, K)

# --- scband reference (transcript-rebuilt; emitter-appended) ---
"""Pipeline reference for scband-sag-pool-17179869620 (READ-ONLY COPY).

The authoritative reference and input builder live on the scoring server;
editing this copy changes nothing except your own understanding.
"""

import jax, jax.numpy as jnp
import numpy as np

B, N, C = 8, 2048, 256
RATIO = 0.5


def setup_inputs(seed: int = 0) -> dict:
    key = jax.random.key(seed)
    k1, k2, k3 = jax.random.split(key, 3)
    nodes = jax.random.normal(k1, (B, N, C), dtype=jnp.float32)
    adj_mat = jax.random.uniform(k2, (B, N, N), dtype=jnp.float32)
    # nn.Linear(in_channels, 1): weight [1, C], bias [1]; store as W [C, 1]
    W = jax.random.normal(k3, (C, 1), dtype=jnp.float32) * (1.0 / np.sqrt(C))
    b = jnp.zeros((1,), dtype=jnp.float32)
    return {"nodes": nodes, "adj_mat": adj_mat, "W": W, "b": b}


def reference(nodes, adj_mat, W, b):
    num_nodes = nodes.shape[1]
    # attn_weights = self.linear(nodes).squeeze(-1)  (note: Tanh is defined but never applied in forward)
    attn_weights = (nodes @ W + b)[..., 0]  # [B, N]
    k = int(num_nodes * RATIO)
    # torch.topk(largest=True, sorted=False): set of top-k indices; lax.top_k returns them sorted,
    # which is a valid ordering of the same top-k set.
    _, idx = jax.lax.top_k(attn_weights, k)  # [B, k]
    # nodes.gather(dim=1, idx expanded over feature dim)
    nodes_out = jnp.take_along_axis(nodes, idx[:, :, None], axis=1)  # [B, k, C]
    # adj_mat.gather(dim=1, index=idx.unsqueeze(-1).expand(-1,-1,k)) selects
    # adj_mat[b, idx[b,i], j] for j in range(k) -> slice first k columns then gather rows
    adj_out = jnp.take_along_axis(adj_mat[:, :, :k], idx[:, :, None], axis=1)  # [B, k, k]
    return (nodes_out, adj_out)

if __name__ == "__main__":
    import jax
    _d = setup_inputs()
    print(jax.jit(kernel)(*tuple(_d.values())))

</pallas_src>

<mosaic_0001>
#map = affine_map<(d0, d1) -> (0)>
#map1 = affine_map<(d0, d1) -> (0, 0)>
module attributes {stable_mosaic.version = 14 : i64} {
  func.func @_sc_gather_body(%arg0: i32, %arg1: i32, %arg2: memref<8192xi32, #tpu.memory_space<hbm>>, %arg3: memref<16384x256xf32, #tpu.memory_space<hbm>>, %arg4: memref<16384x2048xf32, #tpu.memory_space<hbm>>, %arg5: memref<8192x256xf32, #tpu.memory_space<hbm>>, %arg6: memref<8192x1024xf32, #tpu.memory_space<hbm>>, %arg7: memref<256xi32, #tpu.memory_space<vmem>>, %arg8: memref<16x16xi32, #tpu.memory_space<vmem>>, %arg9: memref<2x128xi32, #tpu.memory_space<vmem>>, %arg10: memref<128x256xf32, #tpu.memory_space<vmem>>, %arg11: memref<16x1024xf32, #tpu.memory_space<vmem>>, %arg12: memref<16x1024xf32, #tpu.memory_space<vmem>>, %arg13: memref<!tpu.dma_semaphore, #tpu.memory_space<semaphore_mem>>, %arg14: memref<!tpu.dma_semaphore, #tpu.memory_space<semaphore_mem>>, %arg15: memref<!tpu.dma_semaphore, #tpu.memory_space<semaphore_mem>>, %arg16: memref<!tpu.dma_semaphore, #tpu.memory_space<semaphore_mem>>) attributes {dimension_semantics = [#tpu.dimension_semantics<core_parallel>, #tpu.dimension_semantics<subcore_parallel>], iteration_bounds = array<i64: 2, 16>, scalar_prefetch = 0 : i64, scratch_operands = 10 : i64, tpu.core_type = #tpu.core_type<sc_vector_subcore>, window_params = [{transform_indices = #map}, {transform_indices = #map1}, {transform_indices = #map1}, {transform_indices = #map1}, {transform_indices = #map1}]} {
    %mul3A = arith.constant 2 : i32
    %mul3A_0 = arith.muli %arg1, %mul3A : i32
    %add3A = arith.addi %mul3A_0, %arg0 : i32
    %mul3A_1 = arith.constant 256 : i32
    %mul3A_2 = arith.muli %add3A, %mul3A_1 : i32
    "tpu.region"() ({
      %run_scoped3A = tpu.sem_alloc : memref<!tpu.dma_semaphore, #tpu.memory_space<semaphore_mem>>
      %dma_start3A_621 = tpu.memref_slice %arg2[%mul3A_2] : memref<8192xi32, #tpu.memory_space<hbm>> -> memref<256xi32, #tpu.memory_space<hbm>>
      %dma_start3A_622 = tpu.memref_slice %arg2[%mul3A_2] : memref<8192xi32, #tpu.memory_space<hbm>> -> memref<256xi32, #tpu.memory_space<hbm>>
      tpu.enqueue_dma source(%dma_start3A_622 : memref<256xi32, #tpu.memory_space<hbm>>) target(%arg7 : memref<256xi32, #tpu.memory_space<vmem>>) target_semaphore(%run_scoped3A : memref<!tpu.dma_semaphore, #tpu.memory_space<semaphore_mem>>)
      %dma_wait3A_623 = tpu.memref_slice %arg2[%mul3A_2] : memref<8192xi32, #tpu.memory_space<hbm>> -> memref<256xi32, #tpu.memory_space<hbm>>
      %dma_wait3A_624 = tpu.memref_slice %arg2[%mul3A_2] : memref<8192xi32, #tpu.memory_space<hbm>> -> memref<256xi32, #tpu.memory_space<hbm>>
      tpu.wait_dma2 semaphore(%run_scoped3A : memref<!tpu.dma_semaphore, #tpu.memory_space<semaphore_mem>>) src(%dma_wait3A_624 : memref<256xi32, #tpu.memory_space<hbm>>) dst(%arg7 : memref<256xi32, #tpu.memory_space<vmem>>)
      tpu.yield
    }) : () -> ()
    %jit3A = arith.constant 4 : i32
    %div3A = arith.divsi %add3A, %jit3A : i32
    %sign3A = arith.constant 0 : i32
    %sign3A_3 = arith.cmpi sgt, %add3A, %sign3A : i32
    %sign3A_4 = arith.extui %sign3A_3 : i1 to i32
    %sign3A_5 = arith.constant 0 : i32
    %sign3A_6 = arith.cmpi slt, %add3A, %sign3A_5 : i32
    %sign3A_7 = arith.extui %sign3A_6 : i1 to i32
    %sign3A_8 = arith.subi %sign3A_4, %sign3A_7 : i32
    %sign3A_9 = arith.constant 0 : i32
    %sign3A_10 = arith.cmpi sgt, %jit3A, %sign3A_9 : i32
    %sign3A_11 = arith.extui %sign3A_10 : i1 to i32
    %sign3A_12 = arith.constant 0 : i32
    %sign3A_13 = arith.cmpi slt, %jit3A, %sign3A_12 : i32
    %sign3A_14 = arith.extui %sign3A_13 : i1 to i32
    %sign3A_15 = arith.subi %sign3A_11, %sign3A_14 : i32
    %ne3A = arith.cmpi ne, %sign3A_8, %sign3A_15 : i32
    %rem3A = arith.remsi %add3A, %jit3A : i32
    %ne3A_16 = arith.constant 0 : i32
    %ne3A_17 = arith.cmpi ne, %rem3A, %ne3A_16 : i32
    %and3A = arith.andi %ne3A, %ne3A_17 : i1
    %sub3A = arith.constant 1 : i32
    %sub3A_18 = arith.subi %div3A, %sub3A : i32
    %select_n3A = arith.select %and3A, %sub3A_18, %div3A : i32
    %get3A = arith.constant 0 : index
    %get3A_19 = tpu.vector_load %arg7[%get3A] {strides = array<i32>} : memref<256xi32, #tpu.memory_space<vmem>>, vector<16xi32>,
    %get3A_20 = vector.shape_cast %get3A_19 : vector<16xi32> to vector<16xi32>
    %mul3A_21 = arith.constant 2048 : i32
    %mul3A_22 = arith.muli %select_n3A, %mul3A_21 : i32
    %add3A_23 = vector.broadcast %mul3A_22 : i32 to vector<16xi32>
    %add3A_24 = arith.addi %get3A_20, %add3A_23 : vector<16xi32>
    %swap3A = arith.constant 0 : i32
    %swap3A_25 = arith.index_cast %swap3A : i32 to index
    %swap3A_26 = arith.constant 0 : index
    %swap3A_27 = tpu.vector_load %arg8[%swap3A_25, %swap3A_26] {strides = array<i32>} : memref<16x16xi32, #tpu.memory_space<vmem>>, vector<1x16xi32>,
    %swap3A_28 = vector.shape_cast %swap3A_27 : vector<1x16xi32> to vector<16xi32>
    %swap3A_29 = vector.shape_cast %add3A_24 : vector<16xi32> to vector<1x16xi32>
    tpu.vector_store %arg8[%swap3A_25, %swap3A_26], %swap3A_29 {strides = array<i32>} : memref<16x16xi32, #tpu.memory_space<vmem>>, vector<1x16xi32>,
    %swap3A_30 = arith.constant 0 : i32
    %swap3A_31 = arith.index_cast %swap3A_30 : i32 to index
    %swap3A_32 = arith.constant 0 : index
    %swap3A_33 = tpu.vector_load %arg9[%swap3A_31, %swap3A_32] {strides = array<i32>} : memref<2x128xi32, #tpu.memory_space<vmem>>, vector<1x16xi32>,
    %swap3A_34 = vector.shape_cast %swap3A_33 : vector<1x16xi32> to vector<16xi32>
    %swap3A_35 = vector.shape_cast %add3A_24 : vector<16xi32> to vector<1x16xi32>
    tpu.vector_store %arg9[%swap3A_31, %swap3A_32], %swap3A_35 {strides = array<i32>} : memref<2x128xi32, #tpu.memory_space<vmem>>, vector<1x16xi32>,
    %get3A_36 = arith.constant 16 : index
    %get3A_37 = tpu.vector_load %arg7[%get3A_36] {strides = array<i32>} : memref<256xi32, #tpu.memory_space<vmem>>, vector<16xi32>,
    %get3A_38 = vector.shape_cast %get3A_37 : vector<16xi32> to vector<16xi32>
    %mul3A_39 = arith.constant 2048 : i32
    %mul3A_40 = arith.muli %select_n3A, %mul3A_39 : i32
    %add3A_41 = vector.broadcast %mul3A_40 : i32 to vector<16xi32>
    %add3A_42 = arith.addi %get3A_38, %add3A_41 : vector<16xi32>
    %swap3A_43 = arith.constant 1 : i32
    %swap3A_44 = arith.index_cast %swap3A_43 : i32 to index
    %swap3A_45 = arith.constant 0 : index
    %swap3A_46 = tpu.vector_load %arg8[%swap3A_44, %swap3A_45] {strides = array<i32>} : memref<16x16xi32, #tpu.memory_space<vmem>>, vector<1x16xi32>,
    %swap3A_47 = vector.shape_cast %swap3A_46 : vector<1x16xi32> to vector<16xi32>
    %swap3A_48 = vector.shape_cast %add3A_42 : vector<16xi32> to vector<1x16xi32>
    tpu.vector_store %arg8[%swap3A_44, %swap3A_45], %swap3A_48 {strides = array<i32>} : memref<16x16xi32, #tpu.memory_space<vmem>>, vector<1x16xi32>,
    %swap3A_49 = arith.constant 0 : i32
    %swap3A_50 = arith.index_cast %swap3A_49 : i32 to index
    %swap3A_51 = arith.constant 16 : index
    %swap3A_52 = tpu.vector_load %arg9[%swap3A_50, %swap3A_51] {strides = array<i32>} : memref<2x128xi32, #tpu.memory_space<vmem>>, vector<1x16xi32>,
    %swap3A_53 = vector.shape_cast %swap3A_52 : vector<1x16xi32> to vector<16xi32>
    %swap3A_54 = vector.shape_cast %add3A_42 : vector<16xi32> to vector<1x16xi32>
    tpu.vector_store %arg9[%swap3A_50, %swap3A_51], %swap3A_54 {strides = array<i32>} : memref<2x128xi32, #tpu.memory_space<vmem>>, vector<1x16xi32>,
    %get3A_55 = arith.constant 32 : index
    %get3A_56 = tpu.vector_load %arg7[%get3A_55] {strides = array<i32>} : memref<256xi32, #tpu.memory_space<vmem>>, vector<16xi32>,
    %get3A_57 = vector.shape_cast %get3A_56 : vector<16xi32> to vector<16xi32>
    %mul3A_58 = arith.constant 2048 : i32
    %mul3A_59 = arith.muli %select_n3A, %mul3A_58 : i32
    %add3A_60 = vector.broadcast %mul3A_59 : i32 to vector<16xi32>
    %add3A_61 = arith.addi %get3A_57, %add3A_60 : vector<16xi32>
    %swap3A_62 = arith.constant 2 : i32
    %swap3A_63 = arith.index_cast %swap3A_62 : i32 to index
    %swap3A_64 = arith.constant 0 : index
    %swap3A_65 = tpu.vector_load %arg8[%swap3A_63, %swap3A_64] {strides = array<i32>} : memref<16x16xi32, #tpu.memory_space<vmem>>, vector<1x16xi32>,
    %swap3A_66 = vector.shape_cast %swap3A_65 : vector<1x16xi32> to vector<16xi32>
    %swap3A_67 = vector.shape_cast %add3A_61 : vector<16xi32> to vector<1x16xi32>
    tpu.vector_store %arg8[%swap3A_63, %swap3A_64], %swap3A_67 {strides = array<i32>} : memref<16x16xi32, #tpu.memory_space<vmem>>, vector<1x16xi32>,
    %swap3A_68 = arith.constant 0 : i32
    %swap3A_69 = arith.index_cast %swap3A_68 : i32 to index
    %swap3A_70 = arith.constant 32 : index
    %swap3A_71 = tpu.vector_load %arg9[%swap3A_69, %swap3A_70] {strides = array<i32>} : memref<2x128xi32, #tpu.memory_space<vmem>>, vector<1x16xi32>,
    %swap3A_72 = vector.shape_cast %swap3A_71 : vector<1x16xi32> to vector<16xi32>
    %swap3A_73 = vector.shape_cast %add3A_61 : vector<16xi32> to vector<1x16xi32>
    tpu.vector_store %arg9[%swap3A_69, %swap3A_70], %swap3A_73 {strides = array<i32>} : memref<2x128xi32, #tpu.memory_space<vmem>>, vector<1x16xi32>,
    %get3A_74 = arith.constant 48 : index
    %get3A_75 = tpu.vector_load %arg7[%get3A_74] {strides = array<i32>} : memref<256xi32, #tpu.memory_space<vmem>>, vector<16xi32>,
    %get3A_76 = vector.shape_cast %get3A_75 : vector<16xi32> to vector<16xi32>
    %mul3A_77 = arith.constant 2048 : i32
    %mul3A_78 = arith.muli %select_n3A, %mul3A_77 : i32
    %add3A_79 = vector.broadcast %mul3A_78 : i32 to vector<16xi32>
    %add3A_80 = arith.addi %get3A_76, %add3A_79 : vector<16xi32>
    %swap3A_81 = arith.constant 3 : i32
    %swap3A_82 = arith.index_cast %swap3A_81 : i32 to index
    %swap3A_83 = arith.constant 0 : index
    %swap3A_84 = tpu.vector_load %arg8[%swap3A_82, %swap3A_83] {strides = array<i32>} : memref<16x16xi32, #tpu.memory_space<vmem>>, vector<1x16xi32>,
    %swap3A_85 = vector.shape_cast %swap3A_84 : vector<1x16xi32> to vector<16xi32>
    %swap3A_86 = vector.shape_cast %add3A_80 : vector<16xi32> to vector<1x16xi32>
    tpu.vector_store %arg8[%swap3A_82, %swap3A_83], %swap3A_86 {strides = array<i32>} : memref<16x16xi32, #tpu.memory_space<vmem>>, vector<1x16xi32>,
    %swap3A_87 = arith.constant 0 : i32
    %swap3A_88 = arith.index_cast %swap3A_87 : i32 to index
    %swap3A_89 = arith.constant 48 : index
    %swap3A_90 = tpu.vector_load %arg9[%swap3A_88, %swap3A_89] {strides = array<i32>} : memref<2x128xi32, #tpu.memory_space<vmem>>, vector<1x16xi32>,
    %swap3A_91 = vector.shape_cast %swap3A_90 : vector<1x16xi32> to vector<16xi32>
    %swap3A_92 = vector.shape_cast %add3A_80 : vector<16xi32> to vector<1x16xi32>
    tpu.vector_store %arg9[%swap3A_88, %swap3A_89], %swap3A_92 {strides = array<i32>} : memref<2x128xi32, #tpu.memory_space<vmem>>, vector<1x16xi32>,
    %get3A_93 = arith.constant 64 : index
    %get3A_94 = tpu.vector_load %arg7[%get3A_93] {strides = array<i32>} : memref<256xi32, #tpu.memory_space<vmem>>, vector<16xi32>,
    %get3A_95 = vector.shape_cast %get3A_94 : vector<16xi32> to vector<16xi32>
    %mul3A_96 = arith.constant 2048 : i32
    %mul3A_97 = arith.muli %select_n3A, %mul3A_96 : i32
    %add3A_98 = vector.broadcast %mul3A_97 : i32 to vector<16xi32>
    %add3A_99 = arith.addi %get3A_95, %add3A_98 : vector<16xi32>
    %swap3A_100 = arith.constant 4 : i32
    %swap3A_101 = arith.index_cast %swap3A_100 : i32 to index
    %swap3A_102 = arith.constant 0 : index
    %swap3A_103 = tpu.vector_load %arg8[%swap3A_101, %swap3A_102] {strides = array<i32>} : memref<16x16xi32, #tpu.memory_space<vmem>>, vector<1x16xi32>,
    %swap3A_104 = vector.shape_cast %swap3A_103 : vector<1x16xi32> to vector<16xi32>
    %swap3A_105 = vector.shape_cast %add3A_99 : vector<16xi32> to vector<1x16xi32>
    tpu.vector_store %arg8[%swap3A_101, %swap3A_102], %swap3A_105 {strides = array<i32>} : memref<16x16xi32, #tpu.memory_space<vmem>>, vector<1x16xi32>,
    %swap3A_106 = arith.constant 0 : i32
    %swap3A_107 = arith.index_cast %swap3A_106 : i32 to index
    %swap3A_108 = arith.constant 64 : index
    %swap3A_109 = tpu.vector_load %arg9[%swap3A_107, %swap3A_108] {strides = array<i32>} : memref<2x128xi32, #tpu.memory_space<vmem>>, vector<1x16xi32>,
    %swap3A_110 = vector.shape_cast %swap3A_109 : vector<1x16xi32> to vector<16xi32>
    %swap3A_111 = vector.shape_cast %add3A_99 : vector<16xi32> to vector<1x16xi32>
    tpu.vector_store %arg9[%swap3A_107, %swap3A_108], %swap3A_111 {strides = array<i32>} : memref<2x128xi32, #tpu.memory_space<vmem>>, vector<1x16xi32>,
    %get3A_112 = arith.constant 80 : index
    %get3A_113 = tpu.vector_load %arg7[%get3A_112] {strides = array<i32>} : memref<256xi32, #tpu.memory_space<vmem>>, vector<16xi32>,
    %get3A_114 = vector.shape_cast %get3A_113 : vector<16xi32> to vector<16xi32>
    %mul3A_115 = arith.constant 2048 : i32
    %mul3A_116 = arith.muli %select_n3A, %mul3A_115 : i32
    %add3A_117 = vector.broadcast %mul3A_116 : i32 to vector<16xi32>
    %add3A_118 = arith.addi %get3A_114, %add3A_117 : vector<16xi32>
    %swap3A_119 = arith.constant 5 : i32
    %swap3A_120 = arith.index_cast %swap3A_119 : i32 to index
    %swap3A_121 = arith.constant 0 : index
    %swap3A_122 = tpu.vector_load %arg8[%swap3A_120, %swap3A_121] {strides = array<i32>} : memref<16x16xi32, #tpu.memory_space<vmem>>, vector<1x16xi32>,
    %swap3A_123 = vector.shape_cast %swap3A_122 : vector<1x16xi32> to vector<16xi32>
    %swap3A_124 = vector.shape_cast %add3A_118 : vector<16xi32> to vector<1x16xi32>
    tpu.vector_store %arg8[%swap3A_120, %swap3A_121], %swap3A_124 {strides = array<i32>} : memref<16x16xi32, #tpu.memory_space<vmem>>, vector<1x16xi32>,
    %swap3A_125 = arith.constant 0 : i32
    %swap3A_126 = arith.index_cast %swap3A_125 : i32 to index
    %swap3A_127 = arith.constant 80 : index
    %swap3A_128 = tpu.vector_load %arg9[%swap3A_126, %swap3A_127] {strides = array<i32>} : memref<2x128xi32, #tpu.memory_space<vmem>>, vector<1x16xi32>,
    %swap3A_129 = vector.shape_cast %swap3A_128 : vector<1x16xi32> to vector<16xi32>
    %swap3A_130 = vector.shape_cast %add3A_118 : vector<16xi32> to vector<1x16xi32>
    tpu.vector_store %arg9[%swap3A_126, %swap3A_127], %swap3A_130 {strides = array<i32>} : memref<2x128xi32, #tpu.memory_space<vmem>>, vector<1x16xi32>,
    %get3A_131 = arith.constant 96 : index
    %get3A_132 = tpu.vector_load %arg7[%get3A_131] {strides = array<i32>} : memref<256xi32, #tpu.memory_space<vmem>>, vector<16xi32>,
    %get3A_133 = vector.shape_cast %get3A_132 : vector<16xi32> to vector<16xi32>
    %mul3A_134 = arith.constant 2048 : i32
    %mul3A_135 = arith.muli %select_n3A, %mul3A_134 : i32
    %add3A_136 = vector.broadcast %mul3A_135 : i32 to vector<16xi32>
    %add3A_137 = arith.addi %get3A_133, %add3A_136 : vector<16xi32>
    %swap3A_138 = arith.constant 6 : i32
    %swap3A_139 = arith.index_cast %swap3A_138 : i32 to index
    %swap3A_140 = arith.constant 0 : index
    %swap3A_141 = tpu.vector_load %arg8[%swap3A_139, %swap3A_140] {strides = array<i32>} : memref<16x16xi32, #tpu.memory_space<vmem>>, vector<1x16xi32>,
    %swap3A_142 = vector.shape_cast %swap3A_141 : vector<1x16xi32> to vector<16xi32>
    %swap3A_143 = vector.shape_cast %add3A_137 : vector<16xi32> to vector<1x16xi32>
    tpu.vector_store %arg8[%swap3A_139, %swap3A_140], %swap3A_143 {strides = array<i32>} : memref<16x16xi32, #tpu.memory_space<vmem>>, vector<1x16xi32>,
    %swap3A_144 = arith.constant 0 : i32
    %swap3A_145 = arith.index_cast %swap3A_144 : i32 to index
    %swap3A_146 = arith.constant 96 : index
    %swap3A_147 = tpu.vector_load %arg9[%swap3A_145, %swap3A_146] {strides = array<i32>} : memref<2x128xi32, #tpu.memory_space<vmem>>, vector<1x16xi32>,
    %swap3A_148 = vector.shape_cast %swap3A_147 : vector<1x16xi32> to vector<16xi32>
    %swap3A_149 = vector.shape_cast %add3A_137 : vector<16xi32> to vector<1x16xi32>
    tpu.vector_store %arg9[%swap3A_145, %swap3A_146], %swap3A_149 {strides = array<i32>} : memref<2x128xi32, #tpu.memory_space<vmem>>, vector<1x16xi32>,
    %get3A_150 = arith.constant 112 : index
    %get3A_151 = tpu.vector_load %arg7[%get3A_150] {strides = array<i32>} : memref<256xi32, #tpu.memory_space<vmem>>, vector<16xi32>,
    %get3A_152 = vector.shape_cast %get3A_151 : vector<16xi32> to vector<16xi32>
    %mul3A_153 = arith.constant 2048 : i32
    %mul3A_154 = arith.muli %select_n3A, %mul3A_153 : i32
    %add3A_155 = vector.broadcast %mul3A_154 : i32 to vector<16xi32>
    %add3A_156 = arith.addi %get3A_152, %add3A_155 : vector<16xi32>
    %swap3A_157 = arith.constant 7 : i32
    %swap3A_158 = arith.index_cast %swap3A_157 : i32 to index
    %swap3A_159 = arith.constant 0 : index
    %swap3A_160 = tpu.vector_load %arg8[%swap3A_158, %swap3A_159] {strides = array<i32>} : memref<16x16xi32, #tpu.memory_space<vmem>>, vector<1x16xi32>,
    %swap3A_161 = vector.shape_cast %swap3A_160 : vector<1x16xi32> to vector<16xi32>
    %swap3A_162 = vector.shape_cast %add3A_156 : vector<16xi32> to vector<1x16xi32>
    tpu.vector_store %arg8[%swap3A_158, %swap3A_159], %swap3A_162 {strides = array<i32>} : memref<16x16xi32, #tpu.memory_space<vmem>>, vector<1x16xi32>,
    %swap3A_163 = arith.constant 0 : i32
    %swap3A_164 = arith.index_cast %swap3A_163 : i32 to index
    %swap3A_165 = arith.constant 112 : index
    %swap3A_166 = tpu.vector_load %arg9[%swap3A_164, %swap3A_165] {strides = array<i32>} : memref<2x128xi32, #tpu.memory_space<vmem>>, vector<1x16xi32>,
    %swap3A_167 = vector.shape_cast %swap3A_166 : vector<1x16xi32> to vector<16xi32>
    %swap3A_168 = vector.shape_cast %add3A_156 : vector<16xi32> to vector<1x16xi32>
    tpu.vector_store %arg9[%swap3A_164, %swap3A_165], %swap3A_168 {strides = array<i32>} : memref<2x128xi32, #tpu.memory_space<vmem>>, vector<1x16xi32>,
    %get3A_169 = arith.constant 128 : index
    %get3A_170 = tpu.vector_load %arg7[%get3A_169] {strides = array<i32>} : memref<256xi32, #tpu.memory_space<vmem>>, vector<16xi32>,
    %get3A_171 = vector.shape_cast %get3A_170 : vector<16xi32> to vector<16xi32>
    %mul3A_172 = arith.constant 2048 : i32
    %mul3A_173 = arith.muli %select_n3A, %mul3A_172 : i32
    %add3A_174 = vector.broadcast %mul3A_173 : i32 to vector<16xi32>
    %add3A_175 = arith.addi %get3A_171, %add3A_174 : vector<16xi32>
    %swap3A_176 = arith.constant 8 : i32
    %swap3A_177 = arith.index_cast %swap3A_176 : i32 to index
    %swap3A_178 = arith.constant 0 : index
    %swap3A_179 = tpu.vector_load %arg8[%swap3A_177, %swap3A_178] {strides = array<i32>} : memref<16x16xi32, #tpu.memory_space<vmem>>, vector<1x16xi32>,
    %swap3A_180 = vector.shape_cast %swap3A_179 : vector<1x16xi32> to vector<16xi32>
    %swap3A_181 = vector.shape_cast %add3A_175 : vector<16xi32> to vector<1x16xi32>
    tpu.vector_store %arg8[%swap3A_177, %swap3A_178], %swap3A_181 {strides = array<i32>} : memref<16x16xi32, #tpu.memory_space<vmem>>, vector<1x16xi32>,
    %swap3A_182 = arith.constant 1 : i32
    %swap3A_183 = arith.index_cast %swap3A_182 : i32 to index
    %swap3A_184 = arith.constant 0 : index
    %swap3A_185 = tpu.vector_load %arg9[%swap3A_183, %swap3A_184] {strides = array<i32>} : memref<2x128xi32, #tpu.memory_space<vmem>>, vector<1x16xi32>,
    %swap3A_186 = vector.shape_cast %swap3A_185 : vector<1x16xi32> to vector<16xi32>
    %swap3A_187 = vector.shape_cast %add3A_175 : vector<16xi32> to vector<1x16xi32>
    tpu.vector_store %arg9[%swap3A_183, %swap3A_184], %swap3A_187 {strides = array<i32>} : memref<2x128xi32, #tpu.memory_space<vmem>>, vector<1x16xi32>,
    %get3A_188 = arith.constant 144 : index
    %get3A_189 = tpu.vector_load %arg7[%get3A_188] {strides = array<i32>} : memref<256xi32, #tpu.memory_space<vmem>>, vector<16xi32>,
    %get3A_190 = vector.shape_cast %get3A_189 : vector<16xi32> to vector<16xi32>
    %mul3A_191 = arith.constant 2048 : i32
    %mul3A_192 = arith.muli %select_n3A, %mul3A_191 : i32
    %add3A_193 = vector.broadcast %mul3A_192 : i32 to vector<16xi32>
    %add3A_194 = arith.addi %get3A_190, %add3A_193 : vector<16xi32>
    %swap3A_195 = arith.constant 9 : i32
    %swap3A_196 = arith.index_cast %swap3A_195 : i32 to index
    %swap3A_197 = arith.constant 0 : index
    %swap3A_198 = tpu.vector_load %arg8[%swap3A_196, %swap3A_197] {strides = array<i32>} : memref<16x16xi32, #tpu.memory_space<vmem>>, vector<1x16xi32>,
    %swap3A_199 = vector.shape_cast %swap3A_198 : vector<1x16xi32> to vector<16xi32>
    %swap3A_200 = vector.shape_cast %add3A_194 : vector<16xi32> to vector<1x16xi32>
    tpu.vector_store %arg8[%swap3A_196, %swap3A_197], %swap3A_200 {strides = array<i32>} : memref<16x16xi32, #tpu.memory_space<vmem>>, vector<1x16xi32>,
    %swap3A_201 = arith.constant 1 : i32
    %swap3A_202 = arith.index_cast %swap3A_201 : i32 to index
    %swap3A_203 = arith.constant 16 : index
    %swap3A_204 = tpu.vector_load %arg9[%swap3A_202, %swap3A_203] {strides = array<i32>} : memref<2x128xi32, #tpu.memory_space<vmem>>, vector<1x16xi32>,
    %swap3A_205 = vector.shape_cast %swap3A_204 : vector<1x16xi32> to vector<16xi32>
    %swap3A_206 = vector.shape_cast %add3A_194 : vector<16xi32> to vector<1x16xi32>
    tpu.vector_store %arg9[%swap3A_202, %swap3A_203], %swap3A_206 {strides = array<i32>} : memref<2x128xi32, #tpu.memory_space<vmem>>, vector<1x16xi32>,
    %get3A_207 = arith.constant 160 : index
    %get3A_208 = tpu.vector_load %arg7[%get3A_207] {strides = array<i32>} : memref<256xi32, #tpu.memory_space<vmem>>, vector<16xi32>,
    %get3A_209 = vector.shape_cast %get3A_208 : vector<16xi32> to vector<16xi32>
    %mul3A_210 = arith.constant 2048 : i32
    %mul3A_211 = arith.muli %select_n3A, %mul3A_210 : i32
    %add3A_212 = vector.broadcast %mul3A_211 : i32 to vector<16xi32>
    %add3A_213 = arith.addi %get3A_209, %add3A_212 : vector<16xi32>
    %swap3A_214 = arith.constant 10 : i32
    %swap3A_215 = arith.index_cast %swap3A_214 : i32 to index
    %swap3A_216 = arith.constant 0 : index
    %swap3A_217 = tpu.vector_load %arg8[%swap3A_215, %swap3A_216] {strides = array<i32>} : memref<16x16xi32, #tpu.memory_space<vmem>>, vector<1x16xi32>,
    %swap3A_218 = vector.shape_cast %swap3A_217 : vector<1x16xi32> to vector<16xi32>
    %swap3A_219 = vector.shape_cast %add3A_213 : vector<16xi32> to vector<1x16xi32>
    tpu.vector_store %arg8[%swap3A_215, %swap3A_216], %swap3A_219 {strides = array<i32>} : memref<16x16xi32, #tpu.memory_space<vmem>>, vector<1x16xi32>,
    %swap3A_220 = arith.constant 1 : i32
    %swap3A_221 = arith.index_cast %swap3A_220 : i32 to index
    %swap3A_222 = arith.constant 32 : index
    %swap3A_223 = tpu.vector_load %arg9[%swap3A_221, %swap3A_222] {strides = array<i32>} : memref<2x128xi32, #tpu.memory_space<vmem>>, vector<1x16xi32>,
    %swap3A_224 = vector.shape_cast %swap3A_223 : vector<1x16xi32> to vector<16xi32>
    %swap3A_225 = vector.shape_cast %add3A_213 : vector<16xi32> to vector<1x16xi32>
    tpu.vector_store %arg9[%swap3A_221, %swap3A_222], %swap3A_225 {strides = array<i32>} : memref<2x128xi32, #tpu.memory_space<vmem>>, vector<1x16xi32>,
    %get3A_226 = arith.constant 176 : index
    %get3A_227 = tpu.vector_load %arg7[%get3A_226] {strides = array<i32>} : memref<256xi32, #tpu.memory_space<vmem>>, vector<16xi32>,
    %get3A_228 = vector.shape_cast %get3A_227 : vector<16xi32> to vector<16xi32>
    %mul3A_229 = arith.constant 2048 : i32
    %mul3A_230 = arith.muli %select_n3A, %mul3A_229 : i32
    %add3A_231 = vector.broadcast %mul3A_230 : i32 to vector<16xi32>
    %add3A_232 = arith.addi %get3A_228, %add3A_231 : vector<16xi32>
    %swap3A_233 = arith.constant 11 : i32
    %swap3A_234 = arith.index_cast %swap3A_233 : i32 to index
    %swap3A_235 = arith.constant 0 : index
    %swap3A_236 = tpu.vector_load %arg8[%swap3A_234, %swap3A_235] {strides = array<i32>} : memref<16x16xi32, #tpu.memory_space<vmem>>, vector<1x16xi32>,
    %swap3A_237 = vector.shape_cast %swap3A_236 : vector<1x16xi32> to vector<16xi32>
    %swap3A_238 = vector.shape_cast %add3A_232 : vector<16xi32> to vector<1x16xi32>
    tpu.vector_store %arg8[%swap3A_234, %swap3A_235], %swap3A_238 {strides = array<i32>} : memref<16x16xi32, #tpu.memory_space<vmem>>, vector<1x16xi32>,
    %swap3A_239 = arith.constant 1 : i32
    %swap3A_240 = arith.index_cast %swap3A_239 : i32 to index
    %swap3A_241 = arith.constant 48 : index
    %swap3A_242 = tpu.vector_load %arg9[%swap3A_240, %swap3A_241] {strides = array<i32>} : memref<2x128xi32, #tpu.memory_space<vmem>>, vector<1x16xi32>,
    %swap3A_243 = vector.shape_cast %swap3A_242 : vector<1x16xi32> to vector<16xi32>
    %swap3A_244 = vector.shape_cast %add3A_232 : vector<16xi32> to vector<1x16xi32>
    tpu.vector_store %arg9[%swap3A_240, %swap3A_241], %swap3A_244 {strides = array<i32>} : memref<2x128xi32, #tpu.memory_space<vmem>>, vector<1x16xi32>,
    %get3A_245 = arith.constant 192 : index
    %get3A_246 = tpu.vector_load %arg7[%get3A_245] {strides = array<i32>} : memref<256xi32, #tpu.memory_space<vmem>>, vector<16xi32>,
    %get3A_247 = vector.shape_cast %get3A_246 : vector<16xi32> to vector<16xi32>
    %mul3A_248 = arith.constant 2048 : i32
    %mul3A_249 = arith.muli %select_n3A, %mul3A_248 : i32
    %add3A_250 = vector.broadcast %mul3A_249 : i32 to vector<16xi32>
    %add3A_251 = arith.addi %get3A_247, %add3A_250 : vector<16xi32>
    %swap3A_252 = arith.constant 12 : i32
    %swap3A_253 = arith.index_cast %swap3A_252 : i32 to index
    %swap3A_254 = arith.constant 0 : index
    %swap3A_255 = tpu.vector_load %arg8[%swap3A_253, %swap3A_254] {strides = array<i32>} : memref<16x16xi32, #tpu.memory_space<vmem>>, vector<1x16xi32>,
    %swap3A_256 = vector.shape_cast %swap3A_255 : vector<1x16xi32> to vector<16xi32>
    %swap3A_257 = vector.shape_cast %add3A_251 : vector<16xi32> to vector<1x16xi32>
    tpu.vector_store %arg8[%swap3A_253, %swap3A_254], %swap3A_257 {strides = array<i32>} : memref<16x16xi32, #tpu.memory_space<vmem>>, vector<1x16xi32>,
    %swap3A_258 = arith.constant 1 : i32
    %swap3A_259 = arith.index_cast %swap3A_258 : i32 to index
    %swap3A_260 = arith.constant 64 : index
    %swap3A_261 = tpu.vector_load %arg9[%swap3A_259, %swap3A_260] {strides = array<i32>} : memref<2x128xi32, #tpu.memory_space<vmem>>, vector<1x16xi32>,
    %swap3A_262 = vector.shape_cast %swap3A_261 : vector<1x16xi32> to vector<16xi32>
    %swap3A_263 = vector.shape_cast %add3A_251 : vector<16xi32> to vector<1x16xi32>
    tpu.vector_store %arg9[%swap3A_259, %swap3A_260], %swap3A_263 {strides = array<i32>} : memref<2x128xi32, #tpu.memory_space<vmem>>, vector<1x16xi32>,
    %get3A_264 = arith.constant 208 : index
    %get3A_265 = tpu.vector_load %arg7[%get3A_264] {strides = array<i32>} : memref<256xi32, #tpu.memory_space<vmem>>, vector<16xi32>,
    %get3A_266 = vector.shape_cast %get3A_265 : vector<16xi32> to vector<16xi32>
    %mul3A_267 = arith.constant 2048 : i32
    %mul3A_268 = arith.muli %select_n3A, %mul3A_267 : i32
    %add3A_269 = vector.broadcast %mul3A_268 : i32 to vector<16xi32>
    %add3A_270 = arith.addi %get3A_266, %add3A_269 : vector<16xi32>
    %swap3A_271 = arith.constant 13 : i32
    %swap3A_272 = arith.index_cast %swap3A_271 : i32 to index
    %swap3A_273 = arith.constant 0 : index
    %swap3A_274 = tpu.vector_load %arg8[%swap3A_272, %swap3A_273] {strides = array<i32>} : memref<16x16xi32, #tpu.memory_space<vmem>>, vector<1x16xi32>,
    %swap3A_275 = vector.shape_cast %swap3A_274 : vector<1x16xi32> to vector<16xi32>
    %swap3A_276 = vector.shape_cast %add3A_270 : vector<16xi32> to vector<1x16xi32>
    tpu.vector_store %arg8[%swap3A_272, %swap3A_273], %swap3A_276 {strides = array<i32>} : memref<16x16xi32, #tpu.memory_space<vmem>>, vector<1x16xi32>,
    %swap3A_277 = arith.constant 1 : i32
    %swap3A_278 = arith.index_cast %swap3A_277 : i32 to index
    %swap3A_279 = arith.constant 80 : index
    %swap3A_280 = tpu.vector_load %arg9[%swap3A_278, %swap3A_279] {strides = array<i32>} : memref<2x128xi32, #tpu.memory_space<vmem>>, vector<1x16xi32>,
    %swap3A_281 = vector.shape_cast %swap3A_280 : vector<1x16xi32> to vector<16xi32>
    %swap3A_282 = vector.shape_cast %add3A_270 : vector<16xi32> to vector<1x16xi32>
    tpu.vector_store %arg9[%swap3A_278, %swap3A_279], %swap3A_282 {strides = array<i32>} : memref<2x128xi32, #tpu.memory_space<vmem>>, vector<1x16xi32>,
    %get3A_283 = arith.constant 224 : index
    %get3A_284 = tpu.vector_load %arg7[%get3A_283] {strides = array<i32>} : memref<256xi32, #tpu.memory_space<vmem>>, vector<16xi32>,
    %get3A_285 = vector.shape_cast %get3A_284 : vector<16xi32> to vector<16xi32>
    %mul3A_286 = arith.constant 2048 : i32
    %mul3A_287 = arith.muli %select_n3A, %mul3A_286 : i32
    %add3A_288 = vector.broadcast %mul3A_287 : i32 to vector<16xi32>
    %add3A_289 = arith.addi %get3A_285, %add3A_288 : vector<16xi32>
    %swap3A_290 = arith.constant 14 : i32
    %swap3A_291 = arith.index_cast %swap3A_290 : i32 to index
    %swap3A_292 = arith.constant 0 : index
    %swap3A_293 = tpu.vector_load %arg8[%swap3A_291, %swap3A_292] {strides = array<i32>} : memref<16x16xi32, #tpu.memory_space<vmem>>, vector<1x16xi32>,
    %swap3A_294 = vector.shape_cast %swap3A_293 : vector<1x16xi32> to vector<16xi32>
    %swap3A_295 = vector.shape_cast %add3A_289 : vector<16xi32> to vector<1x16xi32>
    tpu.vector_store %arg8[%swap3A_291, %swap3A_292], %swap3A_295 {strides = array<i32>} : memref<16x16xi32, #tpu.memory_space<vmem>>, vector<1x16xi32>,
    %swap3A_296 = arith.constant 1 : i32
    %swap3A_297 = arith.index_cast %swap3A_296 : i32 to index
    %swap3A_298 = arith.constant 96 : index
    %swap3A_299 = tpu.vector_load %arg9[%swap3A_297, %swap3A_298] {strides = array<i32>} : memref<2x128xi32, #tpu.memory_space<vmem>>, vector<1x16xi32>,
    %swap3A_300 = vector.shape_cast %swap3A_299 : vector<1x16xi32> to vector<16xi32>
    %swap3A_301 = vector.shape_cast %add3A_289 : vector<16xi32> to vector<1x16xi32>
    tpu.vector_store %arg9[%swap3A_297, %swap3A_298], %swap3A_301 {strides = array<i32>} : memref<2x128xi32, #tpu.memory_space<vmem>>, vector<1x16xi32>,
    %get3A_302 = arith.constant 240 : index
    %get3A_303 = tpu.vector_load %arg7[%get3A_302] {strides = array<i32>} : memref<256xi32, #tpu.memory_space<vmem>>, vector<16xi32>,
    %get3A_304 = vector.shape_cast %get3A_303 : vector<16xi32> to vector<16xi32>
    %mul3A_305 = arith.constant 2048 : i32
    %mul3A_306 = arith.muli %select_n3A, %mul3A_305 : i32
    %add3A_307 = vector.broadcast %mul3A_306 : i32 to vector<16xi32>
    %add3A_308 = arith.addi %get3A_304, %add3A_307 : vector<16xi32>
    %swap3A_309 = arith.constant 15 : i32
    %swap3A_310 = arith.index_cast %swap3A_309 : i32 to index
    %swap3A_311 = arith.constant 0 : index
    %swap3A_312 = tpu.vector_load %arg8[%swap3A_310, %swap3A_311] {strides = array<i32>} : memref<16x16xi32, #tpu.memory_space<vmem>>, vector<1x16xi32>,
    %swap3A_313 = vector.shape_cast %swap3A_312 : vector<1x16xi32> to vector<16xi32>
    %swap3A_314 = vector.shape_cast %add3A_308 : vector<16xi32> to vector<1x16xi32>
    tpu.vector_store %arg8[%swap3A_310, %swap3A_311], %swap3A_314 {strides = array<i32>} : memref<16x16xi32, #tpu.memory_space<vmem>>, vector<1x16xi32>,
    %swap3A_315 = arith.constant 1 : i32
    %swap3A_316 = arith.index_cast %swap3A_315 : i32 to index
    %swap3A_317 = arith.constant 112 : index
    %swap3A_318 = tpu.vector_load %arg9[%swap3A_316, %swap3A_317] {strides = array<i32>} : memref<2x128xi32, #tpu.memory_space<vmem>>, vector<1x16xi32>,
    %swap3A_319 = vector.shape_cast %swap3A_318 : vector<1x16xi32> to vector<16xi32>
    %swap3A_320 = vector.shape_cast %add3A_308 : vector<16xi32> to vector<1x16xi32>
    tpu.vector_store %arg9[%swap3A_316, %swap3A_317], %swap3A_320 {strides = array<i32>} : memref<2x128xi32, #tpu.memory_space<vmem>>, vector<1x16xi32>,
    %dma_start3A = arith.constant 0 : i32
    %dma_start3A_321 = arith.constant 0 : i32
    %dma_start3A_322 = tpu.memref_slice %arg9[%dma_start3A, %dma_start3A_321] : memref<2x128xi32, #tpu.memory_space<vmem>> -> memref<1x128xi32, #tpu.memory_space<vmem>>
    %dma_start3A_323 = tpu.memref_squeeze %dma_start3A_322 : memref<1x128xi32, #tpu.memory_space<vmem>> -> memref<128xi32, #tpu.memory_space<vmem>>
    %dma_start3A_324 = arith.constant 0 : i32
    %dma_start3A_325 = arith.constant 0 : i32
    %dma_start3A_326 = tpu.memref_slice %arg3[%dma_start3A_324, %dma_start3A_325] : memref<16384x256xf32, #tpu.memory_space<hbm>> -> memref<16384x256xf32, #tpu.memory_space<hbm>>
    tpu.enqueue_indirect_dma source(%dma_start3A_326 : memref<16384x256xf32, #tpu.memory_space<hbm>>) target(%arg10 : memref<128x256xf32, #tpu.memory_space<vmem>>) offsets(%dma_start3A_323 : memref<128xi32, #tpu.memory_space<vmem>>) semaphore(%arg13 : memref<!tpu.dma_semaphore, #tpu.memory_space<semaphore_mem>>)
    %dma_start3A_327 = arith.constant 0 : i32
    %dma_start3A_328 = arith.constant 0 : i32
    %dma_start3A_329 = tpu.memref_slice %arg8[%dma_start3A_327, %dma_start3A_328] : memref<16x16xi32, #tpu.memory_space<vmem>> -> memref<1x16xi32, #tpu.memory_space<vmem>>
    %dma_start3A_330 = tpu.memref_squeeze %dma_start3A_329 : memref<1x16xi32, #tpu.memory_space<vmem>> -> memref<16xi32, #tpu.memory_space<vmem>>
    %dma_start3A_331 = arith.constant 0 : i32
    %dma_start3A_332 = arith.constant 0 : i32
    %dma_start3A_333 = tpu.memref_slice %arg4[%dma_start3A_331, %dma_start3A_332] : memref<16384x2048xf32, #tpu.memory_space<hbm>> -> memref<16384x1024xf32, #tpu.memory_space<hbm>>
    tpu.enqueue_indirect_dma source(%dma_start3A_333 : memref<16384x1024xf32, #tpu.memory_space<hbm>>) target(%arg11 : memref<16x1024xf32, #tpu.memory_space<vmem>>) offsets(%dma_start3A_330 : memref<16xi32, #tpu.memory_space<vmem>>) semaphore(%arg15 : memref<!tpu.dma_semaphore, #tpu.memory_space<semaphore_mem>>)
    %dma_start3A_334 = arith.constant 1 : i32
    %dma_start3A_335 = arith.constant 0 : i32
    %dma_start3A_336 = tpu.memref_slice %arg8[%dma_start3A_334, %dma_start3A_335] : memref<16x16xi32, #tpu.memory_space<vmem>> -> memref<1x16xi32, #tpu.memory_space<vmem>>
    %dma_start3A_337 = tpu.memref_squeeze %dma_start3A_336 : memref<1x16xi32, #tpu.memory_space<vmem>> -> memref<16xi32, #tpu.memory_space<vmem>>
    %dma_start3A_338 = arith.constant 0 : i32
    %dma_start3A_339 = arith.constant 0 : i32
    %dma_start3A_340 = tpu.memref_slice %arg4[%dma_start3A_338, %dma_start3A_339] : memref<16384x2048xf32, #tpu.memory_space<hbm>> -> memref<16384x1024xf32, #tpu.memory_space<hbm>>
    tpu.enqueue_indirect_dma source(%dma_start3A_340 : memref<16384x1024xf32, #tpu.memory_space<hbm>>) target(%arg12 : memref<16x1024xf32, #tpu.memory_space<vmem>>) offsets(%dma_start3A_337 : memref<16xi32, #tpu.memory_space<vmem>>) semaphore(%arg16 : memref<!tpu.dma_semaphore, #tpu.memory_space<semaphore_mem>>)
    %dma_wait3A = arith.constant 0 : i32
    %dma_wait3A_341 = arith.constant 0 : i32
    %dma_wait3A_342 = tpu.memref_slice %arg8[%dma_wait3A, %dma_wait3A_341] : memref<16x16xi32, #tpu.memory_space<vmem>> -> memref<1x16xi32, #tpu.memory_space<vmem>>
    %dma_wait3A_343 = tpu.memref_squeeze %dma_wait3A_342 : memref<1x16xi32, #tpu.memory_space<vmem>> -> memref<16xi32, #tpu.memory_space<vmem>>
    %dma_wait3A_344 = arith.constant 0 : i32
    %dma_wait3A_345 = arith.constant 0 : i32
    %dma_wait3A_346 = tpu.memref_slice %arg4[%dma_wait3A_344, %dma_wait3A_345] : memref<16384x2048xf32, #tpu.memory_space<hbm>> -> memref<16384x1024xf32, #tpu.memory_space<hbm>>
    tpu.wait_indirect_dma semaphore(%arg15 : memref<!tpu.dma_semaphore, #tpu.memory_space<semaphore_mem>>) src(%dma_wait3A_346 : memref<16384x1024xf32, #tpu.memory_space<hbm>>) dst(%arg11 : memref<16x1024xf32, #tpu.memory_space<vmem>>)
    %add3A_347 = arith.constant 0 : i32
    %add3A_348 = arith.addi %mul3A_2, %add3A_347 : i32
    "tpu.region"() ({
      %run_scoped3A = tpu.sem_alloc : memref<!tpu.dma_semaphore, #tpu.memory_space<semaphore_mem>>
      %dma_start3A_621 = arith.constant 0 : i32
      %dma_start3A_622 = tpu.memref_slice %arg6[%add3A_348, %dma_start3A_621] : memref<8192x1024xf32, #tpu.memory_space<hbm>> -> memref<16x1024xf32, #tpu.memory_space<hbm>>
      %dma_start3A_623 = arith.constant 0 : i32
      %dma_start3A_624 = tpu.memref_slice %arg6[%add3A_348, %dma_start3A_623] : memref<8192x1024xf32, #tpu.memory_space<hbm>> -> memref<16x1024xf32, #tpu.memory_space<hbm>>
      tpu.enqueue_dma source(%arg11 : memref<16x1024xf32, #tpu.memory_space<vmem>>) target(%dma_start3A_624 : memref<16x1024xf32, #tpu.memory_space<hbm>>) target_semaphore(%run_scoped3A : memref<!tpu.dma_semaphore, #tpu.memory_space<semaphore_mem>>)
      %dma_wait3A_625 = arith.constant 0 : i32
      %dma_wait3A_626 = tpu.memref_slice %arg6[%add3A_348, %dma_wait3A_625] : memref<8192x1024xf32, #tpu.memory_space<hbm>> -> memref<16x1024xf32, #tpu.memory_space<hbm>>
      %dma_wait3A_627 = arith.constant 0 : i32
      %dma_wait3A_628 = tpu.memref_slice %arg6[%add3A_348, %dma_wait3A_627] : memref<8192x1024xf32, #tpu.memory_space<hbm>> -> memref<16x1024xf32, #tpu.memory_space<hbm>>
      tpu.wait_dma2 semaphore(%run_scoped3A : memref<!tpu.dma_semaphore, #tpu.memory_space<semaphore_mem>>) src(%arg11 : memref<16x1024xf32, #tpu.memory_space<vmem>>) dst(%dma_wait3A_628 : memref<16x1024xf32, #tpu.memory_space<hbm>>)
      tpu.yield
    }) : () -> ()
    %dma_start3A_349 = arith.constant 2 : i32
    %dma_start3A_350 = arith.constant 0 : i32
    %dma_start3A_351 = tpu.memref_slice %arg8[%dma_start3A_349, %dma_start3A_350] : memref<16x16xi32, #tpu.memory_space<vmem>> -> memref<1x16xi32, #tpu.memory_space<vmem>>
    %dma_start3A_352 = tpu.memref_squeeze %dma_start3A_351 : memref<1x16xi32, #tpu.memory_space<vmem>> -> memref<16xi32, #tpu.memory_space<vmem>>
    %dma_start3A_353 = arith.constant 0 : i32
    %dma_start3A_354 = arith.constant 0 : i32
    %dma_start3A_355 = tpu.memref_slice %arg4[%dma_start3A_353, %dma_start3A_354] : memref<16384x2048xf32, #tpu.memory_space<hbm>> -> memref<16384x1024xf32, #tpu.memory_space<hbm>>
    tpu.enqueue_indirect_dma source(%dma_start3A_355 : memref<16384x1024xf32, #tpu.memory_space<hbm>>) target(%arg11 : memref<16x1024xf32, #tpu.memory_space<vmem>>) offsets(%dma_start3A_352 : memref<16xi32, #tpu.memory_space<vmem>>) semaphore(%arg15 : memref<!tpu.dma_semaphore, #tpu.memory_space<semaphore_mem>>)
    %dma_wait3A_356 = arith.constant 1 : i32
    %dma_wait3A_357 = arith.constant 0 : i32
    %dma_wait3A_358 = tpu.memref_slice %arg8[%dma_wait3A_356, %dma_wait3A_357] : memref<16x16xi32, #tpu.memory_space<vmem>> -> memref<1x16xi32, #tpu.memory_space<vmem>>
    %dma_wait3A_359 = tpu.memref_squeeze %dma_wait3A_358 : memref<1x16xi32, #tpu.memory_space<vmem>> -> memref<16xi32, #tpu.memory_space<vmem>>
    %dma_wait3A_360 = arith.constant 0 : i32
    %dma_wait3A_361 = arith.constant 0 : i32
    %dma_wait3A_362 = tpu.memref_slice %arg4[%dma_wait3A_360, %dma_wait3A_361] : memref<16384x2048xf32, #tpu.memory_space<hbm>> -> memref<16384x1024xf32, #tpu.memory_space<hbm>>
    tpu.wait_indirect_dma semaphore(%arg16 : memref<!tpu.dma_semaphore, #tpu.memory_space<semaphore_mem>>) src(%dma_wait3A_362 : memref<16384x1024xf32, #tpu.memory_space<hbm>>) dst(%arg12 : memref<16x1024xf32, #tpu.memory_space<vmem>>)
    %add3A_363 = arith.constant 16 : i32
    %add3A_364 = arith.addi %mul3A_2, %add3A_363 : i32
    "tpu.region"() ({
      %run_scoped3A = tpu.sem_alloc : memref<!tpu.dma_semaphore, #tpu.memory_space<semaphore_mem>>
      %dma_start3A_621 = arith.constant 0 : i32
      %dma_start3A_622 = tpu.memref_slice %arg6[%add3A_364, %dma_start3A_621] : memref<8192x1024xf32, #tpu.memory_space<hbm>> -> memref<16x1024xf32, #tpu.memory_space<hbm>>
      %dma_start3A_623 = arith.constant 0 : i32
      %dma_start3A_624 = tpu.memref_slice %arg6[%add3A_364, %dma_start3A_623] : memref<8192x1024xf32, #tpu.memory_space<hbm>> -> memref<16x1024xf32, #tpu.memory_space<hbm>>
      tpu.enqueue_dma source(%arg12 : memref<16x1024xf32, #tpu.memory_space<vmem>>) target(%dma_start3A_624 : memref<16x1024xf32, #tpu.memory_space<hbm>>) target_semaphore(%run_scoped3A : memref<!tpu.dma_semaphore, #tpu.memory_space<semaphore_mem>>)
      %dma_wait3A_625 = arith.constant 0 : i32
      %dma_wait3A_626 = tpu.memref_slice %arg6[%add3A_364, %dma_wait3A_625] : memref<8192x1024xf32, #tpu.memory_space<hbm>> -> memref<16x1024xf32, #tpu.memory_space<hbm>>
      %dma_wait3A_627 = arith.constant 0 : i32
      %dma_wait3A_628 = tpu.memref_slice %arg6[%add3A_364, %dma_wait3A_627] : memref<8192x1024xf32, #tpu.memory_space<hbm>> -> memref<16x1024xf32, #tpu.memory_space<hbm>>
      tpu.wait_dma2 semaphore(%run_scoped3A : memref<!tpu.dma_semaphore, #tpu.memory_space<semaphore_mem>>) src(%arg12 : memref<16x1024xf32, #tpu.memory_space<vmem>>) dst(%dma_wait3A_628 : memref<16x1024xf32, #tpu.memory_space<hbm>>)
      tpu.yield
    }) : () -> ()
    %dma_start3A_365 = arith.constant 3 : i32
    %dma_start3A_366 = arith.constant 0 : i32
    %dma_start3A_367 = tpu.memref_slice %arg8[%dma_start3A_365, %dma_start3A_366] : memref<16x16xi32, #tpu.memory_space<vmem>> -> memref<1x16xi32, #tpu.memory_space<vmem>>
    %dma_start3A_368 = tpu.memref_squeeze %dma_start3A_367 : memref<1x16xi32, #tpu.memory_space<vmem>> -> memref<16xi32, #tpu.memory_space<vmem>>
    %dma_start3A_369 = arith.constant 0 : i32
    %dma_start3A_370 = arith.constant 0 : i32
    %dma_start3A_371 = tpu.memref_slice %arg4[%dma_start3A_369, %dma_start3A_370] : memref<16384x2048xf32, #tpu.memory_space<hbm>> -> memref<16384x1024xf32, #tpu.memory_space<hbm>>
    tpu.enqueue_indirect_dma source(%dma_start3A_371 : memref<16384x1024xf32, #tpu.memory_space<hbm>>) target(%arg12 : memref<16x1024xf32, #tpu.memory_space<vmem>>) offsets(%dma_start3A_368 : memref<16xi32, #tpu.memory_space<vmem>>) semaphore(%arg16 : memref<!tpu.dma_semaphore, #tpu.memory_space<semaphore_mem>>)
    %dma_wait3A_372 = arith.constant 0 : i32
    %dma_wait3A_373 = arith.constant 0 : i32
    %dma_wait3A_374 = tpu.memref_slice %arg9[%dma_wait3A_372, %dma_wait3A_373] : memref<2x128xi32, #tpu.memory_space<vmem>> -> memref<1x128xi32, #tpu.memory_space<vmem>>
    %dma_wait3A_375 = tpu.memref_squeeze %dma_wait3A_374 : memref<1x128xi32, #tpu.memory_space<vmem>> -> memref<128xi32, #tpu.memory_space<vmem>>
    %dma_wait3A_376 = arith.constant 0 : i32
    %dma_wait3A_377 = arith.constant 0 : i32
    %dma_wait3A_378 = tpu.memref_slice %arg3[%dma_wait3A_376, %dma_wait3A_377] : memref<16384x256xf32, #tpu.memory_space<hbm>> -> memref<16384x256xf32, #tpu.memory_space<hbm>>
    tpu.wait_indirect_dma semaphore(%arg13 : memref<!tpu.dma_semaphore, #tpu.memory_space<semaphore_mem>>) src(%dma_wait3A_378 : memref<16384x256xf32, #tpu.memory_space<hbm>>) dst(%arg10 : memref<128x256xf32, #tpu.memory_space<vmem>>)
    %dma_start3A_379 = arith.constant 0 : i32
    %dma_start3A_380 = tpu.memref_slice %arg5[%mul3A_2, %dma_start3A_379] : memref<8192x256xf32, #tpu.memory_space<hbm>> -> memref<128x256xf32, #tpu.memory_space<hbm>>
    %dma_start3A_381 = arith.constant 0 : i32
    %dma_start3A_382 = tpu.memref_slice %arg5[%mul3A_2, %dma_start3A_381] : memref<8192x256xf32, #tpu.memory_space<hbm>> -> memref<128x256xf32, #tpu.memory_space<hbm>>
    tpu.enqueue_dma source(%arg10 : memref<128x256xf32, #tpu.memory_space<vmem>>) target(%dma_start3A_382 : memref<128x256xf32, #tpu.memory_space<hbm>>) target_semaphore(%arg14 : memref<!tpu.dma_semaphore, #tpu.memory_space<semaphore_mem>>)
    %dma_wait3A_383 = arith.constant 2 : i32
    %dma_wait3A_384 = arith.constant 0 : i32
    %dma_wait3A_385 = tpu.memref_slice %arg8[%dma_wait3A_383, %dma_wait3A_384] : memref<16x16xi32, #tpu.memory_space<vmem>> -> memref<1x16xi32, #tpu.memory_space<vmem>>
    %dma_wait3A_386 = tpu.memref_squeeze %dma_wait3A_385 : memref<1x16xi32, #tpu.memory_space<vmem>> -> memref<16xi32, #tpu.memory_space<vmem>>
    %dma_wait3A_387 = arith.constant 0 : i32
    %dma_wait3A_388 = arith.constant 0 : i32
    %dma_wait3A_389 = tpu.memref_slice %arg4[%dma_wait3A_387, %dma_wait3A_388] : memref<16384x2048xf32, #tpu.memory_space<hbm>> -> memref<16384x1024xf32, #tpu.memory_space<hbm>>
    tpu.wait_indirect_dma semaphore(%arg15 : memref<!tpu.dma_semaphore, #tpu.memory_space<semaphore_mem>>) src(%dma_wait3A_389 : memref<16384x1024xf32, #tpu.memory_space<hbm>>) dst(%arg11 : memref<16x1024xf32, #tpu.memory_space<vmem>>)
    %add3A_390 = arith.constant 32 : i32
    %add3A_391 = arith.addi %mul3A_2, %add3A_390 : i32
    "tpu.region"() ({
      %run_scoped3A = tpu.sem_alloc : memref<!tpu.dma_semaphore, #tpu.memory_space<semaphore_mem>>
      %dma_start3A_621 = arith.constant 0 : i32
      %dma_start3A_622 = tpu.memref_slice %arg6[%add3A_391, %dma_start3A_621] : memref<8192x1024xf32, #tpu.memory_space<hbm>> -> memref<16x1024xf32, #tpu.memory_space<hbm>>
      %dma_start3A_623 = arith.constant 0 : i32
      %dma_start3A_624 = tpu.memref_slice %arg6[%add3A_391, %dma_start3A_623] : memref<8192x1024xf32, #tpu.memory_space<hbm>> -> memref<16x1024xf32, #tpu.memory_space<hbm>>
      tpu.enqueue_dma source(%arg11 : memref<16x1024xf32, #tpu.memory_space<vmem>>) target(%dma_start3A_624 : memref<16x1024xf32, #tpu.memory_space<hbm>>) target_semaphore(%run_scoped3A : memref<!tpu.dma_semaphore, #tpu.memory_space<semaphore_mem>>)
      %dma_wait3A_625 = arith.constant 0 : i32
      %dma_wait3A_626 = tpu.memref_slice %arg6[%add3A_391, %dma_wait3A_625] : memref<8192x1024xf32, #tpu.memory_space<hbm>> -> memref<16x1024xf32, #tpu.memory_space<hbm>>
      %dma_wait3A_627 = arith.constant 0 : i32
      %dma_wait3A_628 = tpu.memref_slice %arg6[%add3A_391, %dma_wait3A_627] : memref<8192x1024xf32, #tpu.memory_space<hbm>> -> memref<16x1024xf32, #tpu.memory_space<hbm>>
      tpu.wait_dma2 semaphore(%run_scoped3A : memref<!tpu.dma_semaphore, #tpu.memory_space<semaphore_mem>>) src(%arg11 : memref<16x1024xf32, #tpu.memory_space<vmem>>) dst(%dma_wait3A_628 : memref<16x1024xf32, #tpu.memory_space<hbm>>)
      tpu.yield
    }) : () -> ()
    %dma_start3A_392 = arith.constant 4 : i32
    %dma_start3A_393 = arith.constant 0 : i32
    %dma_start3A_394 = tpu.memref_slice %arg8[%dma_start3A_392, %dma_start3A_393] : memref<16x16xi32, #tpu.memory_space<vmem>> -> memref<1x16xi32, #tpu.memory_space<vmem>>
    %dma_start3A_395 = tpu.memref_squeeze %dma_start3A_394 : memref<1x16xi32, #tpu.memory_space<vmem>> -> memref<16xi32, #tpu.memory_space<vmem>>
    %dma_start3A_396 = arith.constant 0 : i32
    %dma_start3A_397 = arith.constant 0 : i32
    %dma_start3A_398 = tpu.memref_slice %arg4[%dma_start3A_396, %dma_start3A_397] : memref<16384x2048xf32, #tpu.memory_space<hbm>> -> memref<16384x1024xf32, #tpu.memory_space<hbm>>
    tpu.enqueue_indirect_dma source(%dma_start3A_398 : memref<16384x1024xf32, #tpu.memory_space<hbm>>) target(%arg11 : memref<16x1024xf32, #tpu.memory_space<vmem>>) offsets(%dma_start3A_395 : memref<16xi32, #tpu.memory_space<vmem>>) semaphore(%arg15 : memref<!tpu.dma_semaphore, #tpu.memory_space<semaphore_mem>>)
    %dma_wait3A_399 = arith.constant 3 : i32
    %dma_wait3A_400 = arith.constant 0 : i32
    %dma_wait3A_401 = tpu.memref_slice %arg8[%dma_wait3A_399, %dma_wait3A_400] : memref<16x16xi32, #tpu.memory_space<vmem>> -> memref<1x16xi32, #tpu.memory_space<vmem>>
    %dma_wait3A_402 = tpu.memref_squeeze %dma_wait3A_401 : memref<1x16xi32, #tpu.memory_space<vmem>> -> memref<16xi32, #tpu.memory_space<vmem>>
    %dma_wait3A_403 = arith.constant 0 : i32
    %dma_wait3A_404 = arith.constant 0 : i32
    %dma_wait3A_405 = tpu.memref_slice %arg4[%dma_wait3A_403, %dma_wait3A_404] : memref<16384x2048xf32, #tpu.memory_space<hbm>> -> memref<16384x1024xf32, #tpu.memory_space<hbm>>
    tpu.wait_indirect_dma semaphore(%arg16 : memref<!tpu.dma_semaphore, #tpu.memory_space<semaphore_mem>>) src(%dma_wait3A_405 : memref<16384x1024xf32, #tpu.memory_space<hbm>>) dst(%arg12 : memref<16x1024xf32, #tpu.memory_space<vmem>>)
    %add3A_406 = arith.constant 48 : i32
    %add3A_407 = arith.addi %mul3A_2, %add3A_406 : i32
    "tpu.region"() ({
      %run_scoped3A = tpu.sem_alloc : memref<!tpu.dma_semaphore, #tpu.memory_space<semaphore_mem>>
      %dma_start3A_621 = arith.constant 0 : i32
      %dma_start3A_622 = tpu.memref_slice %arg6[%add3A_407, %dma_start3A_621] : memref<8192x1024xf32, #tpu.memory_space<hbm>> -> memref<16x1024xf32, #tpu.memory_space<hbm>>
      %dma_start3A_623 = arith.constant 0 : i32
      %dma_start3A_624 = tpu.memref_slice %arg6[%add3A_407, %dma_start3A_623] : memref<8192x1024xf32, #tpu.memory_space<hbm>> -> memref<16x1024xf32, #tpu.memory_space<hbm>>
      tpu.enqueue_dma source(%arg12 : memref<16x1024xf32, #tpu.memory_space<vmem>>) target(%dma_start3A_624 : memref<16x1024xf32, #tpu.memory_space<hbm>>) target_semaphore(%run_scoped3A : memref<!tpu.dma_semaphore, #tpu.memory_space<semaphore_mem>>)
      %dma_wait3A_625 = arith.constant 0 : i32
      %dma_wait3A_626 = tpu.memref_slice %arg6[%add3A_407, %dma_wait3A_625] : memref<8192x1024xf32, #tpu.memory_space<hbm>> -> memref<16x1024xf32, #tpu.memory_space<hbm>>
      %dma_wait3A_627 = arith.constant 0 : i32
      %dma_wait3A_628 = tpu.memref_slice %arg6[%add3A_407, %dma_wait3A_627] : memref<8192x1024xf32, #tpu.memory_space<hbm>> -> memref<16x1024xf32, #tpu.memory_space<hbm>>
      tpu.wait_dma2 semaphore(%run_scoped3A : memref<!tpu.dma_semaphore, #tpu.memory_space<semaphore_mem>>) src(%arg12 : memref<16x1024xf32, #tpu.memory_space<vmem>>) dst(%dma_wait3A_628 : memref<16x1024xf32, #tpu.memory_space<hbm>>)
      tpu.yield
    }) : () -> ()
    %dma_start3A_408 = arith.constant 5 : i32
    %dma_start3A_409 = arith.constant 0 : i32
    %dma_start3A_410 = tpu.memref_slice %arg8[%dma_start3A_408, %dma_start3A_409] : memref<16x16xi32, #tpu.memory_space<vmem>> -> memref<1x16xi32, #tpu.memory_space<vmem>>
    %dma_start3A_411 = tpu.memref_squeeze %dma_start3A_410 : memref<1x16xi32, #tpu.memory_space<vmem>> -> memref<16xi32, #tpu.memory_space<vmem>>
    %dma_start3A_412 = arith.constant 0 : i32
    %dma_start3A_413 = arith.constant 0 : i32
    %dma_start3A_414 = tpu.memref_slice %arg4[%dma_start3A_412, %dma_start3A_413] : memref<16384x2048xf32, #tpu.memory_space<hbm>> -> memref<16384x1024xf32, #tpu.memory_space<hbm>>
    tpu.enqueue_indirect_dma source(%dma_start3A_414 : memref<16384x1024xf32, #tpu.memory_space<hbm>>) target(%arg12 : memref<16x1024xf32, #tpu.memory_space<vmem>>) offsets(%dma_start3A_411 : memref<16xi32, #tpu.memory_space<vmem>>) semaphore(%arg16 : memref<!tpu.dma_semaphore, #tpu.memory_space<semaphore_mem>>)
    %dma_wait3A_415 = arith.constant 0 : i32
    %dma_wait3A_416 = tpu.memref_slice %arg5[%mul3A_2, %dma_wait3A_415] : memref<8192x256xf32, #tpu.memory_space<hbm>> -> memref<128x256xf32, #tpu.memory_space<hbm>>
    %dma_wait3A_417 = arith.constant 0 : i32
    %dma_wait3A_418 = tpu.memref_slice %arg5[%mul3A_2, %dma_wait3A_417] : memref<8192x256xf32, #tpu.memory_space<hbm>> -> memref<128x256xf32, #tpu.memory_space<hbm>>
    tpu.wait_dma2 semaphore(%arg14 : memref<!tpu.dma_semaphore, #tpu.memory_space<semaphore_mem>>) src(%arg10 : memref<128x256xf32, #tpu.memory_space<vmem>>) dst(%dma_wait3A_418 : memref<128x256xf32, #tpu.memory_space<hbm>>)
    %dma_start3A_419 = arith.constant 1 : i32
    %dma_start3A_420 = arith.constant 0 : i32
    %dma_start3A_421 = tpu.memref_slice %arg9[%dma_start3A_419, %dma_start3A_420] : memref<2x128xi32, #tpu.memory_space<vmem>> -> memref<1x128xi32, #tpu.memory_space<vmem>>
    %dma_start3A_422 = tpu.memref_squeeze %dma_start3A_421 : memref<1x128xi32, #tpu.memory_space<vmem>> -> memref<128xi32, #tpu.memory_space<vmem>>
    %dma_start3A_423 = arith.constant 0 : i32
    %dma_start3A_424 = arith.constant 0 : i32
    %dma_start3A_425 = tpu.memref_slice %arg3[%dma_start3A_423, %dma_start3A_424] : memref<16384x256xf32, #tpu.memory_space<hbm>> -> memref<16384x256xf32, #tpu.memory_space<hbm>>
    tpu.enqueue_indirect_dma source(%dma_start3A_425 : memref<16384x256xf32, #tpu.memory_space<hbm>>) target(%arg10 : memref<128x256xf32, #tpu.memory_space<vmem>>) offsets(%dma_start3A_422 : memref<128xi32, #tpu.memory_space<vmem>>) semaphore(%arg13 : memref<!tpu.dma_semaphore, #tpu.memory_space<semaphore_mem>>)
    %dma_wait3A_426 = arith.constant 4 : i32
    %dma_wait3A_427 = arith.constant 0 : i32
    %dma_wait3A_428 = tpu.memref_slice %arg8[%dma_wait3A_426, %dma_wait3A_427] : memref<16x16xi32, #tpu.memory_space<vmem>> -> memref<1x16xi32, #tpu.memory_space<vmem>>
    %dma_wait3A_429 = tpu.memref_squeeze %dma_wait3A_428 : memref<1x16xi32, #tpu.memory_space<vmem>> -> memref<16xi32, #tpu.memory_space<vmem>>
    %dma_wait3A_430 = arith.constant 0 : i32
    %dma_wait3A_431 = arith.constant 0 : i32
    %dma_wait3A_432 = tpu.memref_slice %arg4[%dma_wait3A_430, %dma_wait3A_431] : memref<16384x2048xf32, #tpu.memory_space<hbm>> -> memref<16384x1024xf32, #tpu.memory_space<hbm>>
    tpu.wait_indirect_dma semaphore(%arg15 : memref<!tpu.dma_semaphore, #tpu.memory_space<semaphore_mem>>) src(%dma_wait3A_432 : memref<16384x1024xf32, #tpu.memory_space<hbm>>) dst(%arg11 : memref<16x1024xf32, #tpu.memory_space<vmem>>)
    %add3A_433 = arith.constant 64 : i32
    %add3A_434 = arith.addi %mul3A_2, %add3A_433 : i32
    "tpu.region"() ({
      %run_scoped3A = tpu.sem_alloc : memref<!tpu.dma_semaphore, #tpu.memory_space<semaphore_mem>>
      %dma_start3A_621 = arith.constant 0 : i32
      %dma_start3A_622 = tpu.memref_slice %arg6[%add3A_434, %dma_start3A_621] : memref<8192x1024xf32, #tpu.memory_space<hbm>> -> memref<16x1024xf32, #tpu.memory_space<hbm>>
      %dma_start3A_623 = arith.constant 0 : i32
      %dma_start3A_624 = tpu.memref_slice %arg6[%add3A_434, %dma_start3A_623] : memref<8192x1024xf32, #tpu.memory_space<hbm>> -> memref<16x1024xf32, #tpu.memory_space<hbm>>
      tpu.enqueue_dma source(%arg11 : memref<16x1024xf32, #tpu.memory_space<vmem>>) target(%dma_start3A_624 : memref<16x1024xf32, #tpu.memory_space<hbm>>) target_semaphore(%run_scoped3A : memref<!tpu.dma_semaphore, #tpu.memory_space<semaphore_mem>>)
      %dma_wait3A_625 = arith.constant 0 : i32
      %dma_wait3A_626 = tpu.memref_slice %arg6[%add3A_434, %dma_wait3A_625] : memref<8192x1024xf32, #tpu.memory_space<hbm>> -> memref<16x1024xf32, #tpu.memory_space<hbm>>
      %dma_wait3A_627 = arith.constant 0 : i32
      %dma_wait3A_628 = tpu.memref_slice %arg6[%add3A_434, %dma_wait3A_627] : memref<8192x1024xf32, #tpu.memory_space<hbm>> -> memref<16x1024xf32, #tpu.memory_space<hbm>>
      tpu.wait_dma2 semaphore(%run_scoped3A : memref<!tpu.dma_semaphore, #tpu.memory_space<semaphore_mem>>) src(%arg11 : memref<16x1024xf32, #tpu.memory_space<vmem>>) dst(%dma_wait3A_628 : memref<16x1024xf32, #tpu.memory_space<hbm>>)
      tpu.yield
    }) : () -> ()
    %dma_start3A_435 = arith.constant 6 : i32
    %dma_start3A_436 = arith.constant 0 : i32
    %dma_start3A_437 = tpu.memref_slice %arg8[%dma_start3A_435, %dma_start3A_436] : memref<16x16xi32, #tpu.memory_space<vmem>> -> memref<1x16xi32, #tpu.memory_space<vmem>>
    %dma_start3A_438 = tpu.memref_squeeze %dma_start3A_437 : memref<1x16xi32, #tpu.memory_space<vmem>> -> memref<16xi32, #tpu.memory_space<vmem>>
    %dma_start3A_439 = arith.constant 0 : i32
    %dma_start3A_440 = arith.constant 0 : i32
    %dma_start3A_441 = tpu.memref_slice %arg4[%dma_start3A_439, %dma_start3A_440] : memref<16384x2048xf32, #tpu.memory_space<hbm>> -> memref<16384x1024xf32, #tpu.memory_space<hbm>>
    tpu.enqueue_indirect_dma source(%dma_start3A_441 : memref<16384x1024xf32, #tpu.memory_space<hbm>>) target(%arg11 : memref<16x1024xf32, #tpu.memory_space<vmem>>) offsets(%dma_start3A_438 : memref<16xi32, #tpu.memory_space<vmem>>) semaphore(%arg15 : memref<!tpu.dma_semaphore, #tpu.memory_space<semaphore_mem>>)
    %dma_wait3A_442 = arith.constant 5 : i32
    %dma_wait3A_443 = arith.constant 0 : i32
    %dma_wait3A_444 = tpu.memref_slice %arg8[%dma_wait3A_442, %dma_wait3A_443] : memref<16x16xi32, #tpu.memory_space<vmem>> -> memref<1x16xi32, #tpu.memory_space<vmem>>
    %dma_wait3A_445 = tpu.memref_squeeze %dma_wait3A_444 : memref<1x16xi32, #tpu.memory_space<vmem>> -> memref<16xi32, #tpu.memory_space<vmem>>
    %dma_wait3A_446 = arith.constant 0 : i32
    %dma_wait3A_447 = arith.constant 0 : i32
    %dma_wait3A_448 = tpu.memref_slice %arg4[%dma_wait3A_446, %dma_wait3A_447] : memref<16384x2048xf32, #tpu.memory_space<hbm>> -> memref<16384x1024xf32, #tpu.memory_space<hbm>>
    tpu.wait_indirect_dma semaphore(%arg16 : memref<!tpu.dma_semaphore, #tpu.memory_space<semaphore_mem>>) src(%dma_wait3A_448 : memref<16384x1024xf32, #tpu.memory_space<hbm>>) dst(%arg12 : memref<16x1024xf32, #tpu.memory_space<vmem>>)
    %add3A_449 = arith.constant 80 : i32
    %add3A_450 = arith.addi %mul3A_2, %add3A_449 : i32
    "tpu.region"() ({
      %run_scoped3A = tpu.sem_alloc : memref<!tpu.dma_semaphore, #tpu.memory_space<semaphore_mem>>
      %dma_start3A_621 = arith.constant 0 : i32
      %dma_start3A_622 = tpu.memref_slice %arg6[%add3A_450, %dma_start3A_621] : memref<8192x1024xf32, #tpu.memory_space<hbm>> -> memref<16x1024xf32, #tpu.memory_space<hbm>>
      %dma_start3A_623 = arith.constant 0 : i32
      %dma_start3A_624 = tpu.memref_slice %arg6[%add3A_450, %dma_start3A_623] : memref<8192x1024xf32, #tpu.memory_space<hbm>> -> memref<16x1024xf32, #tpu.memory_space<hbm>>
      tpu.enqueue_dma source(%arg12 : memref<16x1024xf32, #tpu.memory_space<vmem>>) target(%dma_start3A_624 : memref<16x1024xf32, #tpu.memory_space<hbm>>) target_semaphore(%run_scoped3A : memref<!tpu.dma_semaphore, #tpu.memory_space<semaphore_mem>>)
      %dma_wait3A_625 = arith.constant 0 : i32
      %dma_wait3A_626 = tpu.memref_slice %arg6[%add3A_450, %dma_wait3A_625] : memref<8192x1024xf32, #tpu.memory_space<hbm>> -> memref<16x1024xf32, #tpu.memory_space<hbm>>
      %dma_wait3A_627 = arith.constant 0 : i32
      %dma_wait3A_628 = tpu.memref_slice %arg6[%add3A_450, %dma_wait3A_627] : memref<8192x1024xf32, #tpu.memory_space<hbm>> -> memref<16x1024xf32, #tpu.memory_space<hbm>>
      tpu.wait_dma2 semaphore(%run_scoped3A : memref<!tpu.dma_semaphore, #tpu.memory_space<semaphore_mem>>) src(%arg12 : memref<16x1024xf32, #tpu.memory_space<vmem>>) dst(%dma_wait3A_628 : memref<16x1024xf32, #tpu.memory_space<hbm>>)
      tpu.yield
    }) : () -> ()
    %dma_start3A_451 = arith.constant 7 : i32
    %dma_start3A_452 = arith.constant 0 : i32
    %dma_start3A_453 = tpu.memref_slice %arg8[%dma_start3A_451, %dma_start3A_452] : memref<16x16xi32, #tpu.memory_space<vmem>> -> memref<1x16xi32, #tpu.memory_space<vmem>>
    %dma_start3A_454 = tpu.memref_squeeze %dma_start3A_453 : memref<1x16xi32, #tpu.memory_space<vmem>> -> memref<16xi32, #tpu.memory_space<vmem>>
    %dma_start3A_455 = arith.constant 0 : i32
    %dma_start3A_456 = arith.constant 0 : i32
    %dma_start3A_457 = tpu.memref_slice %arg4[%dma_start3A_455, %dma_start3A_456] : memref<16384x2048xf32, #tpu.memory_space<hbm>> -> memref<16384x1024xf32, #tpu.memory_space<hbm>>
    tpu.enqueue_indirect_dma source(%dma_start3A_457 : memref<16384x1024xf32, #tpu.memory_space<hbm>>) target(%arg12 : memref<16x1024xf32, #tpu.memory_space<vmem>>) offsets(%dma_start3A_454 : memref<16xi32, #tpu.memory_space<vmem>>) semaphore(%arg16 : memref<!tpu.dma_semaphore, #tpu.memory_space<semaphore_mem>>)
    %dma_wait3A_458 = arith.constant 1 : i32
    %dma_wait3A_459 = arith.constant 0 : i32
    %dma_wait3A_460 = tpu.memref_slice %arg9[%dma_wait3A_458, %dma_wait3A_459] : memref<2x128xi32, #tpu.memory_space<vmem>> -> memref<1x128xi32, #tpu.memory_space<vmem>>
    %dma_wait3A_461 = tpu.memref_squeeze %dma_wait3A_460 : memref<1x128xi32, #tpu.memory_space<vmem>> -> memref<128xi32, #tpu.memory_space<vmem>>
    %dma_wait3A_462 = arith.constant 0 : i32
    %dma_wait3A_463 = arith.constant 0 : i32
    %dma_wait3A_464 = tpu.memref_slice %arg3[%dma_wait3A_462, %dma_wait3A_463] : memref<16384x256xf32, #tpu.memory_space<hbm>> -> memref<16384x256xf32, #tpu.memory_space<hbm>>
    tpu.wait_indirect_dma semaphore(%arg13 : memref<!tpu.dma_semaphore, #tpu.memory_space<semaphore_mem>>) src(%dma_wait3A_464 : memref<16384x256xf32, #tpu.memory_space<hbm>>) dst(%arg10 : memref<128x256xf32, #tpu.memory_space<vmem>>)
    %add3A_465 = arith.constant 128 : i32
    %add3A_466 = arith.addi %mul3A_2, %add3A_465 : i32
    %dma_start3A_467 = arith.constant 0 : i32
    %dma_start3A_468 = tpu.memref_slice %arg5[%add3A_466, %dma_start3A_467] : memref<8192x256xf32, #tpu.memory_space<hbm>> -> memref<128x256xf32, #tpu.memory_space<hbm>>
    %dma_start3A_469 = arith.constant 0 : i32
    %dma_start3A_470 = tpu.memref_slice %arg5[%add3A_466, %dma_start3A_469] : memref<8192x256xf32, #tpu.memory_space<hbm>> -> memref<128x256xf32, #tpu.memory_space<hbm>>
    tpu.enqueue_dma source(%arg10 : memref<128x256xf32, #tpu.memory_space<vmem>>) target(%dma_start3A_470 : memref<128x256xf32, #tpu.memory_space<hbm>>) target_semaphore(%arg14 : memref<!tpu.dma_semaphore, #tpu.memory_space<semaphore_mem>>)
    %dma_wait3A_471 = arith.constant 6 : i32
    %dma_wait3A_472 = arith.constant 0 : i32
    %dma_wait3A_473 = tpu.memref_slice %arg8[%dma_wait3A_471, %dma_wait3A_472] : memref<16x16xi32, #tpu.memory_space<vmem>> -> memref<1x16xi32, #tpu.memory_space<vmem>>
    %dma_wait3A_474 = tpu.memref_squeeze %dma_wait3A_473 : memref<1x16xi32, #tpu.memory_space<vmem>> -> memref<16xi32, #tpu.memory_space<vmem>>
    %dma_wait3A_475 = arith.constant 0 : i32
    %dma_wait3A_476 = arith.constant 0 : i32
    %dma_wait3A_477 = tpu.memref_slice %arg4[%dma_wait3A_475, %dma_wait3A_476] : memref<16384x2048xf32, #tpu.memory_space<hbm>> -> memref<16384x1024xf32, #tpu.memory_space<hbm>>
    tpu.wait_indirect_dma semaphore(%arg15 : memref<!tpu.dma_semaphore, #tpu.memory_space<semaphore_mem>>) src(%dma_wait3A_477 : memref<16384x1024xf32, #tpu.memory_space<hbm>>) dst(%arg11 : memref<16x1024xf32, #tpu.memory_space<vmem>>)
    %add3A_478 = arith.constant 96 : i32
    %add3A_479 = arith.addi %mul3A_2, %add3A_478 : i32
    "tpu.region"() ({
      %run_scoped3A = tpu.sem_alloc : memref<!tpu.dma_semaphore, #tpu.memory_space<semaphore_mem>>
      %dma_start3A_621 = arith.constant 0 : i32
      %dma_start3A_622 = tpu.memref_slice %arg6[%add3A_479, %dma_start3A_621] : memref<8192x1024xf32, #tpu.memory_space<hbm>> -> memref<16x1024xf32, #tpu.memory_space<hbm>>
      %dma_start3A_623 = arith.constant 0 : i32
      %dma_start3A_624 = tpu.memref_slice %arg6[%add3A_479, %dma_start3A_623] : memref<8192x1024xf32, #tpu.memory_space<hbm>> -> memref<16x1024xf32, #tpu.memory_space<hbm>>
      tpu.enqueue_dma source(%arg11 : memref<16x1024xf32, #tpu.memory_space<vmem>>) target(%dma_start3A_624 : memref<16x1024xf32, #tpu.memory_space<hbm>>) target_semaphore(%run_scoped3A : memref<!tpu.dma_semaphore, #tpu.memory_space<semaphore_mem>>)
      %dma_wait3A_625 = arith.constant 0 : i32
      %dma_wait3A_626 = tpu.memref_slice %arg6[%add3A_479, %dma_wait3A_625] : memref<8192x1024xf32, #tpu.memory_space<hbm>> -> memref<16x1024xf32, #tpu.memory_space<hbm>>
      %dma_wait3A_627 = arith.constant 0 : i32
      %dma_wait3A_628 = tpu.memref_slice %arg6[%add3A_479, %dma_wait3A_627] : memref<8192x1024xf32, #tpu.memory_space<hbm>> -> memref<16x1024xf32, #tpu.memory_space<hbm>>
      tpu.wait_dma2 semaphore(%run_scoped3A : memref<!tpu.dma_semaphore, #tpu.memory_space<semaphore_mem>>) src(%arg11 : memref<16x1024xf32, #tpu.memory_space<vmem>>) dst(%dma_wait3A_628 : memref<16x1024xf32, #tpu.memory_space<hbm>>)
      tpu.yield
    }) : () -> ()
    %dma_start3A_480 = arith.constant 8 : i32
    %dma_start3A_481 = arith.constant 0 : i32
    %dma_start3A_482 = tpu.memref_slice %arg8[%dma_start3A_480, %dma_start3A_481] : memref<16x16xi32, #tpu.memory_space<vmem>> -> memref<1x16xi32, #tpu.memory_space<vmem>>
    %dma_start3A_483 = tpu.memref_squeeze %dma_start3A_482 : memref<1x16xi32, #tpu.memory_space<vmem>> -> memref<16xi32, #tpu.memory_space<vmem>>
    %dma_start3A_484 = arith.constant 0 : i32
    %dma_start3A_485 = arith.constant 0 : i32
    %dma_start3A_486 = tpu.memref_slice %arg4[%dma_start3A_484, %dma_start3A_485] : memref<16384x2048xf32, #tpu.memory_space<hbm>> -> memref<16384x1024xf32, #tpu.memory_space<hbm>>
    tpu.enqueue_indirect_dma source(%dma_start3A_486 : memref<16384x1024xf32, #tpu.memory_space<hbm>>) target(%arg11 : memref<16x1024xf32, #tpu.memory_space<vmem>>) offsets(%dma_start3A_483 : memref<16xi32, #tpu.memory_space<vmem>>) semaphore(%arg15 : memref<!tpu.dma_semaphore, #tpu.memory_space<semaphore_mem>>)
    %dma_wait3A_487 = arith.constant 7 : i32
    %dma_wait3A_488 = arith.constant 0 : i32
    %dma_wait3A_489 = tpu.memref_slice %arg8[%dma_wait3A_487, %dma_wait3A_488] : memref<16x16xi32, #tpu.memory_space<vmem>> -> memref<1x16xi32, #tpu.memory_space<vmem>>
    %dma_wait3A_490 = tpu.memref_squeeze %dma_wait3A_489 : memref<1x16xi32, #tpu.memory_space<vmem>> -> memref<16xi32, #tpu.memory_space<vmem>>
    %dma_wait3A_491 = arith.constant 0 : i32
    %dma_wait3A_492 = arith.constant 0 : i32
    %dma_wait3A_493 = tpu.memref_slice %arg4[%dma_wait3A_491, %dma_wait3A_492] : memref<16384x2048xf32, #tpu.memory_space<hbm>> -> memref<16384x1024xf32, #tpu.memory_space<hbm>>
    tpu.wait_indirect_dma semaphore(%arg16 : memref<!tpu.dma_semaphore, #tpu.memory_space<semaphore_mem>>) src(%dma_wait3A_493 : memref<16384x1024xf32, #tpu.memory_space<hbm>>) dst(%arg12 : memref<16x1024xf32, #tpu.memory_space<vmem>>)
    %add3A_494 = arith.constant 112 : i32
    %add3A_495 = arith.addi %mul3A_2, %add3A_494 : i32
    "tpu.region"() ({
      %run_scoped3A = tpu.sem_alloc : memref<!tpu.dma_semaphore, #tpu.memory_space<semaphore_mem>>
      %dma_start3A_621 = arith.constant 0 : i32
      %dma_start3A_622 = tpu.memref_slice %arg6[%add3A_495, %dma_start3A_621] : memref<8192x1024xf32, #tpu.memory_space<hbm>> -> memref<16x1024xf32, #tpu.memory_space<hbm>>
      %dma_start3A_623 = arith.constant 0 : i32
      %dma_start3A_624 = tpu.memref_slice %arg6[%add3A_495, %dma_start3A_623] : memref<8192x1024xf32, #tpu.memory_space<hbm>> -> memref<16x1024xf32, #tpu.memory_space<hbm>>
      tpu.enqueue_dma source(%arg12 : memref<16x1024xf32, #tpu.memory_space<vmem>>) target(%dma_start3A_624 : memref<16x1024xf32, #tpu.memory_space<hbm>>) target_semaphore(%run_scoped3A : memref<!tpu.dma_semaphore, #tpu.memory_space<semaphore_mem>>)
      %dma_wait3A_625 = arith.constant 0 : i32
      %dma_wait3A_626 = tpu.memref_slice %arg6[%add3A_495, %dma_wait3A_625] : memref<8192x1024xf32, #tpu.memory_space<hbm>> -> memref<16x1024xf32, #tpu.memory_space<hbm>>
      %dma_wait3A_627 = arith.constant 0 : i32
      %dma_wait3A_628 = tpu.memref_slice %arg6[%add3A_495, %dma_wait3A_627] : memref<8192x1024xf32, #tpu.memory_space<hbm>> -> memref<16x1024xf32, #tpu.memory_space<hbm>>
      tpu.wait_dma2 semaphore(%run_scoped3A : memref<!tpu.dma_semaphore, #tpu.memory_space<semaphore_mem>>) src(%arg12 : memref<16x1024xf32, #tpu.memory_space<vmem>>) dst(%dma_wait3A_628 : memref<16x1024xf32, #tpu.memory_space<hbm>>)
      tpu.yield
    }) : () -> ()
    %dma_start3A_496 = arith.constant 9 : i32
    %dma_start3A_497 = arith.constant 0 : i32
    %dma_start3A_498 = tpu.memref_slice %arg8[%dma_start3A_496, %dma_start3A_497] : memref<16x16xi32, #tpu.memory_space<vmem>> -> memref<1x16xi32, #tpu.memory_space<vmem>>
    %dma_start3A_499 = tpu.memref_squeeze %dma_start3A_498 : memref<1x16xi32, #tpu.memory_space<vmem>> -> memref<16xi32, #tpu.memory_space<vmem>>
    %dma_start3A_500 = arith.constant 0 : i32
    %dma_start3A_501 = arith.constant 0 : i32
    %dma_start3A_502 = tpu.memref_slice %arg4[%dma_start3A_500, %dma_start3A_501] : memref<16384x2048xf32, #tpu.memory_space<hbm>> -> memref<16384x1024xf32, #tpu.memory_space<hbm>>
    tpu.enqueue_indirect_dma source(%dma_start3A_502 : memref<16384x1024xf32, #tpu.memory_space<hbm>>) target(%arg12 : memref<16x1024xf32, #tpu.memory_space<vmem>>) offsets(%dma_start3A_499 : memref<16xi32, #tpu.memory_space<vmem>>) semaphore(%arg16 : memref<!tpu.dma_semaphore, #tpu.memory_space<semaphore_mem>>)
    %dma_wait3A_503 = arith.constant 8 : i32
    %dma_wait3A_504 = arith.constant 0 : i32
    %dma_wait3A_505 = tpu.memref_slice %arg8[%dma_wait3A_503, %dma_wait3A_504] : memref<16x16xi32, #tpu.memory_space<vmem>> -> memref<1x16xi32, #tpu.memory_space<vmem>>
    %dma_wait3A_506 = tpu.memref_squeeze %dma_wait3A_505 : memref<1x16xi32, #tpu.memory_space<vmem>> -> memref<16xi32, #tpu.memory_space<vmem>>
    %dma_wait3A_507 = arith.constant 0 : i32
    %dma_wait3A_508 = arith.constant 0 : i32
    %dma_wait3A_509 = tpu.memref_slice %arg4[%dma_wait3A_507, %dma_wait3A_508] : memref<16384x2048xf32, #tpu.memory_space<hbm>> -> memref<16384x1024xf32, #tpu.memory_space<hbm>>
    tpu.wait_indirect_dma semaphore(%arg15 : memref<!tpu.dma_semaphore, #tpu.memory_space<semaphore_mem>>) src(%dma_wait3A_509 : memref<16384x1024xf32, #tpu.memory_space<hbm>>) dst(%arg11 : memref<16x1024xf32, #tpu.memory_space<vmem>>)
    %add3A_510 = arith.constant 128 : i32
    %add3A_511 = arith.addi %mul3A_2, %add3A_510 : i32
    "tpu.region"() ({
      %run_scoped3A = tpu.sem_alloc : memref<!tpu.dma_semaphore, #tpu.memory_space<semaphore_mem>>
      %dma_start3A_621 = arith.constant 0 : i32
      %dma_start3A_622 = tpu.memref_slice %arg6[%add3A_511, %dma_start3A_621] : memref<8192x1024xf32, #tpu.memory_space<hbm>> -> memref<16x1024xf32, #tpu.memory_space<hbm>>
      %dma_start3A_623 = arith.constant 0 : i32
      %dma_start3A_624 = tpu.memref_slice %arg6[%add3A_511, %dma_start3A_623] : memref<8192x1024xf32, #tpu.memory_space<hbm>> -> memref<16x1024xf32, #tpu.memory_space<hbm>>
      tpu.enqueue_dma source(%arg11 : memref<16x1024xf32, #tpu.memory_space<vmem>>) target(%dma_start3A_624 : memref<16x1024xf32, #tpu.memory_space<hbm>>) target_semaphore(%run_scoped3A : memref<!tpu.dma_semaphore, #tpu.memory_space<semaphore_mem>>)
      %dma_wait3A_625 = arith.constant 0 : i32
      %dma_wait3A_626 = tpu.memref_slice %arg6[%add3A_511, %dma_wait3A_625] : memref<8192x1024xf32, #tpu.memory_space<hbm>> -> memref<16x1024xf32, #tpu.memory_space<hbm>>
      %dma_wait3A_627 = arith.constant 0 : i32
      %dma_wait3A_628 = tpu.memref_slice %arg6[%add3A_511, %dma_wait3A_627] : memref<8192x1024xf32, #tpu.memory_space<hbm>> -> memref<16x1024xf32, #tpu.memory_space<hbm>>
      tpu.wait_dma2 semaphore(%run_scoped3A : memref<!tpu.dma_semaphore, #tpu.memory_space<semaphore_mem>>) src(%arg11 : memref<16x1024xf32, #tpu.memory_space<vmem>>) dst(%dma_wait3A_628 : memref<16x1024xf32, #tpu.memory_space<hbm>>)
      tpu.yield
    }) : () -> ()
    %dma_start3A_512 = arith.constant 10 : i32
    %dma_start3A_513 = arith.constant 0 : i32
    %dma_start3A_514 = tpu.memref_slice %arg8[%dma_start3A_512, %dma_start3A_513] : memref<16x16xi32, #tpu.memory_space<vmem>> -> memref<1x16xi32, #tpu.memory_space<vmem>>
    %dma_start3A_515 = tpu.memref_squeeze %dma_start3A_514 : memref<1x16xi32, #tpu.memory_space<vmem>> -> memref<16xi32, #tpu.memory_space<vmem>>
    %dma_start3A_516 = arith.constant 0 : i32
    %dma_start3A_517 = arith.constant 0 : i32
    %dma_start3A_518 = tpu.memref_slice %arg4[%dma_start3A_516, %dma_start3A_517] : memref<16384x2048xf32, #tpu.memory_space<hbm>> -> memref<16384x1024xf32, #tpu.memory_space<hbm>>
    tpu.enqueue_indirect_dma source(%dma_start3A_518 : memref<16384x1024xf32, #tpu.memory_space<hbm>>) target(%arg11 : memref<16x1024xf32, #tpu.memory_space<vmem>>) offsets(%dma_start3A_515 : memref<16xi32, #tpu.memory_space<vmem>>) semaphore(%arg15 : memref<!tpu.dma_semaphore, #tpu.memory_space<semaphore_mem>>)
    %dma_wait3A_519 = arith.constant 9 : i32
    %dma_wait3A_520 = arith.constant 0 : i32
    %dma_wait3A_521 = tpu.memref_slice %arg8[%dma_wait3A_519, %dma_wait3A_520] : memref<16x16xi32, #tpu.memory_space<vmem>> -> memref<1x16xi32, #tpu.memory_space<vmem>>
    %dma_wait3A_522 = tpu.memref_squeeze %dma_wait3A_521 : memref<1x16xi32, #tpu.memory_space<vmem>> -> memref<16xi32, #tpu.memory_space<vmem>>
    %dma_wait3A_523 = arith.constant 0 : i32
    %dma_wait3A_524 = arith.constant 0 : i32
    %dma_wait3A_525 = tpu.memref_slice %arg4[%dma_wait3A_523, %dma_wait3A_524] : memref<16384x2048xf32, #tpu.memory_space<hbm>> -> memref<16384x1024xf32, #tpu.memory_space<hbm>>
    tpu.wait_indirect_dma semaphore(%arg16 : memref<!tpu.dma_semaphore, #tpu.memory_space<semaphore_mem>>) src(%dma_wait3A_525 : memref<16384x1024xf32, #tpu.memory_space<hbm>>) dst(%arg12 : memref<16x1024xf32, #tpu.memory_space<vmem>>)
    %add3A_526 = arith.constant 144 : i32
    %add3A_527 = arith.addi %mul3A_2, %add3A_526 : i32
    "tpu.region"() ({
      %run_scoped3A = tpu.sem_alloc : memref<!tpu.dma_semaphore, #tpu.memory_space<semaphore_mem>>
      %dma_start3A_621 = arith.constant 0 : i32
      %dma_start3A_622 = tpu.memref_slice %arg6[%add3A_527, %dma_start3A_621] : memref<8192x1024xf32, #tpu.memory_space<hbm>> -> memref<16x1024xf32, #tpu.memory_space<hbm>>
      %dma_start3A_623 = arith.constant 0 : i32
      %dma_start3A_624 = tpu.memref_slice %arg6[%add3A_527, %dma_start3A_623] : memref<8192x1024xf32, #tpu.memory_space<hbm>> -> memref<16x1024xf32, #tpu.memory_space<hbm>>
      tpu.enqueue_dma source(%arg12 : memref<16x1024xf32, #tpu.memory_space<vmem>>) target(%dma_start3A_624 : memref<16x1024xf32, #tpu.memory_space<hbm>>) target_semaphore(%run_scoped3A : memref<!tpu.dma_semaphore, #tpu.memory_space<semaphore_mem>>)
      %dma_wait3A_625 = arith.constant 0 : i32
      %dma_wait3A_626 = tpu.memref_slice %arg6[%add3A_527, %dma_wait3A_625] : memref<8192x1024xf32, #tpu.memory_space<hbm>> -> memref<16x1024xf32, #tpu.memory_space<hbm>>
      %dma_wait3A_627 = arith.constant 0 : i32
      %dma_wait3A_628 = tpu.memref_slice %arg6[%add3A_527, %dma_wait3A_627] : memref<8192x1024xf32, #tpu.memory_space<hbm>> -> memref<16x1024xf32, #tpu.memory_space<hbm>>
      tpu.wait_dma2 semaphore(%run_scoped3A : memref<!tpu.dma_semaphore, #tpu.memory_space<semaphore_mem>>) src(%arg12 : memref<16x1024xf32, #tpu.memory_space<vmem>>) dst(%dma_wait3A_628 : memref<16x1024xf32, #tpu.memory_space<hbm>>)
      tpu.yield
    }) : () -> ()
    %dma_start3A_528 = arith.constant 11 : i32
    %dma_start3A_529 = arith.constant 0 : i32
    %dma_start3A_530 = tpu.memref_slice %arg8[%dma_start3A_528, %dma_start3A_529] : memref<16x16xi32, #tpu.memory_space<vmem>> -> memref<1x16xi32, #tpu.memory_space<vmem>>
    %dma_start3A_531 = tpu.memref_squeeze %dma_start3A_530 : memref<1x16xi32, #tpu.memory_space<vmem>> -> memref<16xi32, #tpu.memory_space<vmem>>
    %dma_start3A_532 = arith.constant 0 : i32
    %dma_start3A_533 = arith.constant 0 : i32
    %dma_start3A_534 = tpu.memref_slice %arg4[%dma_start3A_532, %dma_start3A_533] : memref<16384x2048xf32, #tpu.memory_space<hbm>> -> memref<16384x1024xf32, #tpu.memory_space<hbm>>
    tpu.enqueue_indirect_dma source(%dma_start3A_534 : memref<16384x1024xf32, #tpu.memory_space<hbm>>) target(%arg12 : memref<16x1024xf32, #tpu.memory_space<vmem>>) offsets(%dma_start3A_531 : memref<16xi32, #tpu.memory_space<vmem>>) semaphore(%arg16 : memref<!tpu.dma_semaphore, #tpu.memory_space<semaphore_mem>>)
    %dma_wait3A_535 = arith.constant 10 : i32
    %dma_wait3A_536 = arith.constant 0 : i32
    %dma_wait3A_537 = tpu.memref_slice %arg8[%dma_wait3A_535, %dma_wait3A_536] : memref<16x16xi32, #tpu.memory_space<vmem>> -> memref<1x16xi32, #tpu.memory_space<vmem>>
    %dma_wait3A_538 = tpu.memref_squeeze %dma_wait3A_537 : memref<1x16xi32, #tpu.memory_space<vmem>> -> memref<16xi32, #tpu.memory_space<vmem>>
    %dma_wait3A_539 = arith.constant 0 : i32
    %dma_wait3A_540 = arith.constant 0 : i32
    %dma_wait3A_541 = tpu.memref_slice %arg4[%dma_wait3A_539, %dma_wait3A_540] : memref<16384x2048xf32, #tpu.memory_space<hbm>> -> memref<16384x1024xf32, #tpu.memory_space<hbm>>
    tpu.wait_indirect_dma semaphore(%arg15 : memref<!tpu.dma_semaphore, #tpu.memory_space<semaphore_mem>>) src(%dma_wait3A_541 : memref<16384x1024xf32, #tpu.memory_space<hbm>>) dst(%arg11 : memref<16x1024xf32, #tpu.memory_space<vmem>>)
    %add3A_542 = arith.constant 160 : i32
    %add3A_543 = arith.addi %mul3A_2, %add3A_542 : i32
    "tpu.region"() ({
      %run_scoped3A = tpu.sem_alloc : memref<!tpu.dma_semaphore, #tpu.memory_space<semaphore_mem>>
      %dma_start3A_621 = arith.constant 0 : i32
      %dma_start3A_622 = tpu.memref_slice %arg6[%add3A_543, %dma_start3A_621] : memref<8192x1024xf32, #tpu.memory_space<hbm>> -> memref<16x1024xf32, #tpu.memory_space<hbm>>
      %dma_start3A_623 = arith.constant 0 : i32
      %dma_start3A_624 = tpu.memref_slice %arg6[%add3A_543, %dma_start3A_623] : memref<8192x1024xf32, #tpu.memory_space<hbm>> -> memref<16x1024xf32, #tpu.memory_space<hbm>>
      tpu.enqueue_dma source(%arg11 : memref<16x1024xf32, #tpu.memory_space<vmem>>) target(%dma_start3A_624 : memref<16x1024xf32, #tpu.memory_space<hbm>>) target_semaphore(%run_scoped3A : memref<!tpu.dma_semaphore, #tpu.memory_space<semaphore_mem>>)
      %dma_wait3A_625 = arith.constant 0 : i32
      %dma_wait3A_626 = tpu.memref_slice %arg6[%add3A_543, %dma_wait3A_625] : memref<8192x1024xf32, #tpu.memory_space<hbm>> -> memref<16x1024xf32, #tpu.memory_space<hbm>>
      %dma_wait3A_627 = arith.constant 0 : i32
      %dma_wait3A_628 = tpu.memref_slice %arg6[%add3A_543, %dma_wait3A_627] : memref<8192x1024xf32, #tpu.memory_space<hbm>> -> memref<16x1024xf32, #tpu.memory_space<hbm>>
      tpu.wait_dma2 semaphore(%run_scoped3A : memref<!tpu.dma_semaphore, #tpu.memory_space<semaphore_mem>>) src(%arg11 : memref<16x1024xf32, #tpu.memory_space<vmem>>) dst(%dma_wait3A_628 : memref<16x1024xf32, #tpu.memory_space<hbm>>)
      tpu.yield
    }) : () -> ()
    %dma_start3A_544 = arith.constant 12 : i32
    %dma_start3A_545 = arith.constant 0 : i32
    %dma_start3A_546 = tpu.memref_slice %arg8[%dma_start3A_544, %dma_start3A_545] : memref<16x16xi32, #tpu.memory_space<vmem>> -> memref<1x16xi32, #tpu.memory_space<vmem>>
    %dma_start3A_547 = tpu.memref_squeeze %dma_start3A_546 : memref<1x16xi32, #tpu.memory_space<vmem>> -> memref<16xi32, #tpu.memory_space<vmem>>
    %dma_start3A_548 = arith.constant 0 : i32
    %dma_start3A_549 = arith.constant 0 : i32
    %dma_start3A_550 = tpu.memref_slice %arg4[%dma_start3A_548, %dma_start3A_549] : memref<16384x2048xf32, #tpu.memory_space<hbm>> -> memref<16384x1024xf32, #tpu.memory_space<hbm>>
    tpu.enqueue_indirect_dma source(%dma_start3A_550 : memref<16384x1024xf32, #tpu.memory_space<hbm>>) target(%arg11 : memref<16x1024xf32, #tpu.memory_space<vmem>>) offsets(%dma_start3A_547 : memref<16xi32, #tpu.memory_space<vmem>>) semaphore(%arg15 : memref<!tpu.dma_semaphore, #tpu.memory_space<semaphore_mem>>)
    %dma_wait3A_551 = arith.constant 11 : i32
    %dma_wait3A_552 = arith.constant 0 : i32
    %dma_wait3A_553 = tpu.memref_slice %arg8[%dma_wait3A_551, %dma_wait3A_552] : memref<16x16xi32, #tpu.memory_space<vmem>> -> memref<1x16xi32, #tpu.memory_space<vmem>>
    %dma_wait3A_554 = tpu.memref_squeeze %dma_wait3A_553 : memref<1x16xi32, #tpu.memory_space<vmem>> -> memref<16xi32, #tpu.memory_space<vmem>>
    %dma_wait3A_555 = arith.constant 0 : i32
    %dma_wait3A_556 = arith.constant 0 : i32
    %dma_wait3A_557 = tpu.memref_slice %arg4[%dma_wait3A_555, %dma_wait3A_556] : memref<16384x2048xf32, #tpu.memory_space<hbm>> -> memref<16384x1024xf32, #tpu.memory_space<hbm>>
    tpu.wait_indirect_dma semaphore(%arg16 : memref<!tpu.dma_semaphore, #tpu.memory_space<semaphore_mem>>) src(%dma_wait3A_557 : memref<16384x1024xf32, #tpu.memory_space<hbm>>) dst(%arg12 : memref<16x1024xf32, #tpu.memory_space<vmem>>)
    %add3A_558 = arith.constant 176 : i32
    %add3A_559 = arith.addi %mul3A_2, %add3A_558 : i32
    "tpu.region"() ({
      %run_scoped3A = tpu.sem_alloc : memref<!tpu.dma_semaphore, #tpu.memory_space<semaphore_mem>>
      %dma_start3A_621 = arith.constant 0 : i32
      %dma_start3A_622 = tpu.memref_slice %arg6[%add3A_559, %dma_start3A_621] : memref<8192x1024xf32, #tpu.memory_space<hbm>> -> memref<16x1024xf32, #tpu.memory_space<hbm>>
      %dma_start3A_623 = arith.constant 0 : i32
      %dma_start3A_624 = tpu.memref_slice %arg6[%add3A_559, %dma_start3A_623] : memref<8192x1024xf32, #tpu.memory_space<hbm>> -> memref<16x1024xf32, #tpu.memory_space<hbm>>
      tpu.enqueue_dma source(%arg12 : memref<16x1024xf32, #tpu.memory_space<vmem>>) target(%dma_start3A_624 : memref<16x1024xf32, #tpu.memory_space<hbm>>) target_semaphore(%run_scoped3A : memref<!tpu.dma_semaphore, #tpu.memory_space<semaphore_mem>>)
      %dma_wait3A_625 = arith.constant 0 : i32
      %dma_wait3A_626 = tpu.memref_slice %arg6[%add3A_559, %dma_wait3A_625] : memref<8192x1024xf32, #tpu.memory_space<hbm>> -> memref<16x1024xf32, #tpu.memory_space<hbm>>
      %dma_wait3A_627 = arith.constant 0 : i32
      %dma_wait3A_628 = tpu.memref_slice %arg6[%add3A_559, %dma_wait3A_627] : memref<8192x1024xf32, #tpu.memory_space<hbm>> -> memref<16x1024xf32, #tpu.memory_space<hbm>>
      tpu.wait_dma2 semaphore(%run_scoped3A : memref<!tpu.dma_semaphore, #tpu.memory_space<semaphore_mem>>) src(%arg12 : memref<16x1024xf32, #tpu.memory_space<vmem>>) dst(%dma_wait3A_628 : memref<16x1024xf32, #tpu.memory_space<hbm>>)
      tpu.yield
    }) : () -> ()
    %dma_start3A_560 = arith.constant 13 : i32
    %dma_start3A_561 = arith.constant 0 : i32
    %dma_start3A_562 = tpu.memref_slice %arg8[%dma_start3A_560, %dma_start3A_561] : memref<16x16xi32, #tpu.memory_space<vmem>> -> memref<1x16xi32, #tpu.memory_space<vmem>>
    %dma_start3A_563 = tpu.memref_squeeze %dma_start3A_562 : memref<1x16xi32, #tpu.memory_space<vmem>> -> memref<16xi32, #tpu.memory_space<vmem>>
    %dma_start3A_564 = arith.constant 0 : i32
    %dma_start3A_565 = arith.constant 0 : i32
    %dma_start3A_566 = tpu.memref_slice %arg4[%dma_start3A_564, %dma_start3A_565] : memref<16384x2048xf32, #tpu.memory_space<hbm>> -> memref<16384x1024xf32, #tpu.memory_space<hbm>>
    tpu.enqueue_indirect_dma source(%dma_start3A_566 : memref<16384x1024xf32, #tpu.memory_space<hbm>>) target(%arg12 : memref<16x1024xf32, #tpu.memory_space<vmem>>) offsets(%dma_start3A_563 : memref<16xi32, #tpu.memory_space<vmem>>) semaphore(%arg16 : memref<!tpu.dma_semaphore, #tpu.memory_space<semaphore_mem>>)
    %dma_wait3A_567 = arith.constant 12 : i32
    %dma_wait3A_568 = arith.constant 0 : i32
    %dma_wait3A_569 = tpu.memref_slice %arg8[%dma_wait3A_567, %dma_wait3A_568] : memref<16x16xi32, #tpu.memory_space<vmem>> -> memref<1x16xi32, #tpu.memory_space<vmem>>
    %dma_wait3A_570 = tpu.memref_squeeze %dma_wait3A_569 : memref<1x16xi32, #tpu.memory_space<vmem>> -> memref<16xi32, #tpu.memory_space<vmem>>
    %dma_wait3A_571 = arith.constant 0 : i32
    %dma_wait3A_572 = arith.constant 0 : i32
    %dma_wait3A_573 = tpu.memref_slice %arg4[%dma_wait3A_571, %dma_wait3A_572] : memref<16384x2048xf32, #tpu.memory_space<hbm>> -> memref<16384x1024xf32, #tpu.memory_space<hbm>>
    tpu.wait_indirect_dma semaphore(%arg15 : memref<!tpu.dma_semaphore, #tpu.memory_space<semaphore_mem>>) src(%dma_wait3A_573 : memref<16384x1024xf32, #tpu.memory_space<hbm>>) dst(%arg11 : memref<16x1024xf32, #tpu.memory_space<vmem>>)
    %add3A_574 = arith.constant 192 : i32
    %add3A_575 = arith.addi %mul3A_2, %add3A_574 : i32
    "tpu.region"() ({
      %run_scoped3A = tpu.sem_alloc : memref<!tpu.dma_semaphore, #tpu.memory_space<semaphore_mem>>
      %dma_start3A_621 = arith.constant 0 : i32
      %dma_start3A_622 = tpu.memref_slice %arg6[%add3A_575, %dma_start3A_621] : memref<8192x1024xf32, #tpu.memory_space<hbm>> -> memref<16x1024xf32, #tpu.memory_space<hbm>>
      %dma_start3A_623 = arith.constant 0 : i32
      %dma_start3A_624 = tpu.memref_slice %arg6[%add3A_575, %dma_start3A_623] : memref<8192x1024xf32, #tpu.memory_space<hbm>> -> memref<16x1024xf32, #tpu.memory_space<hbm>>
      tpu.enqueue_dma source(%arg11 : memref<16x1024xf32, #tpu.memory_space<vmem>>) target(%dma_start3A_624 : memref<16x1024xf32, #tpu.memory_space<hbm>>) target_semaphore(%run_scoped3A : memref<!tpu.dma_semaphore, #tpu.memory_space<semaphore_mem>>)
      %dma_wait3A_625 = arith.constant 0 : i32
      %dma_wait3A_626 = tpu.memref_slice %arg6[%add3A_575, %dma_wait3A_625] : memref<8192x1024xf32, #tpu.memory_space<hbm>> -> memref<16x1024xf32, #tpu.memory_space<hbm>>
      %dma_wait3A_627 = arith.constant 0 : i32
      %dma_wait3A_628 = tpu.memref_slice %arg6[%add3A_575, %dma_wait3A_627] : memref<8192x1024xf32, #tpu.memory_space<hbm>> -> memref<16x1024xf32, #tpu.memory_space<hbm>>
      tpu.wait_dma2 semaphore(%run_scoped3A : memref<!tpu.dma_semaphore, #tpu.memory_space<semaphore_mem>>) src(%arg11 : memref<16x1024xf32, #tpu.memory_space<vmem>>) dst(%dma_wait3A_628 : memref<16x1024xf32, #tpu.memory_space<hbm>>)
      tpu.yield
    }) : () -> ()
    %dma_start3A_576 = arith.constant 14 : i32
    %dma_start3A_577 = arith.constant 0 : i32
    %dma_start3A_578 = tpu.memref_slice %arg8[%dma_start3A_576, %dma_start3A_577] : memref<16x16xi32, #tpu.memory_space<vmem>> -> memref<1x16xi32, #tpu.memory_space<vmem>>
    %dma_start3A_579 = tpu.memref_squeeze %dma_start3A_578 : memref<1x16xi32, #tpu.memory_space<vmem>> -> memref<16xi32, #tpu.memory_space<vmem>>
    %dma_start3A_580 = arith.constant 0 : i32
    %dma_start3A_581 = arith.constant 0 : i32
    %dma_start3A_582 = tpu.memref_slice %arg4[%dma_start3A_580, %dma_start3A_581] : memref<16384x2048xf32, #tpu.memory_space<hbm>> -> memref<16384x1024xf32, #tpu.memory_space<hbm>>
    tpu.enqueue_indirect_dma source(%dma_start3A_582 : memref<16384x1024xf32, #tpu.memory_space<hbm>>) target(%arg11 : memref<16x1024xf32, #tpu.memory_space<vmem>>) offsets(%dma_start3A_579 : memref<16xi32, #tpu.memory_space<vmem>>) semaphore(%arg15 : memref<!tpu.dma_semaphore, #tpu.memory_space<semaphore_mem>>)
    %dma_wait3A_583 = arith.constant 13 : i32
    %dma_wait3A_584 = arith.constant 0 : i32
    %dma_wait3A_585 = tpu.memref_slice %arg8[%dma_wait3A_583, %dma_wait3A_584] : memref<16x16xi32, #tpu.memory_space<vmem>> -> memref<1x16xi32, #tpu.memory_space<vmem>>
    %dma_wait3A_586 = tpu.memref_squeeze %dma_wait3A_585 : memref<1x16xi32, #tpu.memory_space<vmem>> -> memref<16xi32, #tpu.memory_space<vmem>>
    %dma_wait3A_587 = arith.constant 0 : i32
    %dma_wait3A_588 = arith.constant 0 : i32
    %dma_wait3A_589 = tpu.memref_slice %arg4[%dma_wait3A_587, %dma_wait3A_588] : memref<16384x2048xf32, #tpu.memory_space<hbm>> -> memref<16384x1024xf32, #tpu.memory_space<hbm>>
    tpu.wait_indirect_dma semaphore(%arg16 : memref<!tpu.dma_semaphore, #tpu.memory_space<semaphore_mem>>) src(%dma_wait3A_589 : memref<16384x1024xf32, #tpu.memory_space<hbm>>) dst(%arg12 : memref<16x1024xf32, #tpu.memory_space<vmem>>)
    %add3A_590 = arith.constant 208 : i32
    %add3A_591 = arith.addi %mul3A_2, %add3A_590 : i32
    "tpu.region"() ({
      %run_scoped3A = tpu.sem_alloc : memref<!tpu.dma_semaphore, #tpu.memory_space<semaphore_mem>>
      %dma_start3A_621 = arith.constant 0 : i32
      %dma_start3A_622 = tpu.memref_slice %arg6[%add3A_591, %dma_start3A_621] : memref<8192x1024xf32, #tpu.memory_space<hbm>> -> memref<16x1024xf32, #tpu.memory_space<hbm>>
      %dma_start3A_623 = arith.constant 0 : i32
      %dma_start3A_624 = tpu.memref_slice %arg6[%add3A_591, %dma_start3A_623] : memref<8192x1024xf32, #tpu.memory_space<hbm>> -> memref<16x1024xf32, #tpu.memory_space<hbm>>
      tpu.enqueue_dma source(%arg12 : memref<16x1024xf32, #tpu.memory_space<vmem>>) target(%dma_start3A_624 : memref<16x1024xf32, #tpu.memory_space<hbm>>) target_semaphore(%run_scoped3A : memref<!tpu.dma_semaphore, #tpu.memory_space<semaphore_mem>>)
      %dma_wait3A_625 = arith.constant 0 : i32
      %dma_wait3A_626 = tpu.memref_slice %arg6[%add3A_591, %dma_wait3A_625] : memref<8192x1024xf32, #tpu.memory_space<hbm>> -> memref<16x1024xf32, #tpu.memory_space<hbm>>
      %dma_wait3A_627 = arith.constant 0 : i32
      %dma_wait3A_628 = tpu.memref_slice %arg6[%add3A_591, %dma_wait3A_627] : memref<8192x1024xf32, #tpu.memory_space<hbm>> -> memref<16x1024xf32, #tpu.memory_space<hbm>>
      tpu.wait_dma2 semaphore(%run_scoped3A : memref<!tpu.dma_semaphore, #tpu.memory_space<semaphore_mem>>) src(%arg12 : memref<16x1024xf32, #tpu.memory_space<vmem>>) dst(%dma_wait3A_628 : memref<16x1024xf32, #tpu.memory_space<hbm>>)
      tpu.yield
    }) : () -> ()
    %dma_start3A_592 = arith.constant 15 : i32
    %dma_start3A_593 = arith.constant 0 : i32
    %dma_start3A_594 = tpu.memref_slice %arg8[%dma_start3A_592, %dma_start3A_593] : memref<16x16xi32, #tpu.memory_space<vmem>> -> memref<1x16xi32, #tpu.memory_space<vmem>>
    %dma_start3A_595 = tpu.memref_squeeze %dma_start3A_594 : memref<1x16xi32, #tpu.memory_space<vmem>> -> memref<16xi32, #tpu.memory_space<vmem>>
    %dma_start3A_596 = arith.constant 0 : i32
    %dma_start3A_597 = arith.constant 0 : i32
    %dma_start3A_598 = tpu.memref_slice %arg4[%dma_start3A_596, %dma_start3A_597] : memref<16384x2048xf32, #tpu.memory_space<hbm>> -> memref<16384x1024xf32, #tpu.memory_space<hbm>>
    tpu.enqueue_indirect_dma source(%dma_start3A_598 : memref<16384x1024xf32, #tpu.memory_space<hbm>>) target(%arg12 : memref<16x1024xf32, #tpu.memory_space<vmem>>) offsets(%dma_start3A_595 : memref<16xi32, #tpu.memory_space<vmem>>) semaphore(%arg16 : memref<!tpu.dma_semaphore, #tpu.memory_space<semaphore_mem>>)
    %dma_wait3A_599 = arith.constant 14 : i32
    %dma_wait3A_600 = arith.constant 0 : i32
    %dma_wait3A_601 = tpu.memref_slice %arg8[%dma_wait3A_599, %dma_wait3A_600] : memref<16x16xi32, #tpu.memory_space<vmem>> -> memref<1x16xi32, #tpu.memory_space<vmem>>
    %dma_wait3A_602 = tpu.memref_squeeze %dma_wait3A_601 : memref<1x16xi32, #tpu.memory_space<vmem>> -> memref<16xi32, #tpu.memory_space<vmem>>
    %dma_wait3A_603 = arith.constant 0 : i32
    %dma_wait3A_604 = arith.constant 0 : i32
    %dma_wait3A_605 = tpu.memref_slice %arg4[%dma_wait3A_603, %dma_wait3A_604] : memref<16384x2048xf32, #tpu.memory_space<hbm>> -> memref<16384x1024xf32, #tpu.memory_space<hbm>>
    tpu.wait_indirect_dma semaphore(%arg15 : memref<!tpu.dma_semaphore, #tpu.memory_space<semaphore_mem>>) src(%dma_wait3A_605 : memref<16384x1024xf32, #tpu.memory_space<hbm>>) dst(%arg11 : memref<16x1024xf32, #tpu.memory_space<vmem>>)
    %add3A_606 = arith.constant 224 : i32
    %add3A_607 = arith.addi %mul3A_2, %add3A_606 : i32
    "tpu.region"() ({
      %run_scoped3A = tpu.sem_alloc : memref<!tpu.dma_semaphore, #tpu.memory_space<semaphore_mem>>
      %dma_start3A_621 = arith.constant 0 : i32
      %dma_start3A_622 = tpu.memref_slice %arg6[%add3A_607, %dma_start3A_621] : memref<8192x1024xf32, #tpu.memory_space<hbm>> -> memref<16x1024xf32, #tpu.memory_space<hbm>>
      %dma_start3A_623 = arith.constant 0 : i32
      %dma_start3A_624 = tpu.memref_slice %arg6[%add3A_607, %dma_start3A_623] : memref<8192x1024xf32, #tpu.memory_space<hbm>> -> memref<16x1024xf32, #tpu.memory_space<hbm>>
      tpu.enqueue_dma source(%arg11 : memref<16x1024xf32, #tpu.memory_space<vmem>>) target(%dma_start3A_624 : memref<16x1024xf32, #tpu.memory_space<hbm>>) target_semaphore(%run_scoped3A : memref<!tpu.dma_semaphore, #tpu.memory_space<semaphore_mem>>)
      %dma_wait3A_625 = arith.constant 0 : i32
      %dma_wait3A_626 = tpu.memref_slice %arg6[%add3A_607, %dma_wait3A_625] : memref<8192x1024xf32, #tpu.memory_space<hbm>> -> memref<16x1024xf32, #tpu.memory_space<hbm>>
      %dma_wait3A_627 = arith.constant 0 : i32
      %dma_wait3A_628 = tpu.memref_slice %arg6[%add3A_607, %dma_wait3A_627] : memref<8192x1024xf32, #tpu.memory_space<hbm>> -> memref<16x1024xf32, #tpu.memory_space<hbm>>
      tpu.wait_dma2 semaphore(%run_scoped3A : memref<!tpu.dma_semaphore, #tpu.memory_space<semaphore_mem>>) src(%arg11 : memref<16x1024xf32, #tpu.memory_space<vmem>>) dst(%dma_wait3A_628 : memref<16x1024xf32, #tpu.memory_space<hbm>>)
      tpu.yield
    }) : () -> ()
    %dma_wait3A_608 = arith.constant 15 : i32
    %dma_wait3A_609 = arith.constant 0 : i32
    %dma_wait3A_610 = tpu.memref_slice %arg8[%dma_wait3A_608, %dma_wait3A_609] : memref<16x16xi32, #tpu.memory_space<vmem>> -> memref<1x16xi32, #tpu.memory_space<vmem>>
    %dma_wait3A_611 = tpu.memref_squeeze %dma_wait3A_610 : memref<1x16xi32, #tpu.memory_space<vmem>> -> memref<16xi32, #tpu.memory_space<vmem>>
    %dma_wait3A_612 = arith.constant 0 : i32
    %dma_wait3A_613 = arith.constant 0 : i32
    %dma_wait3A_614 = tpu.memref_slice %arg4[%dma_wait3A_612, %dma_wait3A_613] : memref<16384x2048xf32, #tpu.memory_space<hbm>> -> memref<16384x1024xf32, #tpu.memory_space<hbm>>
    tpu.wait_indirect_dma semaphore(%arg16 : memref<!tpu.dma_semaphore, #tpu.memory_space<semaphore_mem>>) src(%dma_wait3A_614 : memref<16384x1024xf32, #tpu.memory_space<hbm>>) dst(%arg12 : memref<16x1024xf32, #tpu.memory_space<vmem>>)
    %add3A_615 = arith.constant 240 : i32
    %add3A_616 = arith.addi %mul3A_2, %add3A_615 : i32
    "tpu.region"() ({
      %run_scoped3A = tpu.sem_alloc : memref<!tpu.dma_semaphore, #tpu.memory_space<semaphore_mem>>
      %dma_start3A_621 = arith.constant 0 : i32
      %dma_start3A_622 = tpu.memref_slice %arg6[%add3A_616, %dma_start3A_621] : memref<8192x1024xf32, #tpu.memory_space<hbm>> -> memref<16x1024xf32, #tpu.memory_space<hbm>>
      %dma_start3A_623 = arith.constant 0 : i32
      %dma_start3A_624 = tpu.memref_slice %arg6[%add3A_616, %dma_start3A_623] : memref<8192x1024xf32, #tpu.memory_space<hbm>> -> memref<16x1024xf32, #tpu.memory_space<hbm>>
      tpu.enqueue_dma source(%arg12 : memref<16x1024xf32, #tpu.memory_space<vmem>>) target(%dma_start3A_624 : memref<16x1024xf32, #tpu.memory_space<hbm>>) target_semaphore(%run_scoped3A : memref<!tpu.dma_semaphore, #tpu.memory_space<semaphore_mem>>)
      %dma_wait3A_625 = arith.constant 0 : i32
      %dma_wait3A_626 = tpu.memref_slice %arg6[%add3A_616, %dma_wait3A_625] : memref<8192x1024xf32, #tpu.memory_space<hbm>> -> memref<16x1024xf32, #tpu.memory_space<hbm>>
      %dma_wait3A_627 = arith.constant 0 : i32
      %dma_wait3A_628 = tpu.memref_slice %arg6[%add3A_616, %dma_wait3A_627] : memref<8192x1024xf32, #tpu.memory_space<hbm>> -> memref<16x1024xf32, #tpu.memory_space<hbm>>
      tpu.wait_dma2 semaphore(%run_scoped3A : memref<!tpu.dma_semaphore, #tpu.memory_space<semaphore_mem>>) src(%arg12 : memref<16x1024xf32, #tpu.memory_space<vmem>>) dst(%dma_wait3A_628 : memref<16x1024xf32, #tpu.memory_space<hbm>>)
      tpu.yield
    }) : () -> ()
    %dma_wait3A_617 = arith.constant 0 : i32
    %dma_wait3A_618 = tpu.memref_slice %arg5[%add3A_466, %dma_wait3A_617] : memref<8192x256xf32, #tpu.memory_space<hbm>> -> memref<128x256xf32, #tpu.memory_space<hbm>>
    %dma_wait3A_619 = arith.constant 0 : i32
    %dma_wait3A_620 = tpu.memref_slice %arg5[%add3A_466, %dma_wait3A_619] : memref<8192x256xf32, #tpu.memory_space<hbm>> -> memref<128x256xf32, #tpu.memory_space<hbm>>
    tpu.wait_dma2 semaphore(%arg14 : memref<!tpu.dma_semaphore, #tpu.memory_space<semaphore_mem>>) src(%arg10 : memref<128x256xf32, #tpu.memory_space<vmem>>) dst(%dma_wait3A_620 : memref<128x256xf32, #tpu.memory_space<hbm>>)
    return
  }
}

module attributes {stable_mosaic.version = 14 : i64} {
  func.func @_topk_body(%arg0: i32, %arg1: memref<1x2048x256xf32, #tpu.memory_space<vmem>>, %arg2: memref<256x1xf32, #tpu.memory_space<vmem>>, %arg3: memref<1x1xf32, #tpu.memory_space<vmem>>, %arg4: memref<1x1x1024xi32, #tpu.memory_space<vmem>>) attributes {dimension_semantics = [#tpu.dimension_semantics<arbitrary>], iteration_bounds = array<i64: 8>, scalar_prefetch = 0 : i64, scratch_operands = 0 : i64, tpu.core_type = #tpu.core_type<tc>, window_params = [{transform_indices = @transform_0, window_bounds = array<i64: 1, 2048, 256>}, {pipeline_mode = #tpu.pipeline_mode<synchronous>, transform_indices = @transform_1, window_bounds = array<i64: 256, 1>}, {pipeline_mode = #tpu.pipeline_mode<synchronous>, transform_indices = @transform_2, window_bounds = array<i64: 1, 1>}, {transform_indices = @transform_3, window_bounds = array<i64: 1, 1, 1024>}]} {
    %get3A = arith.constant 0 : index
    %get3A_0 = arith.constant 0 : index
    %get3A_1 = arith.constant 0 : index
    %get3A_2 = vector.load %arg1[%get3A, %get3A_0, %get3A_1] : memref<1x2048x256xf32, #tpu.memory_space<vmem>>, vector<1x2048x256xf32>
    %get3A_3 = vector.shape_cast %get3A_2 : vector<1x2048x256xf32> to vector<2048x256xf32>
    %get3A_4 = arith.constant 0 : index
    %get3A_5 = arith.constant 0 : index
    %get3A_6 = vector.load %arg2[%get3A_4, %get3A_5] : memref<256x1xf32, #tpu.memory_space<vmem>>, vector<256x1xf32>
    %get3A_7 = arith.constant 0 : index
    %get3A_8 = arith.constant 0 : index
    %get3A_9 = vector.load %arg3[%get3A_7, %get3A_8] : memref<1x1xf32, #tpu.memory_space<vmem>>, vector<1x1xf32>
    %get3A_10 = vector.extract %get3A_9[0, 0] : f32 from vector<1x1xf32>
    %dot_general3A = arith.constant dense<0.000000e+00> : vector<2048x1xf32>
    %dot_general3A_11 = tpu.matmul %get3A_3, %get3A_6, %dot_general3A {dimension_numbers = #tpu.dot_dimension_numbers<[1], [0], [0], [1], [0, 0, 1, 1], [], []>, transpose_lhs_hint = false} : vector<2048x256xf32>, vector<256x1xf32>, vector<2048x1xf32> -> vector<2048x1xf32>
    %add3A = vector.broadcast %get3A_10 : f32 to vector<2048x1xf32>
    %add3A_12 = arith.addf %dot_general3A_11, %add3A : vector<2048x1xf32>
    %transpose3A = tpu.transpose %add3A_12, [1, 0] : vector<2048x1xf32> -> vector<1x2048xf32>
    %slice3A = vector.extract_strided_slice %add3A_12 {offsets = [0, 0], sizes = [256, 1], strides = [1, 1]} : vector<2048x1xf32> to vector<256x1xf32>
    %slice3A_13 = vector.extract_strided_slice %add3A_12 {offsets = [256, 0], sizes = [256, 1], strides = [1, 1]} : vector<2048x1xf32> to vector<256x1xf32>
    %slice3A_14 = vector.extract_strided_slice %add3A_12 {offsets = [512, 0], sizes = [256, 1], strides = [1, 1]} : vector<2048x1xf32> to vector<256x1xf32>
    %slice3A_15 = vector.extract_strided_slice %add3A_12 {offsets = [768, 0], sizes = [256, 1], strides = [1, 1]} : vector<2048x1xf32> to vector<256x1xf32>
    %slice3A_16 = vector.extract_strided_slice %add3A_12 {offsets = [1024, 0], sizes = [256, 1], strides = [1, 1]} : vector<2048x1xf32> to vector<256x1xf32>
    %slice3A_17 = vector.extract_strided_slice %add3A_12 {offsets = [1280, 0], sizes = [256, 1], strides = [1, 1]} : vector<2048x1xf32> to vector<256x1xf32>
    %slice3A_18 = vector.extract_strided_slice %add3A_12 {offsets = [1536, 0], sizes = [256, 1], strides = [1, 1]} : vector<2048x1xf32> to vector<256x1xf32>
    %slice3A_19 = vector.extract_strided_slice %add3A_12 {offsets = [1792, 0], sizes = [256, 1], strides = [1, 1]} : vector<2048x1xf32> to vector<256x1xf32>
    %slice3A_20 = vector.extract_strided_slice %transpose3A {offsets = [0, 0], sizes = [1, 256], strides = [1, 1]} : vector<1x2048xf32> to vector<1x256xf32>
    %slice3A_21 = vector.extract_strided_slice %transpose3A {offsets = [0, 256], sizes = [1, 256], strides = [1, 1]} : vector<1x2048xf32> to vector<1x256xf32>
    %slice3A_22 = vector.extract_strided_slice %transpose3A {offsets = [0, 512], sizes = [1, 256], strides = [1, 1]} : vector<1x2048xf32> to vector<1x256xf32>
    %slice3A_23 = vector.extract_strided_slice %transpose3A {offsets = [0, 768], sizes = [1, 256], strides = [1, 1]} : vector<1x2048xf32> to vector<1x256xf32>
    %slice3A_24 = vector.extract_strided_slice %transpose3A {offsets = [0, 1024], sizes = [1, 256], strides = [1, 1]} : vector<1x2048xf32> to vector<1x256xf32>
    %slice3A_25 = vector.extract_strided_slice %transpose3A {offsets = [0, 1280], sizes = [1, 256], strides = [1, 1]} : vector<1x2048xf32> to vector<1x256xf32>
    %slice3A_26 = vector.extract_strided_slice %transpose3A {offsets = [0, 1536], sizes = [1, 256], strides = [1, 1]} : vector<1x2048xf32> to vector<1x256xf32>
    %slice3A_27 = vector.extract_strided_slice %transpose3A {offsets = [0, 1792], sizes = [1, 256], strides = [1, 1]} : vector<1x2048xf32> to vector<1x256xf32>
    %broadcast_in_dim3A = arith.constant 1.000000e+00 : f32
    %broadcast_in_dim3A_28 = vector.broadcast %broadcast_in_dim3A : f32 to vector<256x1xf32>
    %iota3A = tpu.iota {dimensions = array<i32: 1>} : vector<256x256xi32>
    %iota3A_29 = tpu.iota {dimensions = array<i32: 0>} : vector<256x256xi32>
    %gt3A = arith.cmpi sgt, %iota3A, %iota3A_29 : vector<256x256xi32>
    %broadcast_in_dim3A_30 = arith.constant 0.000000e+00 : f32
    %broadcast_in_dim3A_31 = vector.broadcast %broadcast_in_dim3A_30 : f32 to vector<1x2048xf32>
    %gt3A_32 = vector.broadcast %slice3A_20 : vector<1x256xf32> to vector<256x256xf32>
    %gt3A_33 = vector.broadcast %slice3A : vector<256x1xf32> to vector<256x256xf32>
    %gt3A_34 = arith.cmpf ogt, %gt3A_32, %gt3A_33 : vector<256x256xf32>
    %and3A = arith.andi %gt3A_34, %gt3A : vector<256x256xi1>
    %jit3A = arith.constant 1.000000e+00 : f32
    %jit3A_35 = arith.constant 0.000000e+00 : f32
    %broadcast_in_dim3A_36 = vector.broadcast %jit3A : f32 to vector<256x256xf32>
    %broadcast_in_dim3A_37 = vector.broadcast %jit3A_35 : f32 to vector<256x256xf32>
    %select_n3A = arith.select %and3A, %broadcast_in_dim3A_36, %broadcast_in_dim3A_37 : vector<256x256xi1>, vector<256x256xf32>
    %dot_general3A_38 = arith.constant dense<0.000000e+00> : vector<256x1xf32>
    %dot_general3A_39 = tpu.matmul %select_n3A, %broadcast_in_dim3A_28, %dot_general3A_38 {dimension_numbers = #tpu.dot_dimension_numbers<[1], [0], [0], [1], [0, 0, 1, 1], [], []>, transpose_lhs_hint = false} : vector<256x256xf32>, vector<256x1xf32>, vector<256x1xf32> -> vector<256x1xf32>
    %dot_general3A_40 = arith.constant dense<0.000000e+00> : vector<1x256xf32>
    %dot_general3A_41 = tpu.matmul %broadcast_in_dim3A_28, %select_n3A, %dot_general3A_40 {dimension_numbers = #tpu.dot_dimension_numbers<[0], [0], [1], [1], [0, 1, 1, 1], [], []>, transpose_lhs_hint = false} : vector<256x1xf32>, vector<256x256xf32>, vector<1x256xf32> -> vector<1x256xf32>
    %slice3A_42 = vector.extract_strided_slice %transpose3A {offsets = [0, 256], sizes = [1, 1792], strides = [1, 1]} : vector<1x2048xf32> to vector<1x1792xf32>
    %gt3A_43 = vector.broadcast %slice3A_42 : vector<1x1792xf32> to vector<256x1792xf32>
    %gt3A_44 = vector.broadcast %slice3A : vector<256x1xf32> to vector<256x1792xf32>
    %gt3A_45 = arith.cmpf ogt, %gt3A_43, %gt3A_44 : vector<256x1792xf32>
    %jit3A_46 = arith.constant 1.000000e+00 : f32
    %jit3A_47 = arith.constant 0.000000e+00 : f32
    %broadcast_in_dim3A_48 = vector.broadcast %jit3A_46 : f32 to vector<256x1792xf32>
    %broadcast_in_dim3A_49 = vector.broadcast %jit3A_47 : f32 to vector<256x1792xf32>
    %select_n3A_50 = arith.select %gt3A_45, %broadcast_in_dim3A_48, %broadcast_in_dim3A_49 : vector<256x1792xi1>, vector<256x1792xf32>
    %broadcast_in_dim3A_51 = arith.constant 1.000000e+00 : f32
    %broadcast_in_dim3A_52 = vector.broadcast %broadcast_in_dim3A_51 : f32 to vector<1792x1xf32>
    %dot_general3A_53 = arith.constant dense<0.000000e+00> : vector<256x1xf32>
    %dot_general3A_54 = tpu.matmul %select_n3A_50, %broadcast_in_dim3A_52, %dot_general3A_53 {dimension_numbers = #tpu.dot_dimension_numbers<[1], [0], [0], [1], [0, 0, 1, 1], [], []>, transpose_lhs_hint = false} : vector<256x1792xf32>, vector<1792x1xf32>, vector<256x1xf32> -> vector<256x1xf32>
    %add3A_55 = arith.addf %dot_general3A_39, %dot_general3A_54 : vector<256x1xf32>
    %dot_general3A_56 = arith.constant dense<0.000000e+00> : vector<1x1792xf32>
    %dot_general3A_57 = tpu.matmul %broadcast_in_dim3A_28, %select_n3A_50, %dot_general3A_56 {dimension_numbers = #tpu.dot_dimension_numbers<[0], [0], [1], [1], [0, 1, 1, 1], [], []>, transpose_lhs_hint = false} : vector<256x1xf32>, vector<256x1792xf32>, vector<1x1792xf32> -> vector<1x1792xf32>
    %concatenate3A = tpu.concatenate %dot_general3A_41, %dot_general3A_57 in 1 : vector<1x256xf32>, vector<1x1792xf32> -> vector<1x2048xf32>
    %add3A_58 = arith.addf %broadcast_in_dim3A_31, %concatenate3A : vector<1x2048xf32>
    %gt3A_59 = vector.broadcast %slice3A_21 : vector<1x256xf32> to vector<256x256xf32>
    %gt3A_60 = vector.broadcast %slice3A_13 : vector<256x1xf32> to vector<256x256xf32>
    %gt3A_61 = arith.cmpf ogt, %gt3A_59, %gt3A_60 : vector<256x256xf32>
    %and3A_62 = arith.andi %gt3A_61, %gt3A : vector<256x256xi1>
    %jit3A_63 = arith.constant 1.000000e+00 : f32
    %jit3A_64 = arith.constant 0.000000e+00 : f32
    %broadcast_in_dim3A_65 = vector.broadcast %jit3A_63 : f32 to vector<256x256xf32>
    %broadcast_in_dim3A_66 = vector.broadcast %jit3A_64 : f32 to vector<256x256xf32>
    %select_n3A_67 = arith.select %and3A_62, %broadcast_in_dim3A_65, %broadcast_in_dim3A_66 : vector<256x256xi1>, vector<256x256xf32>
    %dot_general3A_68 = arith.constant dense<0.000000e+00> : vector<256x1xf32>
    %dot_general3A_69 = tpu.matmul %select_n3A_67, %broadcast_in_dim3A_28, %dot_general3A_68 {dimension_numbers = #tpu.dot_dimension_numbers<[1], [0], [0], [1], [0, 0, 1, 1], [], []>, transpose_lhs_hint = false} : vector<256x256xf32>, vector<256x1xf32>, vector<256x1xf32> -> vector<256x1xf32>
    %dot_general3A_70 = arith.constant dense<0.000000e+00> : vector<1x256xf32>
    %dot_general3A_71 = tpu.matmul %broadcast_in_dim3A_28, %select_n3A_67, %dot_general3A_70 {dimension_numbers = #tpu.dot_dimension_numbers<[0], [0], [1], [1], [0, 1, 1, 1], [], []>, transpose_lhs_hint = false} : vector<256x1xf32>, vector<256x256xf32>, vector<1x256xf32> -> vector<1x256xf32>
    %slice3A_72 = vector.extract_strided_slice %transpose3A {offsets = [0, 512], sizes = [1, 1536], strides = [1, 1]} : vector<1x2048xf32> to vector<1x1536xf32>
    %gt3A_73 = vector.broadcast %slice3A_72 : vector<1x1536xf32> to vector<256x1536xf32>
    %gt3A_74 = vector.broadcast %slice3A_13 : vector<256x1xf32> to vector<256x1536xf32>
    %gt3A_75 = arith.cmpf ogt, %gt3A_73, %gt3A_74 : vector<256x1536xf32>
    %jit3A_76 = arith.constant 1.000000e+00 : f32
    %jit3A_77 = arith.constant 0.000000e+00 : f32
    %broadcast_in_dim3A_78 = vector.broadcast %jit3A_76 : f32 to vector<256x1536xf32>
    %broadcast_in_dim3A_79 = vector.broadcast %jit3A_77 : f32 to vector<256x1536xf32>
    %select_n3A_80 = arith.select %gt3A_75, %broadcast_in_dim3A_78, %broadcast_in_dim3A_79 : vector<256x1536xi1>, vector<256x1536xf32>
    %broadcast_in_dim3A_81 = arith.constant 1.000000e+00 : f32
    %broadcast_in_dim3A_82 = vector.broadcast %broadcast_in_dim3A_81 : f32 to vector<1536x1xf32>
    %dot_general3A_83 = arith.constant dense<0.000000e+00> : vector<256x1xf32>
    %dot_general3A_84 = tpu.matmul %select_n3A_80, %broadcast_in_dim3A_82, %dot_general3A_83 {dimension_numbers = #tpu.dot_dimension_numbers<[1], [0], [0], [1], [0, 0, 1, 1], [], []>, transpose_lhs_hint = false} : vector<256x1536xf32>, vector<1536x1xf32>, vector<256x1xf32> -> vector<256x1xf32>
    %add3A_85 = arith.addf %dot_general3A_69, %dot_general3A_84 : vector<256x1xf32>
    %dot_general3A_86 = arith.constant dense<0.000000e+00> : vector<1x1536xf32>
    %dot_general3A_87 = tpu.matmul %broadcast_in_dim3A_28, %select_n3A_80, %dot_general3A_86 {dimension_numbers = #tpu.dot_dimension_numbers<[0], [0], [1], [1], [0, 1, 1, 1], [], []>, transpose_lhs_hint = false} : vector<256x1xf32>, vector<256x1536xf32>, vector<1x1536xf32> -> vector<1x1536xf32>
    %broadcast_in_dim3A_88 = arith.constant 0.000000e+00 : f32
    %broadcast_in_dim3A_89 = vector.broadcast %broadcast_in_dim3A_88 : f32 to vector<1x256xf32>
    %concatenate3A_90 = tpu.concatenate %broadcast_in_dim3A_89, %dot_general3A_71, %dot_general3A_87 in 1 : vector<1x256xf32>, vector<1x256xf32>, vector<1x1536xf32> -> vector<1x2048xf32>
    %add3A_91 = arith.addf %add3A_58, %concatenate3A_90 : vector<1x2048xf32>
    %gt3A_92 = vector.broadcast %slice3A_22 : vector<1x256xf32> to vector<256x256xf32>
    %gt3A_93 = vector.broadcast %slice3A_14 : vector<256x1xf32> to vector<256x256xf32>
    %gt3A_94 = arith.cmpf ogt, %gt3A_92, %gt3A_93 : vector<256x256xf32>
    %and3A_95 = arith.andi %gt3A_94, %gt3A : vector<256x256xi1>
    %jit3A_96 = arith.constant 1.000000e+00 : f32
    %jit3A_97 = arith.constant 0.000000e+00 : f32
    %broadcast_in_dim3A_98 = vector.broadcast %jit3A_96 : f32 to vector<256x256xf32>
    %broadcast_in_dim3A_99 = vector.broadcast %jit3A_97 : f32 to vector<256x256xf32>
    %select_n3A_100 = arith.select %and3A_95, %broadcast_in_dim3A_98, %broadcast_in_dim3A_99 : vector<256x256xi1>, vector<256x256xf32>
    %dot_general3A_101 = arith.constant dense<0.000000e+00> : vector<256x1xf32>
    %dot_general3A_102 = tpu.matmul %select_n3A_100, %broadcast_in_dim3A_28, %dot_general3A_101 {dimension_numbers = #tpu.dot_dimension_numbers<[1], [0], [0], [1], [0, 0, 1, 1], [], []>, transpose_lhs_hint = false} : vector<256x256xf32>, vector<256x1xf32>, vector<256x1xf32> -> vector<256x1xf32>
    %dot_general3A_103 = arith.constant dense<0.000000e+00> : vector<1x256xf32>
    %dot_general3A_104 = tpu.matmul %broadcast_in_dim3A_28, %select_n3A_100, %dot_general3A_103 {dimension_numbers = #tpu.dot_dimension_numbers<[0], [0], [1], [1], [0, 1, 1, 1], [], []>, transpose_lhs_hint = false} : vector<256x1xf32>, vector<256x256xf32>, vector<1x256xf32> -> vector<1x256xf32>
    %slice3A_105 = vector.extract_strided_slice %transpose3A {offsets = [0, 768], sizes = [1, 1280], strides = [1, 1]} : vector<1x2048xf32> to vector<1x1280xf32>
    %gt3A_106 = vector.broadcast %slice3A_105 : vector<1x1280xf32> to vector<256x1280xf32>
    %gt3A_107 = vector.broadcast %slice3A_14 : vector<256x1xf32> to vector<256x1280xf32>
    %gt3A_108 = arith.cmpf ogt, %gt3A_106, %gt3A_107 : vector<256x1280xf32>
    %jit3A_109 = arith.constant 1.000000e+00 : f32
    %jit3A_110 = arith.constant 0.000000e+00 : f32
    %broadcast_in_dim3A_111 = vector.broadcast %jit3A_109 : f32 to vector<256x1280xf32>
    %broadcast_in_dim3A_112 = vector.broadcast %jit3A_110 : f32 to vector<256x1280xf32>
    %select_n3A_113 = arith.select %gt3A_108, %broadcast_in_dim3A_111, %broadcast_in_dim3A_112 : vector<256x1280xi1>, vector<256x1280xf32>
    %broadcast_in_dim3A_114 = arith.constant 1.000000e+00 : f32
    %broadcast_in_dim3A_115 = vector.broadcast %broadcast_in_dim3A_114 : f32 to vector<1280x1xf32>
    %dot_general3A_116 = arith.constant dense<0.000000e+00> : vector<256x1xf32>
    %dot_general3A_117 = tpu.matmul %select_n3A_113, %broadcast_in_dim3A_115, %dot_general3A_116 {dimension_numbers = #tpu.dot_dimension_numbers<[1], [0], [0], [1], [0, 0, 1, 1], [], []>, transpose_lhs_hint = false} : vector<256x1280xf32>, vector<1280x1xf32>, vector<256x1xf32> -> vector<256x1xf32>
    %add3A_118 = arith.addf %dot_general3A_102, %dot_general3A_117 : vector<256x1xf32>
    %dot_general3A_119 = arith.constant dense<0.000000e+00> : vector<1x1280xf32>
    %dot_general3A_120 = tpu.matmul %broadcast_in_dim3A_28, %select_n3A_113, %dot_general3A_119 {dimension_numbers = #tpu.dot_dimension_numbers<[0], [0], [1], [1], [0, 1, 1, 1], [], []>, transpose_lhs_hint = false} : vector<256x1xf32>, vector<256x1280xf32>, vector<1x1280xf32> -> vector<1x1280xf32>
    %broadcast_in_dim3A_121 = arith.constant 0.000000e+00 : f32
    %broadcast_in_dim3A_122 = vector.broadcast %broadcast_in_dim3A_121 : f32 to vector<1x512xf32>
    %concatenate3A_123 = tpu.concatenate %broadcast_in_dim3A_122, %dot_general3A_104, %dot_general3A_120 in 1 : vector<1x512xf32>, vector<1x256xf32>, vector<1x1280xf32> -> vector<1x2048xf32>
    %add3A_124 = arith.addf %add3A_91, %concatenate3A_123 : vector<1x2048xf32>
    %gt3A_125 = vector.broadcast %slice3A_23 : vector<1x256xf32> to vector<256x256xf32>
    %gt3A_126 = vector.broadcast %slice3A_15 : vector<256x1xf32> to vector<256x256xf32>
    %gt3A_127 = arith.cmpf ogt, %gt3A_125, %gt3A_126 : vector<256x256xf32>
    %and3A_128 = arith.andi %gt3A_127, %gt3A : vector<256x256xi1>
    %jit3A_129 = arith.constant 1.000000e+00 : f32
    %jit3A_130 = arith.constant 0.000000e+00 : f32
    %broadcast_in_dim3A_131 = vector.broadcast %jit3A_129 : f32 to vector<256x256xf32>
    %broadcast_in_dim3A_132 = vector.broadcast %jit3A_130 : f32 to vector<256x256xf32>
    %select_n3A_133 = arith.select %and3A_128, %broadcast_in_dim3A_131, %broadcast_in_dim3A_132 : vector<256x256xi1>, vector<256x256xf32>
    %dot_general3A_134 = arith.constant dense<0.000000e+00> : vector<256x1xf32>
    %dot_general3A_135 = tpu.matmul %select_n3A_133, %broadcast_in_dim3A_28, %dot_general3A_134 {dimension_numbers = #tpu.dot_dimension_numbers<[1], [0], [0], [1], [0, 0, 1, 1], [], []>, transpose_lhs_hint = false} : vector<256x256xf32>, vector<256x1xf32>, vector<256x1xf32> -> vector<256x1xf32>
    %dot_general3A_136 = arith.constant dense<0.000000e+00> : vector<1x256xf32>
    %dot_general3A_137 = tpu.matmul %broadcast_in_dim3A_28, %select_n3A_133, %dot_general3A_136 {dimension_numbers = #tpu.dot_dimension_numbers<[0], [0], [1], [1], [0, 1, 1, 1], [], []>, transpose_lhs_hint = false} : vector<256x1xf32>, vector<256x256xf32>, vector<1x256xf32> -> vector<1x256xf32>
    %slice3A_138 = vector.extract_strided_slice %transpose3A {offsets = [0, 1024], sizes = [1, 1024], strides = [1, 1]} : vector<1x2048xf32> to vector<1x1024xf32>
    %gt3A_139 = vector.broadcast %slice3A_138 : vector<1x1024xf32> to vector<256x1024xf32>
    %gt3A_140 = vector.broadcast %slice3A_15 : vector<256x1xf32> to vector<256x1024xf32>
    %gt3A_141 = arith.cmpf ogt, %gt3A_139, %gt3A_140 : vector<256x1024xf32>
    %jit3A_142 = arith.constant 1.000000e+00 : f32
    %jit3A_143 = arith.constant 0.000000e+00 : f32
    %broadcast_in_dim3A_144 = vector.broadcast %jit3A_142 : f32 to vector<256x1024xf32>
    %broadcast_in_dim3A_145 = vector.broadcast %jit3A_143 : f32 to vector<256x1024xf32>
    %select_n3A_146 = arith.select %gt3A_141, %broadcast_in_dim3A_144, %broadcast_in_dim3A_145 : vector<256x1024xi1>, vector<256x1024xf32>
    %broadcast_in_dim3A_147 = arith.constant 1.000000e+00 : f32
    %broadcast_in_dim3A_148 = vector.broadcast %broadcast_in_dim3A_147 : f32 to vector<1024x1xf32>
    %dot_general3A_149 = arith.constant dense<0.000000e+00> : vector<256x1xf32>
    %dot_general3A_150 = tpu.matmul %select_n3A_146, %broadcast_in_dim3A_148, %dot_general3A_149 {dimension_numbers = #tpu.dot_dimension_numbers<[1], [0], [0], [1], [0, 0, 1, 1], [], []>, transpose_lhs_hint = false} : vector<256x1024xf32>, vector<1024x1xf32>, vector<256x1xf32> -> vector<256x1xf32>
    %add3A_151 = arith.addf %dot_general3A_135, %dot_general3A_150 : vector<256x1xf32>
    %dot_general3A_152 = arith.constant dense<0.000000e+00> : vector<1x1024xf32>
    %dot_general3A_153 = tpu.matmul %broadcast_in_dim3A_28, %select_n3A_146, %dot_general3A_152 {dimension_numbers = #tpu.dot_dimension_numbers<[0], [0], [1], [1], [0, 1, 1, 1], [], []>, transpose_lhs_hint = false} : vector<256x1xf32>, vector<256x1024xf32>, vector<1x1024xf32> -> vector<1x1024xf32>
    %broadcast_in_dim3A_154 = arith.constant 0.000000e+00 : f32
    %broadcast_in_dim3A_155 = vector.broadcast %broadcast_in_dim3A_154 : f32 to vector<1x768xf32>
    %concatenate3A_156 = tpu.concatenate %broadcast_in_dim3A_155, %dot_general3A_137, %dot_general3A_153 in 1 : vector<1x768xf32>, vector<1x256xf32>, vector<1x1024xf32> -> vector<1x2048xf32>
    %add3A_157 = arith.addf %add3A_124, %concatenate3A_156 : vector<1x2048xf32>
    %gt3A_158 = vector.broadcast %slice3A_24 : vector<1x256xf32> to vector<256x256xf32>
    %gt3A_159 = vector.broadcast %slice3A_16 : vector<256x1xf32> to vector<256x256xf32>
    %gt3A_160 = arith.cmpf ogt, %gt3A_158, %gt3A_159 : vector<256x256xf32>
    %and3A_161 = arith.andi %gt3A_160, %gt3A : vector<256x256xi1>
    %jit3A_162 = arith.constant 1.000000e+00 : f32
    %jit3A_163 = arith.constant 0.000000e+00 : f32
    %broadcast_in_dim3A_164 = vector.broadcast %jit3A_162 : f32 to vector<256x256xf32>
    %broadcast_in_dim3A_165 = vector.broadcast %jit3A_163 : f32 to vector<256x256xf32>
    %select_n3A_166 = arith.select %and3A_161, %broadcast_in_dim3A_164, %broadcast_in_dim3A_165 : vector<256x256xi1>, vector<256x256xf32>
    %dot_general3A_167 = arith.constant dense<0.000000e+00> : vector<256x1xf32>
    %dot_general3A_168 = tpu.matmul %select_n3A_166, %broadcast_in_dim3A_28, %dot_general3A_167 {dimension_numbers = #tpu.dot_dimension_numbers<[1], [0], [0], [1], [0, 0, 1, 1], [], []>, transpose_lhs_hint = false} : vector<256x256xf32>, vector<256x1xf32>, vector<256x1xf32> -> vector<256x1xf32>
    %dot_general3A_169 = arith.constant dense<0.000000e+00> : vector<1x256xf32>
    %dot_general3A_170 = tpu.matmul %broadcast_in_dim3A_28, %select_n3A_166, %dot_general3A_169 {dimension_numbers = #tpu.dot_dimension_numbers<[0], [0], [1], [1], [0, 1, 1, 1], [], []>, transpose_lhs_hint = false} : vector<256x1xf32>, vector<256x256xf32>, vector<1x256xf32> -> vector<1x256xf32>
    %slice3A_171 = vector.extract_strided_slice %transpose3A {offsets = [0, 1280], sizes = [1, 768], strides = [1, 1]} : vector<1x2048xf32> to vector<1x768xf32>
    %gt3A_172 = vector.broadcast %slice3A_171 : vector<1x768xf32> to vector<256x768xf32>
    %gt3A_173 = vector.broadcast %slice3A_16 : vector<256x1xf32> to vector<256x768xf32>
    %gt3A_174 = arith.cmpf ogt, %gt3A_172, %gt3A_173 : vector<256x768xf32>
    %jit3A_175 = arith.constant 1.000000e+00 : f32
    %jit3A_176 = arith.constant 0.000000e+00 : f32
    %broadcast_in_dim3A_177 = vector.broadcast %jit3A_175 : f32 to vector<256x768xf32>
    %broadcast_in_dim3A_178 = vector.broadcast %jit3A_176 : f32 to vector<256x768xf32>
    %select_n3A_179 = arith.select %gt3A_174, %broadcast_in_dim3A_177, %broadcast_in_dim3A_178 : vector<256x768xi1>, vector<256x768xf32>
    %broadcast_in_dim3A_180 = arith.constant 1.000000e+00 : f32
    %broadcast_in_dim3A_181 = vector.broadcast %broadcast_in_dim3A_180 : f32 to vector<768x1xf32>
    %dot_general3A_182 = arith.constant dense<0.000000e+00> : vector<256x1xf32>
    %dot_general3A_183 = tpu.matmul %select_n3A_179, %broadcast_in_dim3A_181, %dot_general3A_182 {dimension_numbers = #tpu.dot_dimension_numbers<[1], [0], [0], [1], [0, 0, 1, 1], [], []>, transpose_lhs_hint = false} : vector<256x768xf32>, vector<768x1xf32>, vector<256x1xf32> -> vector<256x1xf32>
    %add3A_184 = arith.addf %dot_general3A_168, %dot_general3A_183 : vector<256x1xf32>
    %dot_general3A_185 = arith.constant dense<0.000000e+00> : vector<1x768xf32>
    %dot_general3A_186 = tpu.matmul %broadcast_in_dim3A_28, %select_n3A_179, %dot_general3A_185 {dimension_numbers = #tpu.dot_dimension_numbers<[0], [0], [1], [1], [0, 1, 1, 1], [], []>, transpose_lhs_hint = false} : vector<256x1xf32>, vector<256x768xf32>, vector<1x768xf32> -> vector<1x768xf32>
    %broadcast_in_dim3A_187 = arith.constant 0.000000e+00 : f32
    %broadcast_in_dim3A_188 = vector.broadcast %broadcast_in_dim3A_187 : f32 to vector<1x1024xf32>
    %concatenate3A_189 = tpu.concatenate %broadcast_in_dim3A_188, %dot_general3A_170, %dot_general3A_186 in 1 : vector<1x1024xf32>, vector<1x256xf32>, vector<1x768xf32> -> vector<1x2048xf32>
    %add3A_190 = arith.addf %add3A_157, %concatenate3A_189 : vector<1x2048xf32>
    %gt3A_191 = vector.broadcast %slice3A_25 : vector<1x256xf32> to vector<256x256xf32>
    %gt3A_192 = vector.broadcast %slice3A_17 : vector<256x1xf32> to vector<256x256xf32>
    %gt3A_193 = arith.cmpf ogt, %gt3A_191, %gt3A_192 : vector<256x256xf32>
    %and3A_194 = arith.andi %gt3A_193, %gt3A : vector<256x256xi1>
    %jit3A_195 = arith.constant 1.000000e+00 : f32
    %jit3A_196 = arith.constant 0.000000e+00 : f32
    %broadcast_in_dim3A_197 = vector.broadcast %jit3A_195 : f32 to vector<256x256xf32>
    %broadcast_in_dim3A_198 = vector.broadcast %jit3A_196 : f32 to vector<256x256xf32>
    %select_n3A_199 = arith.select %and3A_194, %broadcast_in_dim3A_197, %broadcast_in_dim3A_198 : vector<256x256xi1>, vector<256x256xf32>
    %dot_general3A_200 = arith.constant dense<0.000000e+00> : vector<256x1xf32>
    %dot_general3A_201 = tpu.matmul %select_n3A_199, %broadcast_in_dim3A_28, %dot_general3A_200 {dimension_numbers = #tpu.dot_dimension_numbers<[1], [0], [0], [1], [0, 0, 1, 1], [], []>, transpose_lhs_hint = false} : vector<256x256xf32>, vector<256x1xf32>, vector<256x1xf32> -> vector<256x1xf32>
    %dot_general3A_202 = arith.constant dense<0.000000e+00> : vector<1x256xf32>
    %dot_general3A_203 = tpu.matmul %broadcast_in_dim3A_28, %select_n3A_199, %dot_general3A_202 {dimension_numbers = #tpu.dot_dimension_numbers<[0], [0], [1], [1], [0, 1, 1, 1], [], []>, transpose_lhs_hint = false} : vector<256x1xf32>, vector<256x256xf32>, vector<1x256xf32> -> vector<1x256xf32>
    %slice3A_204 = vector.extract_strided_slice %transpose3A {offsets = [0, 1536], sizes = [1, 512], strides = [1, 1]} : vector<1x2048xf32> to vector<1x512xf32>
    %gt3A_205 = vector.broadcast %slice3A_204 : vector<1x512xf32> to vector<256x512xf32>
    %gt3A_206 = vector.broadcast %slice3A_17 : vector<256x1xf32> to vector<256x512xf32>
    %gt3A_207 = arith.cmpf ogt, %gt3A_205, %gt3A_206 : vector<256x512xf32>
    %jit3A_208 = arith.constant 1.000000e+00 : f32
    %jit3A_209 = arith.constant 0.000000e+00 : f32
    %broadcast_in_dim3A_210 = vector.broadcast %jit3A_208 : f32 to vector<256x512xf32>
    %broadcast_in_dim3A_211 = vector.broadcast %jit3A_209 : f32 to vector<256x512xf32>
    %select_n3A_212 = arith.select %gt3A_207, %broadcast_in_dim3A_210, %broadcast_in_dim3A_211 : vector<256x512xi1>, vector<256x512xf32>
    %broadcast_in_dim3A_213 = arith.constant 1.000000e+00 : f32
    %broadcast_in_dim3A_214 = vector.broadcast %broadcast_in_dim3A_213 : f32 to vector<512x1xf32>
    %dot_general3A_215 = arith.constant dense<0.000000e+00> : vector<256x1xf32>
    %dot_general3A_216 = tpu.matmul %select_n3A_212, %broadcast_in_dim3A_214, %dot_general3A_215 {dimension_numbers = #tpu.dot_dimension_numbers<[1], [0], [0], [1], [0, 0, 1, 1], [], []>, transpose_lhs_hint = false} : vector<256x512xf32>, vector<512x1xf32>, vector<256x1xf32> -> vector<256x1xf32>
    %add3A_217 = arith.addf %dot_general3A_201, %dot_general3A_216 : vector<256x1xf32>
    %dot_general3A_218 = arith.constant dense<0.000000e+00> : vector<1x512xf32>
    %dot_general3A_219 = tpu.matmul %broadcast_in_dim3A_28, %select_n3A_212, %dot_general3A_218 {dimension_numbers = #tpu.dot_dimension_numbers<[0], [0], [1], [1], [0, 1, 1, 1], [], []>, transpose_lhs_hint = false} : vector<256x1xf32>, vector<256x512xf32>, vector<1x512xf32> -> vector<1x512xf32>
    %broadcast_in_dim3A_220 = arith.constant 0.000000e+00 : f32
    %broadcast_in_dim3A_221 = vector.broadcast %broadcast_in_dim3A_220 : f32 to vector<1x1280xf32>
    %concatenate3A_222 = tpu.concatenate %broadcast_in_dim3A_221, %dot_general3A_203, %dot_general3A_219 in 1 : vector<1x1280xf32>, vector<1x256xf32>, vector<1x512xf32> -> vector<1x2048xf32>
    %add3A_223 = arith.addf %add3A_190, %concatenate3A_222 : vector<1x2048xf32>
    %gt3A_224 = vector.broadcast %slice3A_26 : vector<1x256xf32> to vector<256x256xf32>
    %gt3A_225 = vector.broadcast %slice3A_18 : vector<256x1xf32> to vector<256x256xf32>
    %gt3A_226 = arith.cmpf ogt, %gt3A_224, %gt3A_225 : vector<256x256xf32>
    %and3A_227 = arith.andi %gt3A_226, %gt3A : vector<256x256xi1>
    %jit3A_228 = arith.constant 1.000000e+00 : f32
    %jit3A_229 = arith.constant 0.000000e+00 : f32
    %broadcast_in_dim3A_230 = vector.broadcast %jit3A_228 : f32 to vector<256x256xf32>
    %broadcast_in_dim3A_231 = vector.broadcast %jit3A_229 : f32 to vector<256x256xf32>
    %select_n3A_232 = arith.select %and3A_227, %broadcast_in_dim3A_230, %broadcast_in_dim3A_231 : vector<256x256xi1>, vector<256x256xf32>
    %dot_general3A_233 = arith.constant dense<0.000000e+00> : vector<256x1xf32>
    %dot_general3A_234 = tpu.matmul %select_n3A_232, %broadcast_in_dim3A_28, %dot_general3A_233 {dimension_numbers = #tpu.dot_dimension_numbers<[1], [0], [0], [1], [0, 0, 1, 1], [], []>, transpose_lhs_hint = false} : vector<256x256xf32>, vector<256x1xf32>, vector<256x1xf32> -> vector<256x1xf32>
    %dot_general3A_235 = arith.constant dense<0.000000e+00> : vector<1x256xf32>
    %dot_general3A_236 = tpu.matmul %broadcast_in_dim3A_28, %select_n3A_232, %dot_general3A_235 {dimension_numbers = #tpu.dot_dimension_numbers<[0], [0], [1], [1], [0, 1, 1, 1], [], []>, transpose_lhs_hint = false} : vector<256x1xf32>, vector<256x256xf32>, vector<1x256xf32> -> vector<1x256xf32>
    %slice3A_237 = vector.extract_strided_slice %transpose3A {offsets = [0, 1792], sizes = [1, 256], strides = [1, 1]} : vector<1x2048xf32> to vector<1x256xf32>
    %gt3A_238 = vector.broadcast %slice3A_237 : vector<1x256xf32> to vector<256x256xf32>
    %gt3A_239 = vector.broadcast %slice3A_18 : vector<256x1xf32> to vector<256x256xf32>
    %gt3A_240 = arith.cmpf ogt, %gt3A_238, %gt3A_239 : vector<256x256xf32>
    %jit3A_241 = arith.constant 1.000000e+00 : f32
    %jit3A_242 = arith.constant 0.000000e+00 : f32
    %broadcast_in_dim3A_243 = vector.broadcast %jit3A_241 : f32 to vector<256x256xf32>
    %broadcast_in_dim3A_244 = vector.broadcast %jit3A_242 : f32 to vector<256x256xf32>
    %select_n3A_245 = arith.select %gt3A_240, %broadcast_in_dim3A_243, %broadcast_in_dim3A_244 : vector<256x256xi1>, vector<256x256xf32>
    %broadcast_in_dim3A_246 = arith.constant 1.000000e+00 : f32
    %broadcast_in_dim3A_247 = vector.broadcast %broadcast_in_dim3A_246 : f32 to vector<256x1xf32>
    %dot_general3A_248 = arith.constant dense<0.000000e+00> : vector<256x1xf32>
    %dot_general3A_249 = tpu.matmul %select_n3A_245, %broadcast_in_dim3A_247, %dot_general3A_248 {dimension_numbers = #tpu.dot_dimension_numbers<[1], [0], [0], [1], [0, 0, 1, 1], [], []>, transpose_lhs_hint = false} : vector<256x256xf32>, vector<256x1xf32>, vector<256x1xf32> -> vector<256x1xf32>
    %add3A_250 = arith.addf %dot_general3A_234, %dot_general3A_249 : vector<256x1xf32>
    %dot_general3A_251 = arith.constant dense<0.000000e+00> : vector<1x256xf32>
    %dot_general3A_252 = tpu.matmul %broadcast_in_dim3A_28, %select_n3A_245, %dot_general3A_251 {dimension_numbers = #tpu.dot_dimension_numbers<[0], [0], [1], [1], [0, 1, 1, 1], [], []>, transpose_lhs_hint = false} : vector<256x1xf32>, vector<256x256xf32>, vector<1x256xf32> -> vector<1x256xf32>
    %broadcast_in_dim3A_253 = arith.constant 0.000000e+00 : f32
    %broadcast_in_dim3A_254 = vector.broadcast %broadcast_in_dim3A_253 : f32 to vector<1x1536xf32>
    %concatenate3A_255 = tpu.concatenate %broadcast_in_dim3A_254, %dot_general3A_236, %dot_general3A_252 in 1 : vector<1x1536xf32>, vector<1x256xf32>, vector<1x256xf32> -> vector<1x2048xf32>
    %add3A_256 = arith.addf %add3A_223, %concatenate3A_255 : vector<1x2048xf32>
    %gt3A_257 = vector.broadcast %slice3A_27 : vector<1x256xf32> to vector<256x256xf32>
    %gt3A_258 = vector.broadcast %slice3A_19 : vector<256x1xf32> to vector<256x256xf32>
    %gt3A_259 = arith.cmpf ogt, %gt3A_257, %gt3A_258 : vector<256x256xf32>
    %and3A_260 = arith.andi %gt3A_259, %gt3A : vector<256x256xi1>
    %jit3A_261 = arith.constant 1.000000e+00 : f32
    %jit3A_262 = arith.constant 0.000000e+00 : f32
    %broadcast_in_dim3A_263 = vector.broadcast %jit3A_261 : f32 to vector<256x256xf32>
    %broadcast_in_dim3A_264 = vector.broadcast %jit3A_262 : f32 to vector<256x256xf32>
    %select_n3A_265 = arith.select %and3A_260, %broadcast_in_dim3A_263, %broadcast_in_dim3A_264 : vector<256x256xi1>, vector<256x256xf32>
    %dot_general3A_266 = arith.constant dense<0.000000e+00> : vector<256x1xf32>
    %dot_general3A_267 = tpu.matmul %select_n3A_265, %broadcast_in_dim3A_28, %dot_general3A_266 {dimension_numbers = #tpu.dot_dimension_numbers<[1], [0], [0], [1], [0, 0, 1, 1], [], []>, transpose_lhs_hint = false} : vector<256x256xf32>, vector<256x1xf32>, vector<256x1xf32> -> vector<256x1xf32>
    %dot_general3A_268 = arith.constant dense<0.000000e+00> : vector<1x256xf32>
    %dot_general3A_269 = tpu.matmul %broadcast_in_dim3A_28, %select_n3A_265, %dot_general3A_268 {dimension_numbers = #tpu.dot_dimension_numbers<[0], [0], [1], [1], [0, 1, 1, 1], [], []>, transpose_lhs_hint = false} : vector<256x1xf32>, vector<256x256xf32>, vector<1x256xf32> -> vector<1x256xf32>
    %broadcast_in_dim3A_270 = arith.constant 0.000000e+00 : f32
    %broadcast_in_dim3A_271 = vector.broadcast %broadcast_in_dim3A_270 : f32 to vector<1x1792xf32>
    %concatenate3A_272 = tpu.concatenate %broadcast_in_dim3A_271, %dot_general3A_269 in 1 : vector<1x1792xf32>, vector<1x256xf32> -> vector<1x2048xf32>
    %add3A_273 = arith.addf %add3A_256, %concatenate3A_272 : vector<1x2048xf32>
    %transpose3A_274 = tpu.transpose %add3A_273, [1, 0] : vector<1x2048xf32> -> vector<2048x1xf32>
    %iota3A_275 = tpu.iota {dimensions = array<i32: 0>} : vector<2048x1xi32>
    %convert_element_type3A = arith.sitofp %iota3A_275 : vector<2048x1xi32> to vector<2048x1xf32>
    %concatenate3A_276 = tpu.concatenate %add3A_55, %add3A_85, %add3A_118, %add3A_151, %add3A_184, %add3A_217, %add3A_250, %dot_general3A_267 in 0 : vector<256x1xf32>, vector<256x1xf32>, vector<256x1xf32>, vector<256x1xf32>, vector<256x1xf32>, vector<256x1xf32>, vector<256x1xf32>, vector<256x1xf32> -> vector<2048x1xf32>
    %add3A_277 = arith.addf %concatenate3A_276, %convert_element_type3A : vector<2048x1xf32>
    %sub3A = arith.subf %add3A_277, %transpose3A_274 : vector<2048x1xf32>
    %iota3A_278 = tpu.iota {dimensions = array<i32: 1>} : vector<1x1024xi32>
    %convert_element_type3A_279 = arith.sitofp %iota3A_278 : vector<1x1024xi32> to vector<1x1024xf32>
    %iota3A_280 = tpu.iota {dimensions = array<i32: 0>} : vector<2048x1xi32>
    %convert_element_type3A_281 = arith.sitofp %iota3A_280 : vector<2048x1xi32> to vector<2048x1xf32>
    %eq3A = vector.broadcast %sub3A : vector<2048x1xf32> to vector<2048x1024xf32>
    %eq3A_282 = vector.broadcast %convert_element_type3A_279 : vector<1x1024xf32> to vector<2048x1024xf32>
    %eq3A_283 = arith.cmpf oeq, %eq3A, %eq3A_282 : vector<2048x1024xf32>
    %jit3A_284 = arith.constant 0.000000e+00 : f32
    %broadcast_in_dim3A_285 = vector.shape_cast %convert_element_type3A_281 : vector<2048x1xf32> to vector<2048x1xf32>
    %broadcast_in_dim3A_286 = vector.broadcast %broadcast_in_dim3A_285 : vector<2048x1xf32> to vector<2048x1024xf32>
    %broadcast_in_dim3A_287 = vector.broadcast %jit3A_284 : f32 to vector<2048x1024xf32>
    %select_n3A_288 = arith.select %eq3A_283, %broadcast_in_dim3A_286, %broadcast_in_dim3A_287 : vector<2048x1024xi1>, vector<2048x1024xf32>
    %reduce_sum3A = arith.constant dense<0.000000e+00> : vector<1024xf32>
    %reduce_sum3A_289 = vector.multi_reduction <add>, %select_n3A_288, %reduce_sum3A [0] : vector<2048x1024xf32> to vector<1024xf32>
    %broadcast_in_dim3A_290 = vector.shape_cast %reduce_sum3A_289 : vector<1024xf32> to vector<1x1024xf32>
    %convert_element_type3A_291 = arith.fptosi %broadcast_in_dim3A_290 : vector<1x1024xf32> to vector<1x1024xi32>
    %swap3A = arith.constant 0 : index
    %swap3A_292 = arith.constant 0 : index
    %swap3A_293 = arith.constant 0 : index
    %swap3A_294 = vector.load %arg4[%swap3A, %swap3A_292, %swap3A_293] : memref<1x1x1024xi32, #tpu.memory_space<vmem>>, vector<1x1x1024xi32>
    %swap3A_295 = vector.shape_cast %swap3A_294 : vector<1x1x1024xi32> to vector<1x1024xi32>
    %swap3A_296 = vector.shape_cast %convert_element_type3A_291 : vector<1x1024xi32> to vector<1x1x1024xi32>
    tpu.vector_store %arg4[%swap3A, %swap3A_292, %swap3A_293], %swap3A_296 {strides = array<i32>} : memref<1x1x1024xi32, #tpu.memory_space<vmem>>, vector<1x1x1024xi32>,
    return
  }
  func.func @transform_0(%arg0: i32) -> (i32, i32, i32) {
    %c0_i32 = arith.constant 0 : i32
    %c0_i32_0 = arith.constant 0 : i32
    %c0_i32_1 = arith.constant 0 : i32
    return %arg0, %c0_i32, %c0_i32_0 : i32, i32, i32
  }
  func.func @transform_1(%arg0: i32) -> (i32, i32) {
    %c0_i32 = arith.constant 0 : i32
    %c0_i32_0 = arith.constant 0 : i32
    %c0_i32_1 = arith.constant 0 : i32
    return %c0_i32, %c0_i32_0 : i32, i32
  }
  func.func @transform_2(%arg0: i32) -> (i32, i32) {
    %c0_i32 = arith.constant 0 : i32
    %c0_i32_0 = arith.constant 0 : i32
    %c0_i32_1 = arith.constant 0 : i32
    return %c0_i32, %c0_i32_0 : i32, i32
  }
  func.func @transform_3(%arg0: i32) -> (i32, i32, i32) {
    %c0_i32 = arith.constant 0 : i32
    %c0_i32_0 = arith.constant 0 : i32
    %c0_i32_1 = arith.constant 0 : i32
    return %arg0, %c0_i32, %c0_i32_0 : i32, i32, i32
  }
}

</mosaic_0001>

<sc_bundles>
// kernel: kernel.4.cloned.1.call-start
scs
__scs_entry_jumppad:
0x0: {  	(pc) =	sbr.rel $0x88, $3  }
0x1: {  	(tag) =	ssettag $0x0;
	lr =	simm.s32 $0x1  }
0x2: {  	[smem:$0x3F9D] =	sst lr;
	_ =	strace $0xD0000000  }
0x3: {  	_ = 	snop  }
0x4: {  	_ = 	snop  }
0x5: {  	_ = 	snop  }
0x6: {  	_ = 	snop  }
0x7: {  	_ = 	snop  }
__scs_overlays_trampoline_lowered:
0x8: {  	[smem:$0x3FAC] =	sst s0  }
0x9: {  	[smem:$0x3FAD] =	sst s1  }
0xa: {  	[smem:$0x3FAE] =	sst s2  }
0xb: {  	[smem:$0x3FAF] =	sst s3  }
0xc: {  	[smem:$0x3FB0] =	sst s4  }
0xd: {  	[smem:$0x3FB1] =	sst s5  }
0xe: {  	[smem:$0x3FB2] =	sst s6  }
0xf: {  	[smem:$0x3FB3] =	sst s7  }
0x10: {  	[smem:$0x3FB4] =	sst s8  }
0x11: {  	[smem:$0x3FB5] =	sst s9;
	s0 =	simm.s32 @!p0 $0x0  }
0x12: {  	s1 =	sld [smem:$0x3F9B];
	s0 =	simm.s32 @p0 $0x1  }
0x13: {  	[smem:$0x3FB6] =	sst s0;
	s0 =	simm.s32 @!p1 $0x0  }
0x14: {  	s2 =	sld [smem:$0x3F9A];
	s0 =	simm.s32 @p1 $0x1  }
0x15: {  	[smem:$0x3FB7] =	sst s0;
	s0 =	simm.s32 @!p2 $0x0  }
0x16: {  	s3 =	sld [smem:$0x3FDB];
	s0 =	simm.s32 @p2 $0x1  }
0x17: {  	s4 =	simm.s32 $0x1BF5;
	[smem:$0x3FB9] =	sst s0  }
0x18: {  	s0 =	sld [smem:$0x3F9C];
	_ =	swait.ge [sflag:s4], $0x0  }
0x19: {  	s7 =	sld [smem:$0x3F9D]  }
0x1a: {  	s8 =	sadd.s32 $0xFFFFE003, lr  }
0x1b: {  	s9 =	sadd.s32 $0xFFFFFEF7, lr;
	s5 =	simm.s32 $0xFFFFFFFF;
	p2 =	slt.u32 s8, $0xFFFFF086  }
0x1c: {  	p1 =	slt.u32 s9, $0xF7A;
	s5 =	simm.s32 @!p2 $0x0  }
0x1d: {  	s5 =	simm.s32 @p1 $0x1;
	p0 =	seq.s32 s7, s2  }
0x1e: {  	s7 =	smul.u32 @!p0 $0xF7A, s2;
	p2 =	seq.s32 @!p0 s5, $0x0  }
0x1f: {  	s9 =	smul.u32 $0xF7A, s1;
	s8 =	simm.s32 @!p0 $0x1BF5;
	p2 =	por !p2, p0  }
0x20: {  	[sflag:s8] =	ssyncset.s32 @!p0 $0xFFFFF086;
	s6 =	sadd.s32 @!p0 s3, s7;
	s7 =	simm.s32 @!p0 $0x108  }
0x21: {  	s3 =	sadd.s32 s3, s9;
	s6 =	sadd.s32 @!p0 $0x88, s6;
	s7 =	simm.s32 @p2 $0x1082  }
0x22: {  	[simem:s7], [sflag:s8] =	dma.local @!p0 [hbm:s6], $0xF7A  }
0x23: {  	s9 =	sor.u32 $0xD0000000, s2;
	s6 =	simm.s32 $0x108;
	_ =	swait.ge @!p0 [sflag:s8], $0x0  }
0x24: {  	s3 =	sadd.s32 $0x88, s3;
	s6 =	simm.s32 @!p1 $0x1082;
	[sflag:s4] =	ssyncset.s32 $0xFFFFF086  }
0x25: {  	[simem:s6], [sflag:s4] =	dma.local [hbm:s3], $0xF7A  }
0x26: {  	[smem:$0x3F9D] =	sst s1;
	(tag) =	ssettag s2;
	_ =	strace s9  }
0x27: {  	s1 =	sld [smem:$0x3FAD]  }
0x28: {  	s2 =	sld [smem:$0x3FAE]  }
0x29: {  	s4 =	sld [smem:$0x3FB0]  }
0x2a: {  	p0 =	seq.s32 s5, $0x0;
	s5 =	sld [smem:$0x3FB1]  }
0x2b: {  	s6 =	sld [smem:$0x3FB2]  }
0x2c: {  	s7 =	sld [smem:$0x3FB3]  }
0x2d: {  	s3 =	simm.s32 $0x108;
	s8 =	sld [smem:$0x3FB4]  }
0x2e: {  	s3 =	simm.s32 @!p0 $0x1082;
	s9 =	sld [smem:$0x3FB5]  }
0x2f: {  	lr =	sadd.s32 s0, s3;
	s0 =	sld [smem:$0x3FAC]  }
0x30: {  	s3 =	sld [smem:$0x3FAF]  }
0x31: {  	[smem:$0x3FB8] =	sst s10  }
0x32: {  	s10 =	sld [smem:$0x3FB6];
	_ =	sdelay $0x3  }
0x33: {  	p0 =	seq.s32 s10, $0x1;
	s10 =	sld [smem:$0x3FB8];
	_ =	sdelay $0x3  }
0x34: {  	[smem:$0x3FB8] =	sst s10  }
0x35: {  	s10 =	sld [smem:$0x3FB7];
	_ =	sdelay $0x3  }
0x36: {  	p1 =	seq.s32 s10, $0x1;
	s10 =	sld [smem:$0x3FB8];
	_ =	sdelay $0x3  }
0x37: {  	[smem:$0x3FB8] =	sst s10  }
0x38: {  	s10 =	sld [smem:$0x3FB9]  }
0x39: {  	_ = 	snop;
	(pc) =	sbr.ind lr, $3  }
0x3a: {  	_ = 	snop  }
0x3b: {  	_ = 	snop  }
0x3c: {  	p2 =	seq.s32 s10, $0x1;
	s10 =	sld [smem:$0x3FB8]  }
0x3d: {  	_ =	shalt  }
0x3e: {  	_ =	shalt  }
0x3f: {  	_ =	shalt  }
0x40: {  	_ =	shalt  }
0x41: {  	_ =	shalt  }
0x42: {  	_ =	shalt  }
0x43: {  	_ =	shalt  }
0x44: {  	_ =	shalt  }
0x45: {  	_ =	shalt  }
0x46: {  	_ =	shalt  }
0x47: {  	_ =	shalt  }
0x48: {  	_ =	shalt  }
0x49: {  	_ =	shalt  }
0x4a: {  	_ =	shalt  }
0x4b: {  	_ =	shalt  }
0x4c: {  	_ =	shalt  }
0x4d: {  	_ =	shalt  }
0x4e: {  	_ =	shalt  }
0x4f: {  	_ =	shalt  }
0x50: {  	_ =	shalt  }
0x51: {  	_ =	shalt  }
0x52: {  	_ =	shalt  }
0x53: {  	_ =	shalt  }
0x54: {  	_ =	shalt  }
0x55: {  	_ =	shalt  }
0x56: {  	_ =	shalt  }
0x57: {  	_ =	shalt  }
0x58: {  	_ =	shalt  }
0x59: {  	_ =	shalt  }
0x5a: {  	_ =	shalt  }
0x5b: {  	_ =	shalt  }
0x5c: {  	_ =	shalt  }
0x5d: {  	_ =	shalt  }
0x5e: {  	_ =	shalt  }
0x5f: {  	_ =	shalt  }
0x60: {  	_ =	shalt  }
0x61: {  	_ =	shalt  }
0x62: {  	_ =	shalt  }
0x63: {  	_ =	shalt  }
0x64: {  	_ =	shalt  }
0x65: {  	_ =	shalt  }
0x66: {  	_ =	shalt  }
0x67: {  	_ =	shalt  }
0x68: {  	_ =	shalt  }
0x69: {  	_ =	shalt  }
0x6a: {  	_ =	shalt  }
0x6b: {  	_ =	shalt  }
0x6c: {  	_ =	shalt  }
0x6d: {  	_ =	shalt  }
0x6e: {  	_ =	shalt  }
0x6f: {  	_ =	shalt  }
0x70: {  	_ =	shalt  }
0x71: {  	_ =	shalt  }
0x72: {  	_ =	shalt  }
0x73: {  	_ =	shalt  }
0x74: {  	_ =	shalt  }
0x75: {  	_ =	shalt  }
0x76: {  	_ =	shalt  }
0x77: {  	_ =	shalt  }
0x78: {  	_ =	shalt  }
0x79: {  	_ =	shalt  }
0x7a: {  	_ =	shalt  }
0x7b: {  	_ =	shalt  }
0x7c: {  	_ =	shalt  }
0x7d: {  	_ =	shalt  }
0x7e: {  	_ =	shalt  }
0x7f: {  	_ =	shalt  }
0x80: {  	_ =	shalt  }
0x81: {  	_ =	shalt  }
0x82: {  	_ =	shalt  }
0x83: {  	_ =	shalt  }
0x84: {  	_ =	shalt  }
0x85: {  	_ =	shalt  }
0x86: {  	_ =	shalt  }
0x87: {  	_ =	shalt  }
.Lfunc_end0:
.L_simem_size_0:
called_computation_lowered:
.L_overlay_start_0:
0x88: {  	s2 =	sld [smem:$0x3FD9]  }
0x89: {  	s3 =	sld [smem:$0x3FFE];
	_ =	sdelay $0x1  }
0x8a: {  	s1 =	srdreg.scid  }
0x8b: {  	s0 =	sand.u32 $0x1, s1  }
0x8c: {  	s14 =	sshll.u32 s0, $0xA;
	s2 =	sadd.s32 s3, s2  }
0x8d: {  	s2 =	sadd.s32 s2, s14  }
0x8e: {  	[smem:$0x3FC4] =	sst s2  }
0x8f: {  	_ = 	snop  }
0x90: {  	s2 =	sld [smem:$0x3FD0];
	_ =	sdelay $0x1  }
0x91: {  	s15 =	sld [smem:$0x3FC9]  }
0x92: {  	s5 =	simm.s32 $0xA;
	s6 =	simm.s32 $0x10;
	s4 =	sld [smem:$0x3FC8]  }
0x93: {  	[smem:s6], [sflag:s5] =	dma.local [hbm:s2], $0x1  }
0x94: {  	_ =	swait.eq [sflag:s5], $0x1  }
0x95: {  	[sflag:s5] =	ssyncset.done $0x0  }
0x96: {  	s16 =	sld [smem:$0x10];
	[sflag:s5] =	ssyncadd.s32 $0xFFFFFFFF  }
0x97: {  	s17 =	sld [smem:$0x11];
	(tm) =	ssettm $0x1  }
0x98: {  	s18 =	sld [smem:$0x3FFB];
	_ =	sdelay $0x3  }
0x99: {  	_ =	strace s18  }
0x9a: {  	s6 =	sld [smem:$0x3FFC];
	_ =	sdelay $0x3  }
0x9b: {  	_ =	strace s6  }
0x9c: {  	s6 =	sld [smem:$0x3FFD];
	_ =	sdelay $0x3  }
0x9d: {  	_ =	strace s6  }
0x9e: {  	_ =	strace $0x8FFFFFFF  }
0x9f: {  	s19 =	sld [smem:$0x3FDB];
	_ =	sdelay $0x1  }
0xa0: {  	s7 =	simm.s32 $_scs_section_size  }
0xa1: {  	s8 =	simm.s32 $_size__tile_overlayer_lowered;
	s9 =	simm.s32 $_tile_overlayer_lowered  }
0xa2: {  	s22 =	simm.s32 $0x1BFF;
	s21 =	sshll.u32 s9, $0x1;
	s6 =	sadd.s32 s7, s19  }
0xa3: {  	s10 =	simm.s32 $0x0;
	s20 =	sshll.u32 s8, $0x1;
	s8 =	sadd.s32 s21, s6  }
0xa4: {  	[timem:s10], [sflag:s22] =	dma.local [hbm:s8], s20  }
0xa5: {  	_ =	swait.ge [sflag:s22], s20  }
0xa6: {  	s7 =	ssub.s32 $0x0, s20;
	[sflag:s22] =	ssyncset.done $0x0  }
0xa7: {  	[sflag:s22] =	ssyncadd.s32 s7;
	_ =	sdelay $0x1  }
0xa8: {  	s23 =	simm.s32 $0x1B8B  }
0xa9: {  	_ =	swait.ge [sflag:s23], $0x1  }
0xaa: {  	[sflag:s23] =	ssyncset.done $0x0  }
0xab: {  	s25 =	simm.s32 $0x1B8E;
	s24 =	sld [smem:$0x3FFE];
	[sflag:s23] =	ssyncadd.s32 $0xFFFFFFFF  }
0xac: {  	s26 =	simm.s32 $execute0_lowered;
	[smem:$0x3FD2] =	sst s25  }
0xad: {  	s8 =	sshll.u32 s26, $0x1;
	_ =	strace $0x80000046;
	[dreg:$0x1] =	wrdreg $0xFFFFFFFF  }
0xae: {  	s28 =	simm.s32 $_size_execute0_lowered;
	s6 =	sadd.s32 s6, s8;
	[dreg:$0x0] =	wrdreg $0x0  }
0xaf: {  	s8 =	sshll.u32 s28, $0x1;
	[dreg:$0x2] =	wrdreg s6  }
0xb0: {  	[dreg:$0x3] =	wrdreg s8  }
0xb1: {  	[dreg:$0x4] =	wrdreg $0xC0  }
0xb2: {  	_ =	task [dreg:s10], $0x5FFFF  }
0xb3: {  	[dreg:$0x1] =	wrdreg $0xFFFFFFFF  }
0xb4: {  	[dreg:$0x0] =	wrdreg $0x60  }
0xb5: {  	[dreg:$0x2] =	wrdreg s24  }
0xb6: {  	[dreg:$0x3] =	wrdreg s15  }
0xb7: {  	[dreg:$0x4] =	wrdreg s4  }
0xb8: {  	[dreg:$0x5] =	wrdreg s16  }
0xb9: {  	[dreg:$0x6] =	wrdreg s17  }
0xba: {  	[dreg:$0x7] =	wrdreg $0x9  }
0xbb: {  	_ =	task.clear_ibuf [dreg:s10], $0x8FFFF;
	_ =	strace $0x90000046  }
0xbc: {  	s29 =	simm.s32 $0x9;
	_ =	strace $0x80000048  }
0xbd: {  	_ =	swait.ge [sflag:s29], $0x1  }
0xbe: {  	[sflag:s29] =	ssyncadd.s32 $0xFFFFFFFF  }
0xbf: {  	_ =	strace $0x90000048  }
0xc0: {  	_ =	sfence  }
0xc1: {  	s30 =	sld [smem:$0x0];
	_ =	sdelay $0x2  }
0xc2: {  	s31 =	sshll.u32 s1, $0xD;
	s1 =	sshrl.u32 s1, $0x2  }
0xc3: {  	s3 =	sand.u32 $0x4000, s31;
	s1 =	sadd.s32 s1, s30  }
0xc4: {  	s0 =	sor.u32 s3, s0;
	s1 =	sshll.u32 s1, $0x11  }
0xc5: {  	s0 =	sor.u32 s1, s0  }
0xc6: {  	s0 =	sadd.s32 $0x8F2B, s0  }
0xc7: {  	[sflag:s0] =	ssyncadd.remote.s32 $0x1  }
0xc8: {  	_ =	sfence.sel $0xFFFF  }
0xc9: {  	[dreg:$0x0] =	wrdreg $0xFFFFFFFF;
	(pc) =	sbr.abs _section_cstart, $3  }
0xca: {  	[dreg:$0x1] =	wrdreg $0xFFFFFFFF  }
0xcb: {  	_ =	task.clear_ibuf [dreg:s10], $0x2FFFF;
	_ =	strace $0x9FFFFFFF  }
0xcc: {  	(tm) =	ssettm $0x7FFFFFFF  }
0xcd: {  	_ =	shalt  }
tec
execute0_lowered:
.L_overlay_start_1:
0x0: {  	(tag) =	ssettag $0x1  }
0x1: {  	s0 =	rddreg [dreg:$0x0]  }
0x2: {  	s1 =	rddreg [dreg:$0x1]  }
0x3: {  	s2 =	rddreg [dreg:$0x2]  }
0x4: {  	s3 =	srdreg.scid;
	s6 =	rddreg [dreg:$0x3]  }
0x5: {  	s10 =	stileid.u32;
	s7 =	rddreg [dreg:$0x4];
	s28 =	simm.s32 $0x8A00  }
0x6: {  	s30 =	simm.s32 $0xA00;
	s31 =	simm.s32 $0x3A00;
	s3 =	sand.u32 $0x1, s3  }
0x7: {  	s4 =	sshll.u32 s10, $0x1;
	s21 =	sshll.u32 s10, $0xA;
	s10 =	simm.s32 $0x5  }
0x8: {  	s8 =	sor.u32 s3, s4;
	s4 =	simm.s32 $0x0;
	s3 =	ssub.s32 $0x2, s3  }
0x9: {  	s9 =	sshll.u32 s8, $0x5;
	s5 =	sshll.u32 s8, $0xF;
	s8 =	sshll.u32 s8, $0xD  }
0xa: {  	[smem:$0x7FF] =	sst s4;
	s0 =	sadd.s32 s9, s0;
	s24 =	sadd.s32 s6, s8  }
0xb: {  	_ =	strace $0x80000047;
	s5 =	sadd.s32 s7, s5;
	[dreg:$0x8] =	wrdreg s24  }
0xc: {  	s18 =	sshrl.u32 s3, $0x1;
	s0 =	sadd.s32 $0xC00, s0;
	[dreg:$0x18] =	wrdreg s5  }
0xd: {  	s11 =	sor.u32 $0x10, s9;
	s23 =	sadd.s32 $0x800, s5;
	[dreg:$0x6] =	wrdreg s0  }
0xe: {  	s3 =	ssub.s32 s3, s18;
	s25 =	sadd.s32 $0x1000, s5;
	[dreg:$0x7] =	wrdreg s23  }
0xf: {  	s18 =	simm.s32 $0xF200;
	s26 =	sadd.s32 $0x1800, s5;
	[dreg:$0x9] =	wrdreg s25  }
0x10: {  	s8 =	sadd.s32 $0x2000, s5;
	s12 =	sadd.s32 $0x2800, s5;
	[dreg:$0xa] =	wrdreg s26  }
0x11: {  	s9 =	sshll.u32 s11, $0x8;
	s14 =	sadd.s32 $0x3000, s5;
	[dreg:$0xb] =	wrdreg s8  }
0x12: {  	s15 =	sadd.s32 $0x3800, s5;
	s16 =	sshll.u32 s11, $0xA;
	[dreg:$0xc] =	wrdreg s12  }
0x13: {  	s19 =	sadd.s32 $0x4800, s5;
	s20 =	sadd.s32 $0x5000, s5;
	[dreg:$0xe] =	wrdreg s14  }
0x14: {  	s22 =	sadd.s32 $0x5800, s5;
	s24 =	sadd.s32 $0x6800, s5;
	[dreg:$0xf] =	wrdreg s15  }
0x15: {  	s29 =	smax.u32 s3, $0x1;
	s3 =	simm.s32 $0xAA00;
	[dreg:$0x11] =	wrdreg s19  }
0x16: {  	s11 =	simm.s32 $0xC200;
	s13 =	sadd.s32 s6, s9;
	[dreg:$0x12] =	wrdreg s20  }
0x17: {  	s17 =	sadd.s32 s7, s16;
	s20 =	sand.u32 $0x3800, s21;
	[dreg:$0x13] =	wrdreg s22  }
0x18: {  	s23 =	sadd.s32 $0x6000, s5;
	s6 =	sadd.s32 $0x100, s2;
	s7 =	sadd.s32 $0x200, s2  }
0x19: {  	[dreg:$0x15] =	wrdreg s24;
	s25 =	sadd.s32 $0x7000, s5;
	s8 =	sadd.s32 $0x300, s2  }
0x1a: {  	s26 =	sadd.s32 $0x7800, s5;
	s14 =	simm.s32 $0xCA00;
	s22 =	simm.s32 $0x3  }
0x1b: {  	s21 =	simm.s32 $0x9A00;
	s5 =	simm.s32 $0xB200;
	[dreg:$0xd] =	wrdreg s13  }
0x1c: {  	s9 =	simm.s32 $0xBA00;
	s15 =	simm.s32 $0xDA00;
	[dreg:$0x10] =	wrdreg s17  }
0x1d: {  	s16 =	simm.s32 $0xE200;
	s19 =	simm.s32 $0xFA00;
	[dreg:$0x14] =	wrdreg s23  }
0x1e: {  	v3 =	vlaneseq.u32;
	s24 =	simm.s32 $0x10200;
	s12 =	simm.s32 $0x1;
	[dreg:$0x16] =	wrdreg s25  }
0x1f: {  	vm0 =	vmmov $0xffff;
	v2 =	vshrl.u32 v3, $0x3;
	[dreg:$0x17] =	wrdreg s26;
	v0 =	vmov s20;
	s23 =	simm.s32 $0x4;
	s20 =	simm.s32 $0x9200  }
0x20: {  	v1 =	vand.u32 $0x7, v3;
	v3 =	vor.u32 $0x8, v3;
	v2 =	vmul.u32 $0x8, v2;
	s13 =	simm.s32 $0xD200;
	s17 =	simm.s32 $0xEA00;
	s25 =	simm.s32 $0x2  }
.LBB2_1:
0x21: {  	s26 =	rddreg [dreg:$0x6]  }
0x22: {  	[tilespmem:s4], [sflag:$0x5] =	stream.linear.gather [hbm4b:s26+s4], $0x100, $0x38;
	[tilespmem:$0x10A00] =	vst v63  }
0x23: {  	_ =	swait.ge [sflag:s10], $0x100  }
0x24: {  	[sflag:s10] =	ssyncset.done $0x0  }
0x25: {  	[sflag:s10] =	ssyncadd.s32 $0xFFFFFF00  }
0x26: {  	v4 =	vld [tilespmem:$0x0];
	_ =	sdelay $0x1  }
0x27: {  	v5 =	vld [tilespmem:$0x10];
	_ =	sdelay $0x1  }
0x28: {  	v6 =	vld [tilespmem:$0x20]  }
0x29: {  	v4 =	vadd.s32 v0, v4  }
0x2a: {  	v7 =	vld [tilespmem:$0x30];
	[tilespmem:$0x100] =	vst v4  }
0x2b: {  	[tilespmem:$0x900] =	vst v4;
	v4 =	vadd.s32 v0, v5  }
0x2c: {  	v5 =	vld [tilespmem:$0x40];
	[tilespmem:$0x180] =	vst v4  }
0x2d: {  	[tilespmem:$0x910] =	vst v4;
	v4 =	vadd.s32 v0, v6  }
0x2e: {  	v54 =	vld [tilespmem:$0x50];
	[tilespmem:$0x200] =	vst v4  }
0x2f: {  	[tilespmem:$0x920] =	vst v4;
	v4 =	vadd.s32 v0, v7  }
0x30: {  	v55 =	vld [tilespmem:$0x60];
	[tilespmem:$0x280] =	vst v4  }
0x31: {  	[tilespmem:$0x930] =	vst v4;
	v4 =	vadd.s32 v0, v5  }
0x32: {  	v5 =	vld [tilespmem:$0x70];
	[tilespmem:$0x300] =	vst v4  }
0x33: {  	[tilespmem:$0x940] =	vst v4;
	v4 =	vadd.s32 v0, v54  }
0x34: {  	v56 =	vld [tilespmem:$0x80];
	[tilespmem:$0x380] =	vst v4  }
0x35: {  	[tilespmem:$0x950] =	vst v4;
	v4 =	vadd.s32 v0, v55  }
0x36: {  	v57 =	vld [tilespmem:$0x90];
	[tilespmem:$0x400] =	vst v4  }
0x37: {  	[tilespmem:$0x960] =	vst v4;
	v4 =	vadd.s32 v0, v5  }
0x38: {  	v5 =	vld [tilespmem:$0xA0];
	[tilespmem:$0x480] =	vst v4  }
0x39: {  	[tilespmem:$0x970] =	vst v4;
	v4 =	vadd.s32 v0, v56  }
0x3a: {  	v58 =	vld [tilespmem:$0xB0];
	[tilespmem:$0x500] =	vst v4  }
0x3b: {  	v59 =	vld [tilespmem:$0x900];
	[tilespmem:$0x980] =	vst v4;
	v4 =	vadd.s32 v0, v57  }
0x3c: {  	v8 =	vld [tilespmem:$0xC0];
	[tilespmem:$0x580] =	vst v4  }
0x3d: {  	[tilespmem:$0x990] =	vst v4;
	v4 =	vadd.s32 v0, v5  }
0x3e: {  	v5 =	vld [tilespmem:$0xD0];
	[tilespmem:$0x600] =	vst v4  }
0x3f: {  	[tilespmem:$0x9A0] =	vst v4;
	v4 =	vadd.s32 v0, v58  }
0x40: {  	v60 =	vld [tilespmem:$0xE0];
	v9 =	vshll.u32 v59, $0x1;
	[tilespmem:$0x680] =	vst v4  }
0x41: {  	v7 =	vand.u32 $0x7, v59;
	v61 =	vand.u32 $0xFFFFFFF0, v9;
	[tilespmem:$0x9B0] =	vst v4;
	v4 =	vadd.s32 v0, v8  }
0x42: {  	v62 =	vld [tilespmem:$0xF0];
	v7 =	vor.u32 v7, v61;
	[tilespmem:$0x700] =	vst v4  }
0x43: {  	[tilespmem:$0x9C0] =	vst v4;
	v4 =	vadd.s32 v0, v5;
	v5 =	vperm.xlane v7, v1  }
0x44: {  	[tilespmem:$0x780] =	vst v4  }
0x45: {  	v63 =	vperm.xlane v7, v3;
	[tilespmem:$0x9D0] =	vst v4;
	v4 =	vadd.s32 v0, v60;
	v5 =	vadd.s32 v2, v5  }
0x46: {  	[tilespmem:$0x800] =	vst v4  }
0x47: {  	v6 =	vadd.s32 v2, v63;
	[tilespmem:$0x9E0] =	vst v4;
	v4 =	vadd.s32 v0, v62  }
0x48: {  	[tilespmem:$0x880] =	vst v4  }
0x49: {  	[tilespmem:$0x9F0] =	vst v4  }
0x4a: {  	[tilespmem:s30], [sflag:$0x1] =	stream.indirect_vreg.gather [hbm4b:s1+s4], $0x80, v5, vm0, $0xb8;
	[tilespmem:$0x10A00] =	vst v63  }
0x4b: {  	s0 =	simm.s32 $0x1200  }
0x4c: {  	[tilespmem:s0], [sflag:$0x1] =	stream.indirect_vreg.gather [hbm4b:s1+s4], $0x80, v6, vm0, $0xb8;
	[tilespmem:$0x10A00] =	vst v63  }
0x4d: {  	v4 =	vld [tilespmem:$0x910];
	_ =	sdelay $0x4  }
0x4e: {  	v5 =	vshll.u32 v4, $0x1  }
0x4f: {  	v4 =	vand.u32 $0x7, v4;
	v5 =	vand.u32 $0xFFFFFFF0, v5  }
0x50: {  	v4 =	vor.u32 v4, v5  }
0x51: {  	v5 =	vperm.xlane v4, v1;
	_ =	sdelay $0x1  }
0x52: {  	v4 =	vperm.xlane v4, v3;
	v5 =	vadd.s32 v2, v5;
	_ =	sdelay $0x1  }
0x53: {  	v4 =	vadd.s32 v2, v4;
	_ =	sdelay $0x1  }
0x54: {  	s26 =	simm.s32 $0x1A00  }
0x55: {  	[tilespmem:s26], [sflag:$0x1] =	stream.indirect_vreg.gather [hbm4b:s1+s4], $0x80, v5, vm0, $0xb8;
	[tilespmem:$0x10A00] =	vst v63  }
0x56: {  	s26 =	simm.s32 $0x2200  }
0x57: {  	[tilespmem:s26], [sflag:$0x1] =	stream.indirect_vreg.gather [hbm4b:s1+s4], $0x80, v4, vm0, $0xb8;
	[tilespmem:$0x10A00] =	vst v63  }
0x58: {  	v4 =	vld [tilespmem:$0x920];
	_ =	sdelay $0x4  }
0x59: {  	v5 =	vshll.u32 v4, $0x1  }
0x5a: {  	v4 =	vand.u32 $0x7, v4;
	v5 =	vand.u32 $0xFFFFFFF0, v5  }
0x5b: {  	v4 =	vor.u32 v4, v5  }
0x5c: {  	v5 =	vperm.xlane v4, v1;
	_ =	sdelay $0x1  }
0x5d: {  	v4 =	vperm.xlane v4, v3;
	v5 =	vadd.s32 v2, v5;
	_ =	sdelay $0x1  }
0x5e: {  	v4 =	vadd.s32 v2, v4;
	_ =	sdelay $0x1  }
0x5f: {  	s26 =	simm.s32 $0x2A00  }
0x60: {  	[tilespmem:s26], [sflag:$0x1] =	stream.indirect_vreg.gather [hbm4b:s1+s4], $0x80, v5, vm0, $0xb8;
	[tilespmem:$0x10A00] =	vst v63  }
0x61: {  	s26 =	simm.s32 $0x3200  }
0x62: {  	[tilespmem:s26], [sflag:$0x1] =	stream.indirect_vreg.gather [hbm4b:s1+s4], $0x80, v4, vm0, $0xb8;
	[tilespmem:$0x10A00] =	vst v63  }
0x63: {  	v4 =	vld [tilespmem:$0x930];
	_ =	sdelay $0x4  }
0x64: {  	v5 =	vshll.u32 v4, $0x1  }
0x65: {  	v4 =	vand.u32 $0x7, v4;
	v5 =	vand.u32 $0xFFFFFFF0, v5  }
0x66: {  	v4 =	vor.u32 v4, v5  }
0x67: {  	v5 =	vperm.xlane v4, v1;
	_ =	sdelay $0x1  }
0x68: {  	v4 =	vperm.xlane v4, v3;
	v5 =	vadd.s32 v2, v5;
	_ =	sdelay $0x1  }
0x69: {  	v4 =	vadd.s32 v2, v4;
	_ =	sdelay $0x2  }
0x6a: {  	[tilespmem:s31], [sflag:$0x1] =	stream.indirect_vreg.gather [hbm4b:s1+s4], $0x80, v5, vm0, $0xb8;
	[tilespmem:$0x10A00] =	vst v63  }
0x6b: {  	s26 =	simm.s32 $0x4200  }
0x6c: {  	[tilespmem:s26], [sflag:$0x1] =	stream.indirect_vreg.gather [hbm4b:s1+s4], $0x80, v4, vm0, $0xb8;
	[tilespmem:$0x10A00] =	vst v63  }
0x6d: {  	v4 =	vld [tilespmem:$0x940];
	_ =	sdelay $0x4  }
0x6e: {  	v5 =	vshll.u32 v4, $0x1  }
0x6f: {  	v4 =	vand.u32 $0x7, v4;
	v5 =	vand.u32 $0xFFFFFFF0, v5  }
0x70: {  	v4 =	vor.u32 v4, v5  }
0x71: {  	v5 =	vperm.xlane v4, v1;
	_ =	sdelay $0x1  }
0x72: {  	v4 =	vperm.xlane v4, v3;
	v5 =	vadd.s32 v2, v5;
	_ =	sdelay $0x1  }
0x73: {  	v4 =	vadd.s32 v2, v4;
	_ =	sdelay $0x1  }
0x74: {  	s26 =	simm.s32 $0x4A00  }
0x75: {  	[tilespmem:s26], [sflag:$0x1] =	stream.indirect_vreg.gather [hbm4b:s1+s4], $0x80, v5, vm0, $0xb8;
	[tilespmem:$0x10A00] =	vst v63  }
0x76: {  	s26 =	simm.s32 $0x5200  }
0x77: {  	[tilespmem:s26], [sflag:$0x1] =	stream.indirect_vreg.gather [hbm4b:s1+s4], $0x80, v4, vm0, $0xb8;
	[tilespmem:$0x10A00] =	vst v63  }
0x78: {  	v4 =	vld [tilespmem:$0x950];
	_ =	sdelay $0x4  }
0x79: {  	v5 =	vshll.u32 v4, $0x1  }
0x7a: {  	v4 =	vand.u32 $0x7, v4;
	v5 =	vand.u32 $0xFFFFFFF0, v5  }
0x7b: {  	v4 =	vor.u32 v4, v5  }
0x7c: {  	v5 =	vperm.xlane v4, v1;
	_ =	sdelay $0x1  }
0x7d: {  	v4 =	vperm.xlane v4, v3;
	v5 =	vadd.s32 v2, v5;
	_ =	sdelay $0x1  }
0x7e: {  	v4 =	vadd.s32 v2, v4;
	_ =	sdelay $0x1  }
0x7f: {  	s26 =	simm.s32 $0x5A00  }
0x80: {  	[tilespmem:s26], [sflag:$0x1] =	stream.indirect_vreg.gather [hbm4b:s1+s4], $0x80, v5, vm0, $0xb8;
	[tilespmem:$0x10A00] =	vst v63  }
0x81: {  	s26 =	simm.s32 $0x6200  }
0x82: {  	[tilespmem:s26], [sflag:$0x1] =	stream.indirect_vreg.gather [hbm4b:s1+s4], $0x80, v4, vm0, $0xb8;
	[tilespmem:$0x10A00] =	vst v63  }
0x83: {  	v4 =	vld [tilespmem:$0x960];
	_ =	sdelay $0x4  }
0x84: {  	v5 =	vshll.u32 v4, $0x1  }
0x85: {  	v4 =	vand.u32 $0x7, v4;
	v5 =	vand.u32 $0xFFFFFFF0, v5  }
0x86: {  	v4 =	vor.u32 v4, v5  }
0x87: {  	v5 =	vperm.xlane v4, v1;
	_ =	sdelay $0x1  }
0x88: {  	v4 =	vperm.xlane v4, v3;
	v5 =	vadd.s32 v2, v5;
	_ =	sdelay $0x1  }
0x89: {  	v4 =	vadd.s32 v2, v4;
	_ =	sdelay $0x1  }
0x8a: {  	s26 =	simm.s32 $0x6A00  }
0x8b: {  	[tilespmem:s26], [sflag:$0x1] =	stream.indirect_vreg.gather [hbm4b:s1+s4], $0x80, v5, vm0, $0xb8;
	[tilespmem:$0x10A00] =	vst v63  }
0x8c: {  	s26 =	simm.s32 $0x7200  }
0x8d: {  	[tilespmem:s26], [sflag:$0x1] =	stream.indirect_vreg.gather [hbm4b:s1+s4], $0x80, v4, vm0, $0xb8;
	[tilespmem:$0x10A00] =	vst v63  }
0x8e: {  	v4 =	vld [tilespmem:$0x970];
	_ =	sdelay $0x4  }
0x8f: {  	v5 =	vshll.u32 v4, $0x1  }
0x90: {  	v4 =	vand.u32 $0x7, v4;
	v5 =	vand.u32 $0xFFFFFFF0, v5  }
0x91: {  	v4 =	vor.u32 v4, v5  }
0x92: {  	v5 =	vperm.xlane v4, v1;
	_ =	sdelay $0x1  }
0x93: {  	v4 =	vperm.xlane v4, v3;
	v5 =	vadd.s32 v2, v5;
	_ =	sdelay $0x1  }
0x94: {  	v4 =	vadd.s32 v2, v4;
	_ =	sdelay $0x1  }
0x95: {  	s26 =	simm.s32 $0x7A00  }
0x96: {  	[tilespmem:s26], [sflag:$0x1] =	stream.indirect_vreg.gather [hbm4b:s1+s4], $0x80, v5, vm0, $0xb8;
	[tilespmem:$0x10A00] =	vst v63  }
0x97: {  	s26 =	simm.s32 $0x8200  }
0x98: {  	[tilespmem:s26], [sflag:$0x1] =	stream.indirect_vreg.gather [hbm4b:s1+s4], $0x80, v4, vm0, $0xb8;
	[tilespmem:$0x10A00] =	vst v63  }
0x99: {  	v4 =	vld [tilespmem:$0x100];
	_ =	sdelay $0x4  }
0x9a: {  	v5 =	vshll.u32 v4, $0x4  }
0x9b: {  	v4 =	vand.u32 $0x7, v4;
	v5 =	vand.u32 $0xFFFFFF80, v5  }
0x9c: {  	v4 =	vor.u32 v4, v5  }
0x9d: {  	v5 =	vperm.xlane v4, v1;
	_ =	sdelay $0x1  }
0x9e: {  	v5 =	vadd.s32 v2, v5;
	_ =	sdelay $0x4  }
0x9f: {  	[tilespmem:s28], [sflag:$0x3] =	stream.indirect_vreg.gather [hbm4b:s2+s4], $0x80, v5, vm0, $0xb8;
	[tilespmem:$0x10A00] =	vst v63  }
0xa0: {  	v4 =	vperm.xlane v4, v3  }
0xa1: {  	[tilespmem:s20], [sflag:$0x3] =	stream.indirect_vreg.gather [hbm4b:s6+s4], $0x80, v5, vm0, $0xb8;
	[tilespmem:$0x10A00] =	vst v63  }
0xa2: {  	v4 =	vadd.s32 v2, v4  }
0xa3: {  	[tilespmem:s21], [sflag:$0x3] =	stream.indirect_vreg.gather [hbm4b:s7+s4], $0x80, v5, vm0, $0xb8;
	[tilespmem:$0x10A00] =	vst v63  }
0xa4: {  	s0 =	simm.s32 $0xA200  }
0xa5: {  	[tilespmem:s0], [sflag:$0x3] =	stream.indirect_vreg.gather [hbm4b:s8+s4], $0x80, v5, vm0, $0xb8;
	[tilespmem:$0x10A00] =	vst v63  }
0xa6: {  	_ = 	snop  }
0xa7: {  	[tilespmem:s3], [sflag:$0x3] =	stream.indirect_vreg.gather [hbm4b:s2+s4], $0x80, v4, vm0, $0xb8;
	[tilespmem:$0x10A00] =	vst v63  }
0xa8: {  	_ = 	snop  }
0xa9: {  	[tilespmem:s5], [sflag:$0x3] =	stream.indirect_vreg.gather [hbm4b:s6+s4], $0x80, v4, vm0, $0xb8;
	[tilespmem:$0x10A00] =	vst v63  }
0xaa: {  	_ = 	snop  }
0xab: {  	[tilespmem:s9], [sflag:$0x3] =	stream.indirect_vreg.gather [hbm4b:s7+s4], $0x80, v4, vm0, $0xb8;
	[tilespmem:$0x10A00] =	vst v63  }
0xac: {  	_ = 	snop  }
0xad: {  	[tilespmem:s11], [sflag:$0x3] =	stream.indirect_vreg.gather [hbm4b:s8+s4], $0x80, v4, vm0, $0xb8;
	[tilespmem:$0x10A00] =	vst v63  }
0xae: {  	v4 =	vld [tilespmem:$0x180];
	_ =	sdelay $0x4  }
0xaf: {  	v5 =	vshll.u32 v4, $0x4  }
0xb0: {  	v4 =	vand.u32 $0x7, v4;
	v5 =	vand.u32 $0xFFFFFF80, v5  }
0xb1: {  	v4 =	vor.u32 v4, v5  }
0xb2: {  	v5 =	vperm.xlane v4, v1;
	_ =	sdelay $0x1  }
0xb3: {  	v5 =	vadd.s32 v2, v5;
	_ =	sdelay $0x4  }
0xb4: {  	[tilespmem:s14], [sflag:$0x4] =	stream.indirect_vreg.gather [hbm4b:s2+s4], $0x80, v5, vm0, $0xb8;
	[tilespmem:$0x10A00] =	vst v63  }
0xb5: {  	v4 =	vperm.xlane v4, v3  }
0xb6: {  	[tilespmem:s13], [sflag:$0x4] =	stream.indirect_vreg.gather [hbm4b:s6+s4], $0x80, v5, vm0, $0xb8;
	[tilespmem:$0x10A00] =	vst v63  }
0xb7: {  	v4 =	vadd.s32 v2, v4  }
0xb8: {  	[tilespmem:s15], [sflag:$0x4] =	stream.indirect_vreg.gather [hbm4b:s7+s4], $0x80, v5, vm0, $0xb8;
	[tilespmem:$0x10A00] =	vst v63  }
0xb9: {  	_ = 	snop  }
0xba: {  	[tilespmem:s16], [sflag:$0x4] =	stream.indirect_vreg.gather [hbm4b:s8+s4], $0x80, v5, vm0, $0xb8;
	[tilespmem:$0x10A00] =	vst v63  }
0xbb: {  	_ = 	snop  }
0xbc: {  	[tilespmem:s17], [sflag:$0x4] =	stream.indirect_vreg.gather [hbm4b:s2+s4], $0x80, v4, vm0, $0xb8;
	[tilespmem:$0x10A00] =	vst v63  }
0xbd: {  	_ = 	snop  }
0xbe: {  	[tilespmem:s18], [sflag:$0x4] =	stream.indirect_vreg.gather [hbm4b:s6+s4], $0x80, v4, vm0, $0xb8;
	[tilespmem:$0x10A00] =	vst v63  }
0xbf: {  	_ = 	snop  }
0xc0: {  	[tilespmem:s19], [sflag:$0x4] =	stream.indirect_vreg.gather [hbm4b:s7+s4], $0x80, v4, vm0, $0xb8;
	[tilespmem:$0x10A00] =	vst v63  }
0xc1: {  	_ = 	snop  }
0xc2: {  	[tilespmem:s24], [sflag:$0x4] =	stream.indirect_vreg.gather [hbm4b:s8+s4], $0x80, v4, vm0, $0xb8;
	[tilespmem:$0x10A00] =	vst v63  }
0xc3: {  	_ =	swait.ge [sflag:s22], $0x4000  }
0xc4: {  	[sflag:s22] =	ssyncset.done $0x0  }
0xc5: {  	s26 =	rddreg [dreg:$0x18];
	[sflag:s22] =	ssyncadd.s32 $0xFFFFC000  }
0xc6: {  	[hbm4b:s26+s4] =	stream.linear.scatter [tilespmem:s28], [sflag:$0x5], $0x4000, $0x38;
	[tilespmem:$0x10A00] =	vst v63  }
0xc7: {  	_ =	swait.ge [sflag:s10], $0x4000  }
0xc8: {  	[sflag:s10] =	ssyncset.done $0x0  }
0xc9: {  	[sflag:s10] =	ssyncadd.s32 $0xFFFFC000  }
0xca: {  	v4 =	vld [tilespmem:$0x200];
	_ =	sdelay $0x4  }
0xcb: {  	v5 =	vshll.u32 v4, $0x4  }
0xcc: {  	v4 =	vand.u32 $0x7, v4;
	v5 =	vand.u32 $0xFFFFFF80, v5  }
0xcd: {  	v4 =	vor.u32 v4, v5  }
0xce: {  	v5 =	vperm.xlane v4, v1;
	_ =	sdelay $0x1  }
0xcf: {  	v5 =	vadd.s32 v2, v5;
	_ =	sdelay $0x4  }
0xd0: {  	[tilespmem:s28], [sflag:$0x3] =	stream.indirect_vreg.gather [hbm4b:s2+s4], $0x80, v5, vm0, $0xb8;
	[tilespmem:$0x10A00] =	vst v63  }
0xd1: {  	v4 =	vperm.xlane v4, v3  }
0xd2: {  	[tilespmem:s20], [sflag:$0x3] =	stream.indirect_vreg.gather [hbm4b:s6+s4], $0x80, v5, vm0, $0xb8;
	[tilespmem:$0x10A00] =	vst v63  }
0xd3: {  	v4 =	vadd.s32 v2, v4  }
0xd4: {  	[tilespmem:s21], [sflag:$0x3] =	stream.indirect_vreg.gather [hbm4b:s7+s4], $0x80, v5, vm0, $0xb8;
	[tilespmem:$0x10A00] =	vst v63  }
0xd5: {  	_ = 	snop  }
0xd6: {  	[tilespmem:s0], [sflag:$0x3] =	stream.indirect_vreg.gather [hbm4b:s8+s4], $0x80, v5, vm0, $0xb8;
	[tilespmem:$0x10A00] =	vst v63  }
0xd7: {  	_ = 	snop  }
0xd8: {  	[tilespmem:s3], [sflag:$0x3] =	stream.indirect_vreg.gather [hbm4b:s2+s4], $0x80, v4, vm0, $0xb8;
	[tilespmem:$0x10A00] =	vst v63  }
0xd9: {  	_ = 	snop  }
0xda: {  	[tilespmem:s5], [sflag:$0x3] =	stream.indirect_vreg.gather [hbm4b:s6+s4], $0x80, v4, vm0, $0xb8;
	[tilespmem:$0x10A00] =	vst v63  }
0xdb: {  	_ = 	snop  }
0xdc: {  	[tilespmem:s9], [sflag:$0x3] =	stream.indirect_vreg.gather [hbm4b:s7+s4], $0x80, v4, vm0, $0xb8;
	[tilespmem:$0x10A00] =	vst v63  }
0xdd: {  	_ = 	snop  }
0xde: {  	[tilespmem:s11], [sflag:$0x3] =	stream.indirect_vreg.gather [hbm4b:s8+s4], $0x80, v4, vm0, $0xb8;
	[tilespmem:$0x10A00] =	vst v63  }
0xdf: {  	_ =	swait.ge [sflag:s23], $0x4000  }
0xe0: {  	[sflag:s23] =	ssyncset.done $0x0  }
0xe1: {  	s26 =	rddreg [dreg:$0x7];
	[sflag:s23] =	ssyncadd.s32 $0xFFFFC000  }
0xe2: {  	[hbm4b:s26+s4] =	stream.linear.scatter [tilespmem:s14], [sflag:$0x5], $0x4000, $0x38;
	[tilespmem:$0x10A00] =	vst v63  }
0xe3: {  	_ =	swait.ge [sflag:s10], $0x4000  }
0xe4: {  	[sflag:s10] =	ssyncset.done $0x0  }
0xe5: {  	[sflag:s10] =	ssyncadd.s32 $0xFFFFC000  }
0xe6: {  	v4 =	vld [tilespmem:$0x280];
	_ =	sdelay $0x4  }
0xe7: {  	v5 =	vshll.u32 v4, $0x4  }
0xe8: {  	v4 =	vand.u32 $0x7, v4;
	v5 =	vand.u32 $0xFFFFFF80, v5  }
0xe9: {  	v4 =	vor.u32 v4, v5  }
0xea: {  	v5 =	vperm.xlane v4, v1;
	_ =	sdelay $0x1  }
0xeb: {  	v5 =	vadd.s32 v2, v5;
	_ =	sdelay $0x4  }
0xec: {  	[tilespmem:s14], [sflag:$0x4] =	stream.indirect_vreg.gather [hbm4b:s2+s4], $0x80, v5, vm0, $0xb8;
	[tilespmem:$0x10A00] =	vst v63  }
0xed: {  	v4 =	vperm.xlane v4, v3  }
0xee: {  	[tilespmem:s13], [sflag:$0x4] =	stream.indirect_vreg.gather [hbm4b:s6+s4], $0x80, v5, vm0, $0xb8;
	[tilespmem:$0x10A00] =	vst v63  }
0xef: {  	v4 =	vadd.s32 v2, v4  }
0xf0: {  	[tilespmem:s15], [sflag:$0x4] =	stream.indirect_vreg.gather [hbm4b:s7+s4], $0x80, v5, vm0, $0xb8;
	[tilespmem:$0x10A00] =	vst v63  }
0xf1: {  	_ = 	snop  }
0xf2: {  	[tilespmem:s16], [sflag:$0x4] =	stream.indirect_vreg.gather [hbm4b:s8+s4], $0x80, v5, vm0, $0xb8;
	[tilespmem:$0x10A00] =	vst v63  }
0xf3: {  	_ = 	snop  }
0xf4: {  	[tilespmem:s17], [sflag:$0x4] =	stream.indirect_vreg.gather [hbm4b:s2+s4], $0x80, v4, vm0, $0xb8;
	[tilespmem:$0x10A00] =	vst v63  }
0xf5: {  	_ = 	snop  }
0xf6: {  	[tilespmem:s18], [sflag:$0x4] =	stream.indirect_vreg.gather [hbm4b:s6+s4], $0x80, v4, vm0, $0xb8;
	[tilespmem:$0x10A00] =	vst v63  }
0xf7: {  	_ = 	snop  }
0xf8: {  	[tilespmem:s19], [sflag:$0x4] =	stream.indirect_vreg.gather [hbm4b:s7+s4], $0x80, v4, vm0, $0xb8;
	[tilespmem:$0x10A00] =	vst v63  }
0xf9: {  	_ = 	snop  }
0xfa: {  	[tilespmem:s24], [sflag:$0x4] =	stream.indirect_vreg.gather [hbm4b:s8+s4], $0x80, v4, vm0, $0xb8;
	[tilespmem:$0x10A00] =	vst v63  }
0xfb: {  	_ =	swait.ge [sflag:s12], $0x8000  }
0xfc: {  	[sflag:s12] =	ssyncset.done $0x0  }
0xfd: {  	s26 =	rddreg [dreg:$0x8];
	[sflag:s12] =	ssyncadd.s32 $0xFFFF8000  }
0xfe: {  	[hbm4b:s26+s4] =	stream.linear.scatter [tilespmem:s30], [sflag:$0x2], $0x8000, $0x38;
	[tilespmem:$0x10A00] =	vst v63  }
0xff: {  	_ =	swait.ge [sflag:s22], $0x4000  }
0x100: {  	[sflag:s22] =	ssyncset.done $0x0  }
0x101: {  	s26 =	rddreg [dreg:$0x9];
	[sflag:s22] =	ssyncadd.s32 $0xFFFFC000  }
0x102: {  	[hbm4b:s26+s4] =	stream.linear.scatter [tilespmem:s28], [sflag:$0x5], $0x4000, $0x38;
	[tilespmem:$0x10A00] =	vst v63  }
0x103: {  	_ =	swait.ge [sflag:s10], $0x4000  }
0x104: {  	[sflag:s10] =	ssyncset.done $0x0  }
0x105: {  	[sflag:s10] =	ssyncadd.s32 $0xFFFFC000  }
0x106: {  	v4 =	vld [tilespmem:$0x300];
	_ =	sdelay $0x4  }
0x107: {  	v5 =	vshll.u32 v4, $0x4  }
0x108: {  	v4 =	vand.u32 $0x7, v4;
	v5 =	vand.u32 $0xFFFFFF80, v5  }
0x109: {  	v4 =	vor.u32 v4, v5  }
0x10a: {  	v5 =	vperm.xlane v4, v1;
	_ =	sdelay $0x1  }
0x10b: {  	v5 =	vadd.s32 v2, v5;
	_ =	sdelay $0x4  }
0x10c: {  	[tilespmem:s28], [sflag:$0x3] =	stream.indirect_vreg.gather [hbm4b:s2+s4], $0x80, v5, vm0, $0xb8;
	[tilespmem:$0x10A00] =	vst v63  }
0x10d: {  	v4 =	vperm.xlane v4, v3  }
0x10e: {  	[tilespmem:s20], [sflag:$0x3] =	stream.indirect_vreg.gather [hbm4b:s6+s4], $0x80, v5, vm0, $0xb8;
	[tilespmem:$0x10A00] =	vst v63  }
0x10f: {  	v4 =	vadd.s32 v2, v4  }
0x110: {  	[tilespmem:s21], [sflag:$0x3] =	stream.indirect_vreg.gather [hbm4b:s7+s4], $0x80, v5, vm0, $0xb8;
	[tilespmem:$0x10A00] =	vst v63  }
0x111: {  	_ = 	snop  }
0x112: {  	[tilespmem:s0], [sflag:$0x3] =	stream.indirect_vreg.gather [hbm4b:s8+s4], $0x80, v5, vm0, $0xb8;
	[tilespmem:$0x10A00] =	vst v63  }
0x113: {  	_ = 	snop  }
0x114: {  	[tilespmem:s3], [sflag:$0x3] =	stream.indirect_vreg.gather [hbm4b:s2+s4], $0x80, v4, vm0, $0xb8;
	[tilespmem:$0x10A00] =	vst v63  }
0x115: {  	_ = 	snop  }
0x116: {  	[tilespmem:s5], [sflag:$0x3] =	stream.indirect_vreg.gather [hbm4b:s6+s4], $0x80, v4, vm0, $0xb8;
	[tilespmem:$0x10A00] =	vst v63  }
0x117: {  	_ = 	snop  }
0x118: {  	[tilespmem:s9], [sflag:$0x3] =	stream.indirect_vreg.gather [hbm4b:s7+s4], $0x80, v4, vm0, $0xb8;
	[tilespmem:$0x10A00] =	vst v63  }
0x119: {  	_ = 	snop  }
0x11a: {  	[tilespmem:s11], [sflag:$0x3] =	stream.indirect_vreg.gather [hbm4b:s8+s4], $0x80, v4, vm0, $0xb8;
	[tilespmem:$0x10A00] =	vst v63  }
0x11b: {  	_ =	swait.ge [sflag:s23], $0x4000  }
0x11c: {  	[sflag:s23] =	ssyncset.done $0x0  }
0x11d: {  	s26 =	rddreg [dreg:$0xa];
	[sflag:s23] =	ssyncadd.s32 $0xFFFFC000  }
0x11e: {  	[hbm4b:s26+s4] =	stream.linear.scatter [tilespmem:s14], [sflag:$0x5], $0x4000, $0x38;
	[tilespmem:$0x10A00] =	vst v63  }
0x11f: {  	_ =	swait.ge [sflag:s10], $0x4000  }
0x120: {  	[sflag:s10] =	ssyncset.done $0x0  }
0x121: {  	[sflag:s10] =	ssyncadd.s32 $0xFFFFC000  }
0x122: {  	v4 =	vld [tilespmem:$0x380];
	_ =	sdelay $0x4  }
0x123: {  	v5 =	vshll.u32 v4, $0x4  }
0x124: {  	v4 =	vand.u32 $0x7, v4;
	v5 =	vand.u32 $0xFFFFFF80, v5  }
0x125: {  	v4 =	vor.u32 v4, v5  }
0x126: {  	v5 =	vperm.xlane v4, v1;
	_ =	sdelay $0x1  }
0x127: {  	v5 =	vadd.s32 v2, v5;
	_ =	sdelay $0x4  }
0x128: {  	[tilespmem:s14], [sflag:$0x4] =	stream.indirect_vreg.gather [hbm4b:s2+s4], $0x80, v5, vm0, $0xb8;
	[tilespmem:$0x10A00] =	vst v63  }
0x129: {  	v4 =	vperm.xlane v4, v3  }
0x12a: {  	[tilespmem:s13], [sflag:$0x4] =	stream.indirect_vreg.gather [hbm4b:s6+s4], $0x80, v5, vm0, $0xb8;
	[tilespmem:$0x10A00] =	vst v63  }
0x12b: {  	v4 =	vadd.s32 v2, v4  }
0x12c: {  	[tilespmem:s15], [sflag:$0x4] =	stream.indirect_vreg.gather [hbm4b:s7+s4], $0x80, v5, vm0, $0xb8;
	[tilespmem:$0x10A00] =	vst v63  }
0x12d: {  	_ = 	snop  }
0x12e: {  	[tilespmem:s16], [sflag:$0x4] =	stream.indirect_vreg.gather [hbm4b:s8+s4], $0x80, v5, vm0, $0xb8;
	[tilespmem:$0x10A00] =	vst v63  }
0x12f: {  	_ = 	snop  }
0x130: {  	[tilespmem:s17], [sflag:$0x4] =	stream.indirect_vreg.gather [hbm4b:s2+s4], $0x80, v4, vm0, $0xb8;
	[tilespmem:$0x10A00] =	vst v63  }
0x131: {  	_ = 	snop  }
0x132: {  	[tilespmem:s18], [sflag:$0x4] =	stream.indirect_vreg.gather [hbm4b:s6+s4], $0x80, v4, vm0, $0xb8;
	[tilespmem:$0x10A00] =	vst v63  }
0x133: {  	_ = 	snop  }
0x134: {  	[tilespmem:s19], [sflag:$0x4] =	stream.indirect_vreg.gather [hbm4b:s7+s4], $0x80, v4, vm0, $0xb8;
	[tilespmem:$0x10A00] =	vst v63  }
0x135: {  	_ = 	snop  }
0x136: {  	[tilespmem:s24], [sflag:$0x4] =	stream.indirect_vreg.gather [hbm4b:s8+s4], $0x80, v4, vm0, $0xb8;
	[tilespmem:$0x10A00] =	vst v63  }
0x137: {  	_ =	swait.ge [sflag:s25], $0x8000  }
0x138: {  	[sflag:s25] =	ssyncset.done $0x0  }
0x139: {  	[sflag:s25] =	ssyncadd.s32 $0xFFFF8000  }
0x13a: {  	v4 =	vld [tilespmem:$0x980];
	_ =	sdelay $0x4  }
0x13b: {  	v5 =	vshll.u32 v4, $0x1  }
0x13c: {  	v4 =	vand.u32 $0x7, v4;
	v5 =	vand.u32 $0xFFFFFFF0, v5  }
0x13d: {  	v4 =	vor.u32 v4, v5  }
0x13e: {  	v5 =	vperm.xlane v4, v1;
	_ =	sdelay $0x1  }
0x13f: {  	v4 =	vperm.xlane v4, v3;
	v5 =	vadd.s32 v2, v5;
	_ =	sdelay $0x1  }
0x140: {  	v4 =	vadd.s32 v2, v4;
	_ =	sdelay $0x2  }
0x141: {  	[tilespmem:s30], [sflag:$0x1] =	stream.indirect_vreg.gather [hbm4b:s1+s4], $0x80, v5, vm0, $0xb8;
	[tilespmem:$0x10A00] =	vst v63  }
0x142: {  	s26 =	simm.s32 $0x1200  }
0x143: {  	[tilespmem:s26], [sflag:$0x1] =	stream.indirect_vreg.gather [hbm4b:s1+s4], $0x80, v4, vm0, $0xb8;
	[tilespmem:$0x10A00] =	vst v63  }
0x144: {  	v4 =	vld [tilespmem:$0x990];
	_ =	sdelay $0x4  }
0x145: {  	v5 =	vshll.u32 v4, $0x1  }
0x146: {  	v4 =	vand.u32 $0x7, v4;
	v5 =	vand.u32 $0xFFFFFFF0, v5  }
0x147: {  	v4 =	vor.u32 v4, v5  }
0x148: {  	v5 =	vperm.xlane v4, v1;
	_ =	sdelay $0x1  }
0x149: {  	v4 =	vperm.xlane v4, v3;
	v5 =	vadd.s32 v2, v5;
	_ =	sdelay $0x1  }
0x14a: {  	v4 =	vadd.s32 v2, v4;
	_ =	sdelay $0x1  }
0x14b: {  	s26 =	simm.s32 $0x1A00  }
0x14c: {  	[tilespmem:s26], [sflag:$0x1] =	stream.indirect_vreg.gather [hbm4b:s1+s4], $0x80, v5, vm0, $0xb8;
	[tilespmem:$0x10A00] =	vst v63  }
0x14d: {  	s26 =	simm.s32 $0x2200  }
0x14e: {  	[tilespmem:s26], [sflag:$0x1] =	stream.indirect_vreg.gather [hbm4b:s1+s4], $0x80, v4, vm0, $0xb8;
	[tilespmem:$0x10A00] =	vst v63  }
0x14f: {  	v4 =	vld [tilespmem:$0x9A0];
	_ =	sdelay $0x4  }
0x150: {  	v5 =	vshll.u32 v4, $0x1  }
0x151: {  	v4 =	vand.u32 $0x7, v4;
	v5 =	vand.u32 $0xFFFFFFF0, v5  }
0x152: {  	v4 =	vor.u32 v4, v5  }
0x153: {  	v5 =	vperm.xlane v4, v1;
	_ =	sdelay $0x1  }
0x154: {  	v4 =	vperm.xlane v4, v3;
	v5 =	vadd.s32 v2, v5;
	_ =	sdelay $0x1  }
0x155: {  	v4 =	vadd.s32 v2, v4;
	_ =	sdelay $0x1  }
0x156: {  	s26 =	simm.s32 $0x2A00  }
0x157: {  	[tilespmem:s26], [sflag:$0x1] =	stream.indirect_vreg.gather [hbm4b:s1+s4], $0x80, v5, vm0, $0xb8;
	[tilespmem:$0x10A00] =	vst v63  }
0x158: {  	s26 =	simm.s32 $0x3200  }
0x159: {  	[tilespmem:s26], [sflag:$0x1] =	stream.indirect_vreg.gather [hbm4b:s1+s4], $0x80, v4, vm0, $0xb8;
	[tilespmem:$0x10A00] =	vst v63  }
0x15a: {  	v4 =	vld [tilespmem:$0x9B0];
	_ =	sdelay $0x4  }
0x15b: {  	v5 =	vshll.u32 v4, $0x1  }
0x15c: {  	v4 =	vand.u32 $0x7, v4;
	v5 =	vand.u32 $0xFFFFFFF0, v5  }
0x15d: {  	v4 =	vor.u32 v4, v5  }
0x15e: {  	v5 =	vperm.xlane v4, v1;
	_ =	sdelay $0x1  }
0x15f: {  	v4 =	vperm.xlane v4, v3;
	v5 =	vadd.s32 v2, v5;
	_ =	sdelay $0x1  }
0x160: {  	v4 =	vadd.s32 v2, v4;
	_ =	sdelay $0x2  }
0x161: {  	[tilespmem:s31], [sflag:$0x1] =	stream.indirect_vreg.gather [hbm4b:s1+s4], $0x80, v5, vm0, $0xb8;
	[tilespmem:$0x10A00] =	vst v63  }
0x162: {  	s26 =	simm.s32 $0x4200  }
0x163: {  	[tilespmem:s26], [sflag:$0x1] =	stream.indirect_vreg.gather [hbm4b:s1+s4], $0x80, v4, vm0, $0xb8;
	[tilespmem:$0x10A00] =	vst v63  }
0x164: {  	v4 =	vld [tilespmem:$0x9C0];
	_ =	sdelay $0x4  }
0x165: {  	v5 =	vshll.u32 v4, $0x1  }
0x166: {  	v4 =	vand.u32 $0x7, v4;
	v5 =	vand.u32 $0xFFFFFFF0, v5  }
0x167: {  	v4 =	vor.u32 v4, v5  }
0x168: {  	v5 =	vperm.xlane v4, v1;
	_ =	sdelay $0x1  }
0x169: {  	v4 =	vperm.xlane v4, v3;
	v5 =	vadd.s32 v2, v5;
	_ =	sdelay $0x1  }
0x16a: {  	v4 =	vadd.s32 v2, v4;
	_ =	sdelay $0x1  }
0x16b: {  	s26 =	simm.s32 $0x4A00  }
0x16c: {  	[tilespmem:s26], [sflag:$0x1] =	stream.indirect_vreg.gather [hbm4b:s1+s4], $0x80, v5, vm0, $0xb8;
	[tilespmem:$0x10A00] =	vst v63  }
0x16d: {  	s26 =	simm.s32 $0x5200  }
0x16e: {  	[tilespmem:s26], [sflag:$0x1] =	stream.indirect_vreg.gather [hbm4b:s1+s4], $0x80, v4, vm0, $0xb8;
	[tilespmem:$0x10A00] =	vst v63  }
0x16f: {  	v4 =	vld [tilespmem:$0x9D0];
	_ =	sdelay $0x4  }
0x170: {  	v5 =	vshll.u32 v4, $0x1  }
0x171: {  	v4 =	vand.u32 $0x7, v4;
	v5 =	vand.u32 $0xFFFFFFF0, v5  }
0x172: {  	v4 =	vor.u32 v4, v5  }
0x173: {  	v5 =	vperm.xlane v4, v1;
	_ =	sdelay $0x1  }
0x174: {  	v4 =	vperm.xlane v4, v3;
	v5 =	vadd.s32 v2, v5;
	_ =	sdelay $0x1  }
0x175: {  	v4 =	vadd.s32 v2, v4;
	_ =	sdelay $0x1  }
0x176: {  	s26 =	simm.s32 $0x5A00  }
0x177: {  	[tilespmem:s26], [sflag:$0x1] =	stream.indirect_vreg.gather [hbm4b:s1+s4], $0x80, v5, vm0, $0xb8;
	[tilespmem:$0x10A00] =	vst v63  }
0x178: {  	s26 =	simm.s32 $0x6200  }
0x179: {  	[tilespmem:s26], [sflag:$0x1] =	stream.indirect_vreg.gather [hbm4b:s1+s4], $0x80, v4, vm0, $0xb8;
	[tilespmem:$0x10A00] =	vst v63  }
0x17a: {  	v4 =	vld [tilespmem:$0x9E0];
	_ =	sdelay $0x4  }
0x17b: {  	v5 =	vshll.u32 v4, $0x1  }
0x17c: {  	v4 =	vand.u32 $0x7, v4;
	v5 =	vand.u32 $0xFFFFFFF0, v5  }
0x17d: {  	v4 =	vor.u32 v4, v5  }
0x17e: {  	v5 =	vperm.xlane v4, v1;
	_ =	sdelay $0x1  }
0x17f: {  	v4 =	vperm.xlane v4, v3;
	v5 =	vadd.s32 v2, v5;
	_ =	sdelay $0x1  }
0x180: {  	v4 =	vadd.s32 v2, v4;
	_ =	sdelay $0x1  }
0x181: {  	s26 =	simm.s32 $0x6A00  }
0x182: {  	[tilespmem:s26], [sflag:$0x1] =	stream.indirect_vreg.gather [hbm4b:s1+s4], $0x80, v5, vm0, $0xb8;
	[tilespmem:$0x10A00] =	vst v63  }
0x183: {  	s26 =	simm.s32 $0x7200  }
0x184: {  	[tilespmem:s26], [sflag:$0x1] =	stream.indirect_vreg.gather [hbm4b:s1+s4], $0x80, v4, vm0, $0xb8;
	[tilespmem:$0x10A00] =	vst v63  }
0x185: {  	v4 =	vld [tilespmem:$0x9F0];
	_ =	sdelay $0x4  }
0x186: {  	v5 =	vshll.u32 v4, $0x1  }
0x187: {  	v4 =	vand.u32 $0x7, v4;
	v5 =	vand.u32 $0xFFFFFFF0, v5  }
0x188: {  	v4 =	vor.u32 v4, v5  }
0x189: {  	v5 =	vperm.xlane v4, v1;
	_ =	sdelay $0x1  }
0x18a: {  	v4 =	vperm.xlane v4, v3;
	v5 =	vadd.s32 v2, v5;
	_ =	sdelay $0x1  }
0x18b: {  	v4 =	vadd.s32 v2, v4;
	_ =	sdelay $0x1  }
0x18c: {  	s26 =	simm.s32 $0x7A00  }
0x18d: {  	[tilespmem:s26], [sflag:$0x1] =	stream.indirect_vreg.gather [hbm4b:s1+s4], $0x80, v5, vm0, $0xb8;
	[tilespmem:$0x10A00] =	vst v63  }
0x18e: {  	s26 =	simm.s32 $0x8200  }
0x18f: {  	[tilespmem:s26], [sflag:$0x1] =	stream.indirect_vreg.gather [hbm4b:s1+s4], $0x80, v4, vm0, $0xb8;
	[tilespmem:$0x10A00] =	vst v63  }
0x190: {  	_ =	swait.ge [sflag:s22], $0x4000  }
0x191: {  	[sflag:s22] =	ssyncset.done $0x0  }
0x192: {  	s26 =	rddreg [dreg:$0xb];
	[sflag:s22] =	ssyncadd.s32 $0xFFFFC000  }
0x193: {  	[hbm4b:s26+s4] =	stream.linear.scatter [tilespmem:s28], [sflag:$0x5], $0x4000, $0x38;
	[tilespmem:$0x10A00] =	vst v63  }
0x194: {  	_ =	swait.ge [sflag:s10], $0x4000  }
0x195: {  	[sflag:s10] =	ssyncset.done $0x0  }
0x196: {  	[sflag:s10] =	ssyncadd.s32 $0xFFFFC000  }
0x197: {  	v4 =	vld [tilespmem:$0x400];
	_ =	sdelay $0x4  }
0x198: {  	v5 =	vshll.u32 v4, $0x4  }
0x199: {  	v4 =	vand.u32 $0x7, v4;
	v5 =	vand.u32 $0xFFFFFF80, v5  }
0x19a: {  	v4 =	vor.u32 v4, v5  }
0x19b: {  	v5 =	vperm.xlane v4, v1;
	_ =	sdelay $0x1  }
0x19c: {  	v5 =	vadd.s32 v2, v5;
	_ =	sdelay $0x4  }
0x19d: {  	[tilespmem:s28], [sflag:$0x3] =	stream.indirect_vreg.gather [hbm4b:s2+s4], $0x80, v5, vm0, $0xb8;
	[tilespmem:$0x10A00] =	vst v63  }
0x19e: {  	v4 =	vperm.xlane v4, v3  }
0x19f: {  	[tilespmem:s20], [sflag:$0x3] =	stream.indirect_vreg.gather [hbm4b:s6+s4], $0x80, v5, vm0, $0xb8;
	[tilespmem:$0x10A00] =	vst v63  }
0x1a0: {  	v4 =	vadd.s32 v2, v4  }
0x1a1: {  	[tilespmem:s21], [sflag:$0x3] =	stream.indirect_vreg.gather [hbm4b:s7+s4], $0x80, v5, vm0, $0xb8;
	[tilespmem:$0x10A00] =	vst v63  }
0x1a2: {  	_ = 	snop  }
0x1a3: {  	[tilespmem:s0], [sflag:$0x3] =	stream.indirect_vreg.gather [hbm4b:s8+s4], $0x80, v5, vm0, $0xb8;
	[tilespmem:$0x10A00] =	vst v63  }
0x1a4: {  	_ = 	snop  }
0x1a5: {  	[tilespmem:s3], [sflag:$0x3] =	stream.indirect_vreg.gather [hbm4b:s2+s4], $0x80, v4, vm0, $0xb8;
	[tilespmem:$0x10A00] =	vst v63  }
0x1a6: {  	_ = 	snop  }
0x1a7: {  	[tilespmem:s5], [sflag:$0x3] =	stream.indirect_vreg.gather [hbm4b:s6+s4], $0x80, v4, vm0, $0xb8;
	[tilespmem:$0x10A00] =	vst v63  }
0x1a8: {  	_ = 	snop  }
0x1a9: {  	[tilespmem:s9], [sflag:$0x3] =	stream.indirect_vreg.gather [hbm4b:s7+s4], $0x80, v4, vm0, $0xb8;
	[tilespmem:$0x10A00] =	vst v63  }
0x1aa: {  	_ = 	snop  }
0x1ab: {  	[tilespmem:s11], [sflag:$0x3] =	stream.indirect_vreg.gather [hbm4b:s8+s4], $0x80, v4, vm0, $0xb8;
	[tilespmem:$0x10A00] =	vst v63  }
0x1ac: {  	_ =	swait.ge [sflag:s23], $0x4000  }
0x1ad: {  	[sflag:s23] =	ssyncset.done $0x0  }
0x1ae: {  	s26 =	rddreg [dreg:$0xc];
	[sflag:s23] =	ssyncadd.s32 $0xFFFFC000  }
0x1af: {  	[hbm4b:s26+s4] =	stream.linear.scatter [tilespmem:s14], [sflag:$0x5], $0x4000, $0x38;
	[tilespmem:$0x10A00] =	vst v63  }
0x1b0: {  	_ =	swait.ge [sflag:s10], $0x4000  }
0x1b1: {  	[sflag:s10] =	ssyncset.done $0x0  }
0x1b2: {  	[sflag:s10] =	ssyncadd.s32 $0xFFFFC000  }
0x1b3: {  	v4 =	vld [tilespmem:$0x480];
	_ =	sdelay $0x4  }
0x1b4: {  	v5 =	vshll.u32 v4, $0x4  }
0x1b5: {  	v4 =	vand.u32 $0x7, v4;
	v5 =	vand.u32 $0xFFFFFF80, v5  }
0x1b6: {  	v4 =	vor.u32 v4, v5  }
0x1b7: {  	v5 =	vperm.xlane v4, v1;
	_ =	sdelay $0x1  }
0x1b8: {  	v5 =	vadd.s32 v2, v5;
	_ =	sdelay $0x4  }
0x1b9: {  	[tilespmem:s14], [sflag:$0x4] =	stream.indirect_vreg.gather [hbm4b:s2+s4], $0x80, v5, vm0, $0xb8;
	[tilespmem:$0x10A00] =	vst v63  }
0x1ba: {  	v4 =	vperm.xlane v4, v3  }
0x1bb: {  	[tilespmem:s13], [sflag:$0x4] =	stream.indirect_vreg.gather [hbm4b:s6+s4], $0x80, v5, vm0, $0xb8;
	[tilespmem:$0x10A00] =	vst v63  }
0x1bc: {  	v4 =	vadd.s32 v2, v4  }
0x1bd: {  	[tilespmem:s15], [sflag:$0x4] =	stream.indirect_vreg.gather [hbm4b:s7+s4], $0x80, v5, vm0, $0xb8;
	[tilespmem:$0x10A00] =	vst v63  }
0x1be: {  	_ = 	snop  }
0x1bf: {  	[tilespmem:s16], [sflag:$0x4] =	stream.indirect_vreg.gather [hbm4b:s8+s4], $0x80, v5, vm0, $0xb8;
	[tilespmem:$0x10A00] =	vst v63  }
0x1c0: {  	_ = 	snop  }
0x1c1: {  	[tilespmem:s17], [sflag:$0x4] =	stream.indirect_vreg.gather [hbm4b:s2+s4], $0x80, v4, vm0, $0xb8;
	[tilespmem:$0x10A00] =	vst v63  }
0x1c2: {  	_ = 	snop  }
0x1c3: {  	[tilespmem:s18], [sflag:$0x4] =	stream.indirect_vreg.gather [hbm4b:s6+s4], $0x80, v4, vm0, $0xb8;
	[tilespmem:$0x10A00] =	vst v63  }
0x1c4: {  	_ = 	snop  }
0x1c5: {  	[tilespmem:s19], [sflag:$0x4] =	stream.indirect_vreg.gather [hbm4b:s7+s4], $0x80, v4, vm0, $0xb8;
	[tilespmem:$0x10A00] =	vst v63  }
0x1c6: {  	_ = 	snop  }
0x1c7: {  	[tilespmem:s24], [sflag:$0x4] =	stream.indirect_vreg.gather [hbm4b:s8+s4], $0x80, v4, vm0, $0xb8;
	[tilespmem:$0x10A00] =	vst v63  }
0x1c8: {  	_ =	swait.ge [sflag:s12], $0x8000  }
0x1c9: {  	[sflag:s12] =	ssyncset.done $0x0  }
0x1ca: {  	s26 =	rddreg [dreg:$0xd];
	[sflag:s12] =	ssyncadd.s32 $0xFFFF8000  }
0x1cb: {  	[hbm4b:s26+s4] =	stream.linear.scatter [tilespmem:s30], [sflag:$0x2], $0x8000, $0x38;
	[tilespmem:$0x10A00] =	vst v63  }
0x1cc: {  	_ =	swait.ge [sflag:s22], $0x4000  }
0x1cd: {  	[sflag:s22] =	ssyncset.done $0x0  }
0x1ce: {  	s26 =	rddreg [dreg:$0xe];
	[sflag:s22] =	ssyncadd.s32 $0xFFFFC000  }
0x1cf: {  	[hbm4b:s26+s4] =	stream.linear.scatter [tilespmem:s28], [sflag:$0x5], $0x4000, $0x38;
	[tilespmem:$0x10A00] =	vst v63  }
0x1d0: {  	_ =	swait.ge [sflag:s10], $0x4000  }
0x1d1: {  	[sflag:s10] =	ssyncset.done $0x0  }
0x1d2: {  	[sflag:s10] =	ssyncadd.s32 $0xFFFFC000  }
0x1d3: {  	v4 =	vld [tilespmem:$0x500];
	_ =	sdelay $0x4  }
0x1d4: {  	v5 =	vshll.u32 v4, $0x4  }
0x1d5: {  	v4 =	vand.u32 $0x7, v4;
	v5 =	vand.u32 $0xFFFFFF80, v5  }
0x1d6: {  	v4 =	vor.u32 v4, v5  }
0x1d7: {  	v5 =	vperm.xlane v4, v1;
	_ =	sdelay $0x1  }
0x1d8: {  	v5 =	vadd.s32 v2, v5;
	_ =	sdelay $0x4  }
0x1d9: {  	[tilespmem:s28], [sflag:$0x3] =	stream.indirect_vreg.gather [hbm4b:s2+s4], $0x80, v5, vm0, $0xb8;
	[tilespmem:$0x10A00] =	vst v63  }
0x1da: {  	v4 =	vperm.xlane v4, v3  }
0x1db: {  	[tilespmem:s20], [sflag:$0x3] =	stream.indirect_vreg.gather [hbm4b:s6+s4], $0x80, v5, vm0, $0xb8;
	[tilespmem:$0x10A00] =	vst v63  }
0x1dc: {  	v4 =	vadd.s32 v2, v4  }
0x1dd: {  	[tilespmem:s21], [sflag:$0x3] =	stream.indirect_vreg.gather [hbm4b:s7+s4], $0x80, v5, vm0, $0xb8;
	[tilespmem:$0x10A00] =	vst v63  }
0x1de: {  	_ = 	snop  }
0x1df: {  	[tilespmem:s0], [sflag:$0x3] =	stream.indirect_vreg.gather [hbm4b:s8+s4], $0x80, v5, vm0, $0xb8;
	[tilespmem:$0x10A00] =	vst v63  }
0x1e0: {  	_ = 	snop  }
0x1e1: {  	[tilespmem:s3], [sflag:$0x3] =	stream.indirect_vreg.gather [hbm4b:s2+s4], $0x80, v4, vm0, $0xb8;
	[tilespmem:$0x10A00] =	vst v63  }
0x1e2: {  	_ = 	snop  }
0x1e3: {  	[tilespmem:s5], [sflag:$0x3] =	stream.indirect_vreg.gather [hbm4b:s6+s4], $0x80, v4, vm0, $0xb8;
	[tilespmem:$0x10A00] =	vst v63  }
0x1e4: {  	_ = 	snop  }
0x1e5: {  	[tilespmem:s9], [sflag:$0x3] =	stream.indirect_vreg.gather [hbm4b:s7+s4], $0x80, v4, vm0, $0xb8;
	[tilespmem:$0x10A00] =	vst v63  }
0x1e6: {  	_ = 	snop  }
0x1e7: {  	[tilespmem:s11], [sflag:$0x3] =	stream.indirect_vreg.gather [hbm4b:s8+s4], $0x80, v4, vm0, $0xb8;
	[tilespmem:$0x10A00] =	vst v63  }
0x1e8: {  	_ =	swait.ge [sflag:s23], $0x4000  }
0x1e9: {  	[sflag:s23] =	ssyncset.done $0x0  }
0x1ea: {  	s26 =	rddreg [dreg:$0xf];
	[sflag:s23] =	ssyncadd.s32 $0xFFFFC000  }
0x1eb: {  	[hbm4b:s26+s4] =	stream.linear.scatter [tilespmem:s14], [sflag:$0x5], $0x4000, $0x38;
	[tilespmem:$0x10A00] =	vst v63  }
0x1ec: {  	_ =	swait.ge [sflag:s10], $0x4000  }
0x1ed: {  	[sflag:s10] =	ssyncset.done $0x0  }
0x1ee: {  	[sflag:s10] =	ssyncadd.s32 $0xFFFFC000  }
0x1ef: {  	v4 =	vld [tilespmem:$0x580];
	_ =	sdelay $0x4  }
0x1f0: {  	v5 =	vshll.u32 v4, $0x4  }
0x1f1: {  	v4 =	vand.u32 $0x7, v4;
	v5 =	vand.u32 $0xFFFFFF80, v5  }
0x1f2: {  	v4 =	vor.u32 v4, v5  }
0x1f3: {  	v5 =	vperm.xlane v4, v1;
	_ =	sdelay $0x1  }
0x1f4: {  	v5 =	vadd.s32 v2, v5;
	_ =	sdelay $0x4  }
0x1f5: {  	[tilespmem:s14], [sflag:$0x4] =	stream.indirect_vreg.gather [hbm4b:s2+s4], $0x80, v5, vm0, $0xb8;
	[tilespmem:$0x10A00] =	vst v63  }
0x1f6: {  	v4 =	vperm.xlane v4, v3  }
0x1f7: {  	[tilespmem:s13], [sflag:$0x4] =	stream.indirect_vreg.gather [hbm4b:s6+s4], $0x80, v5, vm0, $0xb8;
	[tilespmem:$0x10A00] =	vst v63  }
0x1f8: {  	v4 =	vadd.s32 v2, v4  }
0x1f9: {  	[tilespmem:s15], [sflag:$0x4] =	stream.indirect_vreg.gather [hbm4b:s7+s4], $0x80, v5, vm0, $0xb8;
	[tilespmem:$0x10A00] =	vst v63  }
0x1fa: {  	_ = 	snop  }
0x1fb: {  	[tilespmem:s16], [sflag:$0x4] =	stream.indirect_vreg.gather [hbm4b:s8+s4], $0x80, v5, vm0, $0xb8;
	[tilespmem:$0x10A00] =	vst v63  }
0x1fc: {  	_ = 	snop  }
0x1fd: {  	[tilespmem:s17], [sflag:$0x4] =	stream.indirect_vreg.gather [hbm4b:s2+s4], $0x80, v4, vm0, $0xb8;
	[tilespmem:$0x10A00] =	vst v63  }
0x1fe: {  	_ = 	snop  }
0x1ff: {  	[tilespmem:s18], [sflag:$0x4] =	stream.indirect_vreg.gather [hbm4b:s6+s4], $0x80, v4, vm0, $0xb8;
	[tilespmem:$0x10A00] =	vst v63  }
0x200: {  	_ = 	snop  }
0x201: {  	[tilespmem:s19], [sflag:$0x4] =	stream.indirect_vreg.gather [hbm4b:s7+s4], $0x80, v4, vm0, $0xb8;
	[tilespmem:$0x10A00] =	vst v63  }
0x202: {  	_ = 	snop  }
0x203: {  	[tilespmem:s24], [sflag:$0x4] =	stream.indirect_vreg.gather [hbm4b:s8+s4], $0x80, v4, vm0, $0xb8;
	[tilespmem:$0x10A00] =	vst v63  }
0x204: {  	_ =	swait.ge [sflag:s22], $0x4000  }
0x205: {  	[sflag:s22] =	ssyncset.done $0x0  }
0x206: {  	s26 =	rddreg [dreg:$0x10];
	[sflag:s22] =	ssyncadd.s32 $0xFFFFC000  }
0x207: {  	[hbm4b:s26+s4] =	stream.linear.scatter [tilespmem:s28], [sflag:$0x5], $0x4000, $0x38;
	[tilespmem:$0x10A00] =	vst v63  }
0x208: {  	_ =	swait.ge [sflag:s10], $0x4000  }
0x209: {  	[sflag:s10] =	ssyncset.done $0x0  }
0x20a: {  	[sflag:s10] =	ssyncadd.s32 $0xFFFFC000  }
0x20b: {  	v4 =	vld [tilespmem:$0x600];
	_ =	sdelay $0x4  }
0x20c: {  	v5 =	vshll.u32 v4, $0x4  }
0x20d: {  	v4 =	vand.u32 $0x7, v4;
	v5 =	vand.u32 $0xFFFFFF80, v5  }
0x20e: {  	v4 =	vor.u32 v4, v5  }
0x20f: {  	v5 =	vperm.xlane v4, v1;
	_ =	sdelay $0x1  }
0x210: {  	v5 =	vadd.s32 v2, v5;
	_ =	sdelay $0x4  }
0x211: {  	[tilespmem:s28], [sflag:$0x3] =	stream.indirect_vreg.gather [hbm4b:s2+s4], $0x80, v5, vm0, $0xb8;
	[tilespmem:$0x10A00] =	vst v63  }
0x212: {  	v4 =	vperm.xlane v4, v3  }
0x213: {  	[tilespmem:s20], [sflag:$0x3] =	stream.indirect_vreg.gather [hbm4b:s6+s4], $0x80, v5, vm0, $0xb8;
	[tilespmem:$0x10A00] =	vst v63  }
0x214: {  	v4 =	vadd.s32 v2, v4  }
0x215: {  	[tilespmem:s21], [sflag:$0x3] =	stream.indirect_vreg.gather [hbm4b:s7+s4], $0x80, v5, vm0, $0xb8;
	[tilespmem:$0x10A00] =	vst v63  }
0x216: {  	_ = 	snop  }
0x217: {  	[tilespmem:s0], [sflag:$0x3] =	stream.indirect_vreg.gather [hbm4b:s8+s4], $0x80, v5, vm0, $0xb8;
	[tilespmem:$0x10A00] =	vst v63  }
0x218: {  	_ = 	snop  }
0x219: {  	[tilespmem:s3], [sflag:$0x3] =	stream.indirect_vreg.gather [hbm4b:s2+s4], $0x80, v4, vm0, $0xb8;
	[tilespmem:$0x10A00] =	vst v63  }
0x21a: {  	_ = 	snop  }
0x21b: {  	[tilespmem:s5], [sflag:$0x3] =	stream.indirect_vreg.gather [hbm4b:s6+s4], $0x80, v4, vm0, $0xb8;
	[tilespmem:$0x10A00] =	vst v63  }
0x21c: {  	_ = 	snop  }
0x21d: {  	[tilespmem:s9], [sflag:$0x3] =	stream.indirect_vreg.gather [hbm4b:s7+s4], $0x80, v4, vm0, $0xb8;
	[tilespmem:$0x10A00] =	vst v63  }
0x21e: {  	_ = 	snop  }
0x21f: {  	[tilespmem:s11], [sflag:$0x3] =	stream.indirect_vreg.gather [hbm4b:s8+s4], $0x80, v4, vm0, $0xb8;
	[tilespmem:$0x10A00] =	vst v63  }
0x220: {  	_ =	swait.ge [sflag:s23], $0x4000  }
0x221: {  	[sflag:s23] =	ssyncset.done $0x0  }
0x222: {  	s26 =	rddreg [dreg:$0x11];
	[sflag:s23] =	ssyncadd.s32 $0xFFFFC000  }
0x223: {  	[hbm4b:s26+s4] =	stream.linear.scatter [tilespmem:s14], [sflag:$0x5], $0x4000, $0x38;
	[tilespmem:$0x10A00] =	vst v63  }
0x224: {  	_ =	swait.ge [sflag:s10], $0x4000  }
0x225: {  	[sflag:s10] =	ssyncset.done $0x0  }
0x226: {  	[sflag:s10] =	ssyncadd.s32 $0xFFFFC000  }
0x227: {  	v4 =	vld [tilespmem:$0x680];
	_ =	sdelay $0x4  }
0x228: {  	v5 =	vshll.u32 v4, $0x4  }
0x229: {  	v4 =	vand.u32 $0x7, v4;
	v5 =	vand.u32 $0xFFFFFF80, v5  }
0x22a: {  	v4 =	vor.u32 v4, v5  }
0x22b: {  	v5 =	vperm.xlane v4, v1;
	_ =	sdelay $0x1  }
0x22c: {  	v5 =	vadd.s32 v2, v5;
	_ =	sdelay $0x4  }
0x22d: {  	[tilespmem:s14], [sflag:$0x4] =	stream.indirect_vreg.gather [hbm4b:s2+s4], $0x80, v5, vm0, $0xb8;
	[tilespmem:$0x10A00] =	vst v63  }
0x22e: {  	v4 =	vperm.xlane v4, v3  }
0x22f: {  	[tilespmem:s13], [sflag:$0x4] =	stream.indirect_vreg.gather [hbm4b:s6+s4], $0x80, v5, vm0, $0xb8;
	[tilespmem:$0x10A00] =	vst v63  }
0x230: {  	v4 =	vadd.s32 v2, v4  }
0x231: {  	[tilespmem:s15], [sflag:$0x4] =	stream.indirect_vreg.gather [hbm4b:s7+s4], $0x80, v5, vm0, $0xb8;
	[tilespmem:$0x10A00] =	vst v63  }
0x232: {  	_ = 	snop  }
0x233: {  	[tilespmem:s16], [sflag:$0x4] =	stream.indirect_vreg.gather [hbm4b:s8+s4], $0x80, v5, vm0, $0xb8;
	[tilespmem:$0x10A00] =	vst v63  }
0x234: {  	_ = 	snop  }
0x235: {  	[tilespmem:s17], [sflag:$0x4] =	stream.indirect_vreg.gather [hbm4b:s2+s4], $0x80, v4, vm0, $0xb8;
	[tilespmem:$0x10A00] =	vst v63  }
0x236: {  	_ = 	snop  }
0x237: {  	[tilespmem:s18], [sflag:$0x4] =	stream.indirect_vreg.gather [hbm4b:s6+s4], $0x80, v4, vm0, $0xb8;
	[tilespmem:$0x10A00] =	vst v63  }
0x238: {  	_ = 	snop  }
0x239: {  	[tilespmem:s19], [sflag:$0x4] =	stream.indirect_vreg.gather [hbm4b:s7+s4], $0x80, v4, vm0, $0xb8;
	[tilespmem:$0x10A00] =	vst v63  }
0x23a: {  	_ = 	snop  }
0x23b: {  	[tilespmem:s24], [sflag:$0x4] =	stream.indirect_vreg.gather [hbm4b:s8+s4], $0x80, v4, vm0, $0xb8;
	[tilespmem:$0x10A00] =	vst v63  }
0x23c: {  	_ =	swait.ge [sflag:s22], $0x4000  }
0x23d: {  	[sflag:s22] =	ssyncset.done $0x0  }
0x23e: {  	s26 =	rddreg [dreg:$0x12];
	[sflag:s22] =	ssyncadd.s32 $0xFFFFC000  }
0x23f: {  	[hbm4b:s26+s4] =	stream.linear.scatter [tilespmem:s28], [sflag:$0x5], $0x4000, $0x38;
	[tilespmem:$0x10A00] =	vst v63  }
0x240: {  	_ =	swait.ge [sflag:s10], $0x4000  }
0x241: {  	[sflag:s10] =	ssyncset.done $0x0  }
0x242: {  	[sflag:s10] =	ssyncadd.s32 $0xFFFFC000  }
0x243: {  	v4 =	vld [tilespmem:$0x700];
	_ =	sdelay $0x4  }
0x244: {  	v5 =	vshll.u32 v4, $0x4  }
0x245: {  	v4 =	vand.u32 $0x7, v4;
	v5 =	vand.u32 $0xFFFFFF80, v5  }
0x246: {  	v4 =	vor.u32 v4, v5  }
0x247: {  	v5 =	vperm.xlane v4, v1;
	_ =	sdelay $0x1  }
0x248: {  	v5 =	vadd.s32 v2, v5;
	_ =	sdelay $0x4  }
0x249: {  	[tilespmem:s28], [sflag:$0x3] =	stream.indirect_vreg.gather [hbm4b:s2+s4], $0x80, v5, vm0, $0xb8;
	[tilespmem:$0x10A00] =	vst v63  }
0x24a: {  	v4 =	vperm.xlane v4, v3  }
0x24b: {  	[tilespmem:s20], [sflag:$0x3] =	stream.indirect_vreg.gather [hbm4b:s6+s4], $0x80, v5, vm0, $0xb8;
	[tilespmem:$0x10A00] =	vst v63  }
0x24c: {  	v4 =	vadd.s32 v2, v4  }
0x24d: {  	[tilespmem:s21], [sflag:$0x3] =	stream.indirect_vreg.gather [hbm4b:s7+s4], $0x80, v5, vm0, $0xb8;
	[tilespmem:$0x10A00] =	vst v63  }
0x24e: {  	_ = 	snop  }
0x24f: {  	[tilespmem:s0], [sflag:$0x3] =	stream.indirect_vreg.gather [hbm4b:s8+s4], $0x80, v5, vm0, $0xb8;
	[tilespmem:$0x10A00] =	vst v63  }
0x250: {  	_ = 	snop  }
0x251: {  	[tilespmem:s3], [sflag:$0x3] =	stream.indirect_vreg.gather [hbm4b:s2+s4], $0x80, v4, vm0, $0xb8;
	[tilespmem:$0x10A00] =	vst v63  }
0x252: {  	_ = 	snop  }
0x253: {  	[tilespmem:s5], [sflag:$0x3] =	stream.indirect_vreg.gather [hbm4b:s6+s4], $0x80, v4, vm0, $0xb8;
	[tilespmem:$0x10A00] =	vst v63  }
0x254: {  	_ = 	snop  }
0x255: {  	[tilespmem:s9], [sflag:$0x3] =	stream.indirect_vreg.gather [hbm4b:s7+s4], $0x80, v4, vm0, $0xb8;
	[tilespmem:$0x10A00] =	vst v63  }
0x256: {  	_ = 	snop  }
0x257: {  	[tilespmem:s11], [sflag:$0x3] =	stream.indirect_vreg.gather [hbm4b:s8+s4], $0x80, v4, vm0, $0xb8;
	[tilespmem:$0x10A00] =	vst v63  }
0x258: {  	_ =	swait.ge [sflag:s23], $0x4000  }
0x259: {  	[sflag:s23] =	ssyncset.done $0x0  }
0x25a: {  	s26 =	rddreg [dreg:$0x13];
	[sflag:s23] =	ssyncadd.s32 $0xFFFFC000  }
0x25b: {  	[hbm4b:s26+s4] =	stream.linear.scatter [tilespmem:s14], [sflag:$0x5], $0x4000, $0x38;
	[tilespmem:$0x10A00] =	vst v63  }
0x25c: {  	_ =	swait.ge [sflag:s10], $0x4000  }
0x25d: {  	[sflag:s10] =	ssyncset.done $0x0  }
0x25e: {  	[sflag:s10] =	ssyncadd.s32 $0xFFFFC000  }
0x25f: {  	v4 =	vld [tilespmem:$0x780];
	_ =	sdelay $0x4  }
0x260: {  	v5 =	vshll.u32 v4, $0x4  }
0x261: {  	v4 =	vand.u32 $0x7, v4;
	v5 =	vand.u32 $0xFFFFFF80, v5  }
0x262: {  	v4 =	vor.u32 v4, v5  }
0x263: {  	v5 =	vperm.xlane v4, v1;
	_ =	sdelay $0x1  }
0x264: {  	v5 =	vadd.s32 v2, v5;
	_ =	sdelay $0x4  }
0x265: {  	[tilespmem:s14], [sflag:$0x4] =	stream.indirect_vreg.gather [hbm4b:s2+s4], $0x80, v5, vm0, $0xb8;
	[tilespmem:$0x10A00] =	vst v63  }
0x266: {  	v4 =	vperm.xlane v4, v3  }
0x267: {  	[tilespmem:s13], [sflag:$0x4] =	stream.indirect_vreg.gather [hbm4b:s6+s4], $0x80, v5, vm0, $0xb8;
	[tilespmem:$0x10A00] =	vst v63  }
0x268: {  	v4 =	vadd.s32 v2, v4  }
0x269: {  	[tilespmem:s15], [sflag:$0x4] =	stream.indirect_vreg.gather [hbm4b:s7+s4], $0x80, v5, vm0, $0xb8;
	[tilespmem:$0x10A00] =	vst v63  }
0x26a: {  	_ = 	snop  }
0x26b: {  	[tilespmem:s16], [sflag:$0x4] =	stream.indirect_vreg.gather [hbm4b:s8+s4], $0x80, v5, vm0, $0xb8;
	[tilespmem:$0x10A00] =	vst v63  }
0x26c: {  	_ = 	snop  }
0x26d: {  	[tilespmem:s17], [sflag:$0x4] =	stream.indirect_vreg.gather [hbm4b:s2+s4], $0x80, v4, vm0, $0xb8;
	[tilespmem:$0x10A00] =	vst v63  }
0x26e: {  	_ = 	snop  }
0x26f: {  	[tilespmem:s18], [sflag:$0x4] =	stream.indirect_vreg.gather [hbm4b:s6+s4], $0x80, v4, vm0, $0xb8;
	[tilespmem:$0x10A00] =	vst v63  }
0x270: {  	_ = 	snop  }
0x271: {  	[tilespmem:s19], [sflag:$0x4] =	stream.indirect_vreg.gather [hbm4b:s7+s4], $0x80, v4, vm0, $0xb8;
	[tilespmem:$0x10A00] =	vst v63  }
0x272: {  	_ = 	snop  }
0x273: {  	[tilespmem:s24], [sflag:$0x4] =	stream.indirect_vreg.gather [hbm4b:s8+s4], $0x80, v4, vm0, $0xb8;
	[tilespmem:$0x10A00] =	vst v63  }
0x274: {  	_ =	swait.ge [sflag:s22], $0x4000  }
0x275: {  	[sflag:s22] =	ssyncset.done $0x0  }
0x276: {  	s26 =	rddreg [dreg:$0x14];
	[sflag:s22] =	ssyncadd.s32 $0xFFFFC000  }
0x277: {  	[hbm4b:s26+s4] =	stream.linear.scatter [tilespmem:s28], [sflag:$0x5], $0x4000, $0x38;
	[tilespmem:$0x10A00] =	vst v63  }
0x278: {  	_ =	swait.ge [sflag:s10], $0x4000  }
0x279: {  	[sflag:s10] =	ssyncset.done $0x0  }
0x27a: {  	[sflag:s10] =	ssyncadd.s32 $0xFFFFC000  }
0x27b: {  	v4 =	vld [tilespmem:$0x800];
	_ =	sdelay $0x4  }
0x27c: {  	v5 =	vshll.u32 v4, $0x4  }
0x27d: {  	v4 =	vand.u32 $0x7, v4;
	v5 =	vand.u32 $0xFFFFFF80, v5  }
0x27e: {  	v4 =	vor.u32 v4, v5  }
0x27f: {  	v5 =	vperm.xlane v4, v1;
	_ =	sdelay $0x1  }
0x280: {  	v5 =	vadd.s32 v2, v5;
	_ =	sdelay $0x4  }
0x281: {  	[tilespmem:s28], [sflag:$0x3] =	stream.indirect_vreg.gather [hbm4b:s2+s4], $0x80, v5, vm0, $0xb8;
	[tilespmem:$0x10A00] =	vst v63  }
0x282: {  	v4 =	vperm.xlane v4, v3  }
0x283: {  	[tilespmem:s20], [sflag:$0x3] =	stream.indirect_vreg.gather [hbm4b:s6+s4], $0x80, v5, vm0, $0xb8;
	[tilespmem:$0x10A00] =	vst v63  }
0x284: {  	v4 =	vadd.s32 v2, v4  }
0x285: {  	[tilespmem:s21], [sflag:$0x3] =	stream.indirect_vreg.gather [hbm4b:s7+s4], $0x80, v5, vm0, $0xb8;
	[tilespmem:$0x10A00] =	vst v63  }
0x286: {  	_ = 	snop  }
0x287: {  	[tilespmem:s0], [sflag:$0x3] =	stream.indirect_vreg.gather [hbm4b:s8+s4], $0x80, v5, vm0, $0xb8;
	[tilespmem:$0x10A00] =	vst v63  }
0x288: {  	_ = 	snop  }
0x289: {  	[tilespmem:s3], [sflag:$0x3] =	stream.indirect_vreg.gather [hbm4b:s2+s4], $0x80, v4, vm0, $0xb8;
	[tilespmem:$0x10A00] =	vst v63  }
0x28a: {  	_ = 	snop  }
0x28b: {  	[tilespmem:s5], [sflag:$0x3] =	stream.indirect_vreg.gather [hbm4b:s6+s4], $0x80, v4, vm0, $0xb8;
	[tilespmem:$0x10A00] =	vst v63  }
0x28c: {  	_ = 	snop  }
0x28d: {  	[tilespmem:s9], [sflag:$0x3] =	stream.indirect_vreg.gather [hbm4b:s7+s4], $0x80, v4, vm0, $0xb8;
	[tilespmem:$0x10A00] =	vst v63  }
0x28e: {  	_ = 	snop  }
0x28f: {  	[tilespmem:s11], [sflag:$0x3] =	stream.indirect_vreg.gather [hbm4b:s8+s4], $0x80, v4, vm0, $0xb8;
	[tilespmem:$0x10A00] =	vst v63  }
0x290: {  	_ =	swait.ge [sflag:s23], $0x4000  }
0x291: {  	[sflag:s23] =	ssyncset.done $0x0  }
0x292: {  	s0 =	rddreg [dreg:$0x15];
	[sflag:s23] =	ssyncadd.s32 $0xFFFFC000  }
0x293: {  	[hbm4b:s0+s4] =	stream.linear.scatter [tilespmem:s14], [sflag:$0x5], $0x4000, $0x38;
	[tilespmem:$0x10A00] =	vst v63  }
0x294: {  	_ =	swait.ge [sflag:s10], $0x4000  }
0x295: {  	[sflag:s10] =	ssyncset.done $0x0  }
0x296: {  	[sflag:s10] =	ssyncadd.s32 $0xFFFFC000  }
0x297: {  	v4 =	vld [tilespmem:$0x880];
	_ =	sdelay $0x4  }
0x298: {  	v5 =	vshll.u32 v4, $0x4  }
0x299: {  	v4 =	vand.u32 $0x7, v4;
	v5 =	vand.u32 $0xFFFFFF80, v5  }
0x29a: {  	v4 =	vor.u32 v4, v5  }
0x29b: {  	v5 =	vperm.xlane v4, v1;
	_ =	sdelay $0x1  }
0x29c: {  	v5 =	vadd.s32 v2, v5;
	_ =	sdelay $0x4  }
0x29d: {  	[tilespmem:s14], [sflag:$0x4] =	stream.indirect_vreg.gather [hbm4b:s2+s4], $0x80, v5, vm0, $0xb8;
	[tilespmem:$0x10A00] =	vst v63  }
0x29e: {  	v4 =	vperm.xlane v4, v3  }
0x29f: {  	[tilespmem:s13], [sflag:$0x4] =	stream.indirect_vreg.gather [hbm4b:s6+s4], $0x80, v5, vm0, $0xb8;
	[tilespmem:$0x10A00] =	vst v63  }
0x2a0: {  	v4 =	vadd.s32 v2, v4  }
0x2a1: {  	[tilespmem:s15], [sflag:$0x4] =	stream.indirect_vreg.gather [hbm4b:s7+s4], $0x80, v5, vm0, $0xb8;
	[tilespmem:$0x10A00] =	vst v63  }
0x2a2: {  	_ = 	snop  }
0x2a3: {  	[tilespmem:s16], [sflag:$0x4] =	stream.indirect_vreg.gather [hbm4b:s8+s4], $0x80, v5, vm0, $0xb8;
	[tilespmem:$0x10A00] =	vst v63  }
0x2a4: {  	_ = 	snop  }
0x2a5: {  	[tilespmem:s17], [sflag:$0x4] =	stream.indirect_vreg.gather [hbm4b:s2+s4], $0x80, v4, vm0, $0xb8;
	[tilespmem:$0x10A00] =	vst v63  }
0x2a6: {  	_ = 	snop  }
0x2a7: {  	[tilespmem:s18], [sflag:$0x4] =	stream.indirect_vreg.gather [hbm4b:s6+s4], $0x80, v4, vm0, $0xb8;
	[tilespmem:$0x10A00] =	vst v63  }
0x2a8: {  	_ = 	snop  }
0x2a9: {  	[tilespmem:s19], [sflag:$0x4] =	stream.indirect_vreg.gather [hbm4b:s7+s4], $0x80, v4, vm0, $0xb8;
	[tilespmem:$0x10A00] =	vst v63  }
0x2aa: {  	_ = 	snop  }
0x2ab: {  	[tilespmem:s24], [sflag:$0x4] =	stream.indirect_vreg.gather [hbm4b:s8+s4], $0x80, v4, vm0, $0xb8;
	[tilespmem:$0x10A00] =	vst v63  }
0x2ac: {  	_ =	swait.ge [sflag:s22], $0x4000  }
0x2ad: {  	[sflag:s22] =	ssyncset.done $0x0  }
0x2ae: {  	s0 =	rddreg [dreg:$0x16];
	[sflag:s22] =	ssyncadd.s32 $0xFFFFC000  }
0x2af: {  	[hbm4b:s0+s4] =	stream.linear.scatter [tilespmem:s28], [sflag:$0x5], $0x4000, $0x38;
	[tilespmem:$0x10A00] =	vst v63  }
0x2b0: {  	_ =	swait.ge [sflag:s10], $0x4000  }
0x2b1: {  	[sflag:s10] =	ssyncset.done $0x0  }
0x2b2: {  	[sflag:s10] =	ssyncadd.s32 $0xFFFFC000  }
0x2b3: {  	_ =	swait.ge [sflag:s23], $0x4000  }
0x2b4: {  	[sflag:s23] =	ssyncset.done $0x0  }
0x2b5: {  	s0 =	rddreg [dreg:$0x17];
	[sflag:s23] =	ssyncadd.s32 $0xFFFFC000  }
0x2b6: {  	[hbm4b:s0+s4] =	stream.linear.scatter [tilespmem:s14], [sflag:$0x5], $0x4000, $0x38;
	[tilespmem:$0x10A00] =	vst v63  }
0x2b7: {  	p0 =	sne.s32 s29, $0x1;
	_ =	swait.ge [sflag:s10], $0x4000  }
.Ltmp0:
0x2b8: {  	[sflag:s10] =	ssyncset.done $0x0;
	(pc) =	sbr.rel @p0 .LBB2_1-.Ltmp0, $4  }
0x2b9: {  	[sflag:s10] =	ssyncadd.s32 $0xFFFFC000  }
0x2ba: {  	_ =	swait.ge [sflag:s25], $0x8000  }
0x2bb: {  	[sflag:s25] =	ssyncset.done $0x0  }
0x2bc: {  	s29 =	sadd.s32 $0xFFFFFFFF, s29;
	[sflag:s25] =	ssyncadd.s32 $0xFFFF8000  }
0x2bd: {  	_ =	sfence.sel $0x180000  }
0x2be: {  	[bflag:$0x0] =	sbarrier.arrive $0xFFFF  }
0x2bf: {  	_ =	strace $0x90000047  }
0x2c0: {  	s0 =	stileid.u32;
	[bflag:$0x2] =	sbarrier.arrive $0xFFFF  }
0x2c1: {  	p0 =	sne.s32 s0, $0x0;
	s0 =	rddreg [dreg:$0x5]  }
0x2c2: {  	s0 =	sadd.s32 @!p0 $0x100000, s0  }
0x2c3: {  	[sflag:s0] =	ssyncadd.tile.s32 @!p0 $0x1;
	_ =	shalt  }
.Lfunc_end2:
_tile_overlayer_lowered:
.L_overlay_start_2:
0x2c4: {  	(tag) =	ssettag $0x2  }
0x2c5: {  	s0 =	rddreg [dreg:$0x0];
	s2 =	stileid.u32  }
0x2c6: {  	s1 =	rddreg [dreg:$0x1];
	p0 =	sne.s32 s2, $0x0  }
0x2c7: {  	s3 =	rddreg [dreg:$0x2];
	[bflag:$0x3] =	sbarrier.arrive $0xFFFF;
	s2 =	simm.s32 @!p0 $0x1C05  }
0x2c8: {  	[timem:s3], [sflag:s2] =	dma.local @!p0 [hbm:s0], s1  }
0x2c9: {  	s0 =	simm.s32 @!p0 $0x5  }
0x2ca: {  	_ =	swait.ge @!p0 [sflag:s0], s1  }
0x2cb: {  	s1 =	ssub.s32 @!p0 $0x0, s1;
	[sflag:s0] =	ssyncset.done @!p0 $0x0  }
0x2cc: {  	[sflag:s0] =	ssyncadd.s32 @!p0 s1  }
0x2cd: {  	[bflag:$0x3] =	sbarrier.arrive $0xFFFF  }
0x2ce: {  	_ =	shalt  }

</sc_bundles>
